<compile_context>
chip_gen: v7x
topology: tpu7x:2x2x1
jax: 0.10.2.dev20260603
libtpu: 0.0.44.dev20260713+nightly
codegen_flags: <defaults>
</compile_context>

<pallas_src>
import functools

import jax
import jax.numpy as jnp
from jax import lax
from jax.experimental import pallas as pl
from jax.experimental.pallas import tpu as pltpu
from jax.experimental.pallas import tpu_sc as plsc

L = 16
NC = 2
NS = 16
NW = NC * NS
JB = 8
D = 5


def _sc_body(B, S, x_hbm, tab_hbm, out_hbm, tab_v, x_v, out_v,
             sin0, sin1, sout0, sout1):
  wid = lax.axis_index("s") * NC + lax.axis_index("c")
  ib = B // NW
  i0 = wid * ib
  n_chunks = S // JB
  sins = (sin0, sin1)
  souts = (sout0, sout1)

  def in_cp(g, b):
    return pltpu.make_async_copy(
        x_hbm.at[pl.ds(g * JB, JB), pl.ds(i0, ib)], x_v.at[b], sins[b])

  in_cp(0, 0).start()

  pltpu.sync_copy(tab_hbm, tab_v)
  splats = [[tab_v[pl.ds(v * L, L)].at[jnp.full((L,), k, jnp.int32)].get(
      mode="promise_in_bounds") for k in range(D)] for v in range(3)]

  def out_cp(g, b):
    return pltpu.make_async_copy(
        out_v.at[b], out_hbm.at[:, pl.ds(g * JB, JB), pl.ds(i0, ib)],
        souts[b])

  def compute(b):
    def it_body(l, c):
      for j in range(JB):
        xv = x_v[b, j, pl.ds(l * L, L)]
        m0 = xv == 0
        m1 = xv == 1
        for k in range(D):
          val = jnp.where(m0, splats[0][k],
                          jnp.where(m1, splats[1][k], splats[2][k]))
          out_v[b, k, j, pl.ds(l * L, L)] = val
      return c

    lax.fori_loop(0, ib // L, it_body, 0)

  def pair_body(p, carry):
    for b in range(2):
      g = 2 * p + b

      @pl.when(g + 1 < n_chunks)
      def _():
        in_cp(g + 1, 1 - b).start()

      in_cp(g, b).wait()

      @pl.when(g >= 2)
      def _():
        out_cp(g - 2, b).wait()

      compute(b)
      out_cp(g, b).start()
    return carry

  lax.fori_loop(0, n_chunks // 2, pair_body, 0)

  if n_chunks % 2:
    g = n_chunks - 1
    in_cp(g, 0).wait()
    out_cp(g - 2, 0).wait()
    compute(0)
    out_cp(g, 0).start()
  out_cp(n_chunks - 2, (n_chunks - 2) % 2).wait()
  out_cp(n_chunks - 1, (n_chunks - 1) % 2).wait()


def kernel(x, table):
  B, S = x.shape
  assert B % (NW * L) == 0 and S % JB == 0
  ib = B // NW

  x_t = x.astype(jnp.int32).T
  tab_pad = jnp.pad(table, ((0, 0), (0, L - D))).reshape(-1)

  mesh = plsc.VectorSubcoreMesh(core_axis_name="c", subcore_axis_name="s")
  out_t = pl.kernel(
      functools.partial(_sc_body, B, S),
      out_type=jax.ShapeDtypeStruct((D, S, B), jnp.float32),
      mesh=mesh,
      scratch_types=[
          pltpu.VMEM((3 * L,), jnp.float32),
          pltpu.VMEM((2, JB, ib), jnp.int32),
          pltpu.VMEM((2, D, JB, ib), jnp.float32),
          pltpu.SemaphoreType.DMA,
          pltpu.SemaphoreType.DMA,
          pltpu.SemaphoreType.DMA,
          pltpu.SemaphoreType.DMA,
      ],
  )(x_t, tab_pad)
  return jnp.transpose(out_t, (2, 1, 0))

# --- scband reference (transcript-rebuilt; emitter-appended) ---
"""Pipeline reference for scband-net-65721589563812 (READ-ONLY COPY).

The authoritative reference and input builder live on the scoring server;
editing this copy changes nothing except your own understanding.
"""

import jax, jax.numpy as jnp
import numpy as np


def setup_inputs(seed: int = 0) -> dict:
    key = jax.random.key(seed)
    k1, k2 = jax.random.split(key)
    x = jax.random.randint(k1, (16384, 200), 0, 3, dtype=jnp.int64) if jax.config.jax_enable_x64 else jax.random.randint(k1, (16384, 200), 0, 3, dtype=jnp.int32)
    table = jax.random.normal(k2, (3, 5), dtype=jnp.float32)
    return {"x": x, "table": table}


def reference(x, table):
    # Faithful translation of nn.Embedding(3, 5) lookup: out = table[x]
    return jnp.take(table, x, axis=0)

if __name__ == "__main__":
    import jax
    _d = setup_inputs()
    print(jax.jit(kernel)(*tuple(_d.values())))

</pallas_src>

<mosaic_0001>
#map = affine_map<(d0, d1) -> (0, 0)>
#map1 = affine_map<(d0, d1) -> (0)>
#map2 = affine_map<(d0, d1) -> (0, 0, 0)>
module attributes {stable_mosaic.version = 14 : i64} {
  func.func @_sc_body(%arg0: i32, %arg1: i32, %arg2: memref<200x16384xi32, #tpu.memory_space<hbm>>, %arg3: memref<48xf32, #tpu.memory_space<hbm>>, %arg4: memref<5x200x16384xf32, #tpu.memory_space<hbm>>, %arg5: memref<48xf32, #tpu.memory_space<vmem>>, %arg6: memref<2x8x512xi32, #tpu.memory_space<vmem>>, %arg7: memref<2x5x8x512xf32, #tpu.memory_space<vmem>>, %arg8: memref<!tpu.dma_semaphore, #tpu.memory_space<semaphore_mem>>, %arg9: memref<!tpu.dma_semaphore, #tpu.memory_space<semaphore_mem>>, %arg10: memref<!tpu.dma_semaphore, #tpu.memory_space<semaphore_mem>>, %arg11: memref<!tpu.dma_semaphore, #tpu.memory_space<semaphore_mem>>) attributes {dimension_semantics = [#tpu.dimension_semantics<core_parallel>, #tpu.dimension_semantics<subcore_parallel>], iteration_bounds = array<i64: 2, 16>, scalar_prefetch = 0 : i64, scratch_operands = 7 : i64, tpu.core_type = #tpu.core_type<sc_vector_subcore>, window_params = [{transform_indices = #map}, {transform_indices = #map1}, {transform_indices = #map2}]} {
    %mul3A = arith.constant 2 : i32
    %mul3A_0 = arith.muli %arg1, %mul3A : i32
    %add3A = arith.addi %mul3A_0, %arg0 : i32
    %mul3A_1 = arith.constant 512 : i32
    %mul3A_2 = arith.muli %add3A, %mul3A_1 : i32
    %dma_start3A = arith.constant 0 : i32
    %dma_start3A_3 = arith.constant 0 : i32
    %dma_start3A_4 = arith.constant 0 : i32
    %dma_start3A_5 = tpu.memref_slice %arg6[%dma_start3A, %dma_start3A_3, %dma_start3A_4] : memref<2x8x512xi32, #tpu.memory_space<vmem>> -> memref<1x8x512xi32, #tpu.memory_space<vmem>>
    %dma_start3A_6 = tpu.memref_squeeze %dma_start3A_5 : memref<1x8x512xi32, #tpu.memory_space<vmem>> -> memref<8x512xi32, #tpu.memory_space<vmem>>
    %dma_start3A_7 = arith.constant 0 : i32
    %dma_start3A_8 = tpu.memref_slice %arg2[%dma_start3A_7, %mul3A_2] : memref<200x16384xi32, #tpu.memory_space<hbm>> -> memref<8x512xi32, #tpu.memory_space<hbm>>
    %dma_start3A_9 = arith.constant 0 : i32
    %dma_start3A_10 = arith.constant 0 : i32
    %dma_start3A_11 = tpu.memref_slice %arg6[%dma_start3A, %dma_start3A_9, %dma_start3A_10] : memref<2x8x512xi32, #tpu.memory_space<vmem>> -> memref<1x8x512xi32, #tpu.memory_space<vmem>>
    %dma_start3A_12 = tpu.memref_squeeze %dma_start3A_11 : memref<1x8x512xi32, #tpu.memory_space<vmem>> -> memref<8x512xi32, #tpu.memory_space<vmem>>
    %dma_start3A_13 = arith.constant 0 : i32
    %dma_start3A_14 = tpu.memref_slice %arg2[%dma_start3A_13, %mul3A_2] : memref<200x16384xi32, #tpu.memory_space<hbm>> -> memref<8x512xi32, #tpu.memory_space<hbm>>
    tpu.enqueue_dma source(%dma_start3A_14 : memref<8x512xi32, #tpu.memory_space<hbm>>) target(%dma_start3A_12 : memref<8x512xi32, #tpu.memory_space<vmem>>) target_semaphore(%arg8 : memref<!tpu.dma_semaphore, #tpu.memory_space<semaphore_mem>>)
    "tpu.region"() ({
      %run_scoped3A = tpu.sem_alloc : memref<!tpu.dma_semaphore, #tpu.memory_space<semaphore_mem>>
      tpu.enqueue_dma source(%arg3 : memref<48xf32, #tpu.memory_space<hbm>>) target(%arg5 : memref<48xf32, #tpu.memory_space<vmem>>) target_semaphore(%run_scoped3A : memref<!tpu.dma_semaphore, #tpu.memory_space<semaphore_mem>>)
      tpu.wait_dma2 semaphore(%run_scoped3A : memref<!tpu.dma_semaphore, #tpu.memory_space<semaphore_mem>>) src(%arg3 : memref<48xf32, #tpu.memory_space<hbm>>) dst(%arg5 : memref<48xf32, #tpu.memory_space<vmem>>)
      tpu.yield
    }) : () -> ()
    %get3A = arith.constant 0 : index
    %get3A_15 = tpu.vector_load %arg5[%get3A] {strides = array<i32>} : memref<48xf32, #tpu.memory_space<vmem>>, vector<16xf32>,
    %get3A_16 = vector.shape_cast %get3A_15 : vector<16xf32> to vector<16xf32>
    %broadcast_in_dim3A = arith.constant 0 : i32
    %broadcast_in_dim3A_17 = vector.broadcast %broadcast_in_dim3A : i32 to vector<16xi32>
    %lt3A = arith.constant 0 : i32
    %lt3A_18 = vector.broadcast %lt3A : i32 to vector<16xi32>
    %lt3A_19 = arith.cmpi slt, %broadcast_in_dim3A_17, %lt3A_18 : vector<16xi32>
    %add3A_20 = arith.constant 16 : i32
    %add3A_21 = vector.broadcast %add3A_20 : i32 to vector<16xi32>
    %add3A_22 = arith.addi %broadcast_in_dim3A_17, %add3A_21 : vector<16xi32>
    %select_n3A = arith.select %lt3A_19, %add3A_22, %broadcast_in_dim3A_17 : vector<16xi1>, vector<16xi32>
    %broadcast_in_dim3A_23 = vector.shape_cast %select_n3A : vector<16xi32> to vector<16x1xi32>
    %gather3A = vector.shape_cast %broadcast_in_dim3A_23 : vector<16x1xi32> to vector<16xi32>
    %gather3A_24 = tpu.dynamic_gather %get3A_16[%gather3A] in [0] : vector<16xf32>, vector<16xi32> -> vector<16xf32>
    %get3A_25 = arith.constant 0 : index
    %get3A_26 = tpu.vector_load %arg5[%get3A_25] {strides = array<i32>} : memref<48xf32, #tpu.memory_space<vmem>>, vector<16xf32>,
    %get3A_27 = vector.shape_cast %get3A_26 : vector<16xf32> to vector<16xf32>
    %broadcast_in_dim3A_28 = arith.constant 1 : i32
    %broadcast_in_dim3A_29 = vector.broadcast %broadcast_in_dim3A_28 : i32 to vector<16xi32>
    %lt3A_30 = arith.constant 0 : i32
    %lt3A_31 = vector.broadcast %lt3A_30 : i32 to vector<16xi32>
    %lt3A_32 = arith.cmpi slt, %broadcast_in_dim3A_29, %lt3A_31 : vector<16xi32>
    %add3A_33 = arith.constant 16 : i32
    %add3A_34 = vector.broadcast %add3A_33 : i32 to vector<16xi32>
    %add3A_35 = arith.addi %broadcast_in_dim3A_29, %add3A_34 : vector<16xi32>
    %select_n3A_36 = arith.select %lt3A_32, %add3A_35, %broadcast_in_dim3A_29 : vector<16xi1>, vector<16xi32>
    %broadcast_in_dim3A_37 = vector.shape_cast %select_n3A_36 : vector<16xi32> to vector<16x1xi32>
    %gather3A_38 = vector.shape_cast %broadcast_in_dim3A_37 : vector<16x1xi32> to vector<16xi32>
    %gather3A_39 = tpu.dynamic_gather %get3A_27[%gather3A_38] in [0] : vector<16xf32>, vector<16xi32> -> vector<16xf32>
    %get3A_40 = arith.constant 0 : index
    %get3A_41 = tpu.vector_load %arg5[%get3A_40] {strides = array<i32>} : memref<48xf32, #tpu.memory_space<vmem>>, vector<16xf32>,
    %get3A_42 = vector.shape_cast %get3A_41 : vector<16xf32> to vector<16xf32>
    %broadcast_in_dim3A_43 = arith.constant 2 : i32
    %broadcast_in_dim3A_44 = vector.broadcast %broadcast_in_dim3A_43 : i32 to vector<16xi32>
    %lt3A_45 = arith.constant 0 : i32
    %lt3A_46 = vector.broadcast %lt3A_45 : i32 to vector<16xi32>
    %lt3A_47 = arith.cmpi slt, %broadcast_in_dim3A_44, %lt3A_46 : vector<16xi32>
    %add3A_48 = arith.constant 16 : i32
    %add3A_49 = vector.broadcast %add3A_48 : i32 to vector<16xi32>
    %add3A_50 = arith.addi %broadcast_in_dim3A_44, %add3A_49 : vector<16xi32>
    %select_n3A_51 = arith.select %lt3A_47, %add3A_50, %broadcast_in_dim3A_44 : vector<16xi1>, vector<16xi32>
    %broadcast_in_dim3A_52 = vector.shape_cast %select_n3A_51 : vector<16xi32> to vector<16x1xi32>
    %gather3A_53 = vector.shape_cast %broadcast_in_dim3A_52 : vector<16x1xi32> to vector<16xi32>
    %gather3A_54 = tpu.dynamic_gather %get3A_42[%gather3A_53] in [0] : vector<16xf32>, vector<16xi32> -> vector<16xf32>
    %get3A_55 = arith.constant 0 : index
    %get3A_56 = tpu.vector_load %arg5[%get3A_55] {strides = array<i32>} : memref<48xf32, #tpu.memory_space<vmem>>, vector<16xf32>,
    %get3A_57 = vector.shape_cast %get3A_56 : vector<16xf32> to vector<16xf32>
    %broadcast_in_dim3A_58 = arith.constant 3 : i32
    %broadcast_in_dim3A_59 = vector.broadcast %broadcast_in_dim3A_58 : i32 to vector<16xi32>
    %lt3A_60 = arith.constant 0 : i32
    %lt3A_61 = vector.broadcast %lt3A_60 : i32 to vector<16xi32>
    %lt3A_62 = arith.cmpi slt, %broadcast_in_dim3A_59, %lt3A_61 : vector<16xi32>
    %add3A_63 = arith.constant 16 : i32
    %add3A_64 = vector.broadcast %add3A_63 : i32 to vector<16xi32>
    %add3A_65 = arith.addi %broadcast_in_dim3A_59, %add3A_64 : vector<16xi32>
    %select_n3A_66 = arith.select %lt3A_62, %add3A_65, %broadcast_in_dim3A_59 : vector<16xi1>, vector<16xi32>
    %broadcast_in_dim3A_67 = vector.shape_cast %select_n3A_66 : vector<16xi32> to vector<16x1xi32>
    %gather3A_68 = vector.shape_cast %broadcast_in_dim3A_67 : vector<16x1xi32> to vector<16xi32>
    %gather3A_69 = tpu.dynamic_gather %get3A_57[%gather3A_68] in [0] : vector<16xf32>, vector<16xi32> -> vector<16xf32>
    %get3A_70 = arith.constant 0 : index
    %get3A_71 = tpu.vector_load %arg5[%get3A_70] {strides = array<i32>} : memref<48xf32, #tpu.memory_space<vmem>>, vector<16xf32>,
    %get3A_72 = vector.shape_cast %get3A_71 : vector<16xf32> to vector<16xf32>
    %broadcast_in_dim3A_73 = arith.constant 4 : i32
    %broadcast_in_dim3A_74 = vector.broadcast %broadcast_in_dim3A_73 : i32 to vector<16xi32>
    %lt3A_75 = arith.constant 0 : i32
    %lt3A_76 = vector.broadcast %lt3A_75 : i32 to vector<16xi32>
    %lt3A_77 = arith.cmpi slt, %broadcast_in_dim3A_74, %lt3A_76 : vector<16xi32>
    %add3A_78 = arith.constant 16 : i32
    %add3A_79 = vector.broadcast %add3A_78 : i32 to vector<16xi32>
    %add3A_80 = arith.addi %broadcast_in_dim3A_74, %add3A_79 : vector<16xi32>
    %select_n3A_81 = arith.select %lt3A_77, %add3A_80, %broadcast_in_dim3A_74 : vector<16xi1>, vector<16xi32>
    %broadcast_in_dim3A_82 = vector.shape_cast %select_n3A_81 : vector<16xi32> to vector<16x1xi32>
    %gather3A_83 = vector.shape_cast %broadcast_in_dim3A_82 : vector<16x1xi32> to vector<16xi32>
    %gather3A_84 = tpu.dynamic_gather %get3A_72[%gather3A_83] in [0] : vector<16xf32>, vector<16xi32> -> vector<16xf32>
    %get3A_85 = arith.constant 16 : index
    %get3A_86 = tpu.vector_load %arg5[%get3A_85] {strides = array<i32>} : memref<48xf32, #tpu.memory_space<vmem>>, vector<16xf32>,
    %get3A_87 = vector.shape_cast %get3A_86 : vector<16xf32> to vector<16xf32>
    %broadcast_in_dim3A_88 = arith.constant 0 : i32
    %broadcast_in_dim3A_89 = vector.broadcast %broadcast_in_dim3A_88 : i32 to vector<16xi32>
    %lt3A_90 = arith.constant 0 : i32
    %lt3A_91 = vector.broadcast %lt3A_90 : i32 to vector<16xi32>
    %lt3A_92 = arith.cmpi slt, %broadcast_in_dim3A_89, %lt3A_91 : vector<16xi32>
    %add3A_93 = arith.constant 16 : i32
    %add3A_94 = vector.broadcast %add3A_93 : i32 to vector<16xi32>
    %add3A_95 = arith.addi %broadcast_in_dim3A_89, %add3A_94 : vector<16xi32>
    %select_n3A_96 = arith.select %lt3A_92, %add3A_95, %broadcast_in_dim3A_89 : vector<16xi1>, vector<16xi32>
    %broadcast_in_dim3A_97 = vector.shape_cast %select_n3A_96 : vector<16xi32> to vector<16x1xi32>
    %gather3A_98 = vector.shape_cast %broadcast_in_dim3A_97 : vector<16x1xi32> to vector<16xi32>
    %gather3A_99 = tpu.dynamic_gather %get3A_87[%gather3A_98] in [0] : vector<16xf32>, vector<16xi32> -> vector<16xf32>
    %get3A_100 = arith.constant 16 : index
    %get3A_101 = tpu.vector_load %arg5[%get3A_100] {strides = array<i32>} : memref<48xf32, #tpu.memory_space<vmem>>, vector<16xf32>,
    %get3A_102 = vector.shape_cast %get3A_101 : vector<16xf32> to vector<16xf32>
    %broadcast_in_dim3A_103 = arith.constant 1 : i32
    %broadcast_in_dim3A_104 = vector.broadcast %broadcast_in_dim3A_103 : i32 to vector<16xi32>
    %lt3A_105 = arith.constant 0 : i32
    %lt3A_106 = vector.broadcast %lt3A_105 : i32 to vector<16xi32>
    %lt3A_107 = arith.cmpi slt, %broadcast_in_dim3A_104, %lt3A_106 : vector<16xi32>
    %add3A_108 = arith.constant 16 : i32
    %add3A_109 = vector.broadcast %add3A_108 : i32 to vector<16xi32>
    %add3A_110 = arith.addi %broadcast_in_dim3A_104, %add3A_109 : vector<16xi32>
    %select_n3A_111 = arith.select %lt3A_107, %add3A_110, %broadcast_in_dim3A_104 : vector<16xi1>, vector<16xi32>
    %broadcast_in_dim3A_112 = vector.shape_cast %select_n3A_111 : vector<16xi32> to vector<16x1xi32>
    %gather3A_113 = vector.shape_cast %broadcast_in_dim3A_112 : vector<16x1xi32> to vector<16xi32>
    %gather3A_114 = tpu.dynamic_gather %get3A_102[%gather3A_113] in [0] : vector<16xf32>, vector<16xi32> -> vector<16xf32>
    %get3A_115 = arith.constant 16 : index
    %get3A_116 = tpu.vector_load %arg5[%get3A_115] {strides = array<i32>} : memref<48xf32, #tpu.memory_space<vmem>>, vector<16xf32>,
    %get3A_117 = vector.shape_cast %get3A_116 : vector<16xf32> to vector<16xf32>
    %broadcast_in_dim3A_118 = arith.constant 2 : i32
    %broadcast_in_dim3A_119 = vector.broadcast %broadcast_in_dim3A_118 : i32 to vector<16xi32>
    %lt3A_120 = arith.constant 0 : i32
    %lt3A_121 = vector.broadcast %lt3A_120 : i32 to vector<16xi32>
    %lt3A_122 = arith.cmpi slt, %broadcast_in_dim3A_119, %lt3A_121 : vector<16xi32>
    %add3A_123 = arith.constant 16 : i32
    %add3A_124 = vector.broadcast %add3A_123 : i32 to vector<16xi32>
    %add3A_125 = arith.addi %broadcast_in_dim3A_119, %add3A_124 : vector<16xi32>
    %select_n3A_126 = arith.select %lt3A_122, %add3A_125, %broadcast_in_dim3A_119 : vector<16xi1>, vector<16xi32>
    %broadcast_in_dim3A_127 = vector.shape_cast %select_n3A_126 : vector<16xi32> to vector<16x1xi32>
    %gather3A_128 = vector.shape_cast %broadcast_in_dim3A_127 : vector<16x1xi32> to vector<16xi32>
    %gather3A_129 = tpu.dynamic_gather %get3A_117[%gather3A_128] in [0] : vector<16xf32>, vector<16xi32> -> vector<16xf32>
    %get3A_130 = arith.constant 16 : index
    %get3A_131 = tpu.vector_load %arg5[%get3A_130] {strides = array<i32>} : memref<48xf32, #tpu.memory_space<vmem>>, vector<16xf32>,
    %get3A_132 = vector.shape_cast %get3A_131 : vector<16xf32> to vector<16xf32>
    %broadcast_in_dim3A_133 = arith.constant 3 : i32
    %broadcast_in_dim3A_134 = vector.broadcast %broadcast_in_dim3A_133 : i32 to vector<16xi32>
    %lt3A_135 = arith.constant 0 : i32
    %lt3A_136 = vector.broadcast %lt3A_135 : i32 to vector<16xi32>
    %lt3A_137 = arith.cmpi slt, %broadcast_in_dim3A_134, %lt3A_136 : vector<16xi32>
    %add3A_138 = arith.constant 16 : i32
    %add3A_139 = vector.broadcast %add3A_138 : i32 to vector<16xi32>
    %add3A_140 = arith.addi %broadcast_in_dim3A_134, %add3A_139 : vector<16xi32>
    %select_n3A_141 = arith.select %lt3A_137, %add3A_140, %broadcast_in_dim3A_134 : vector<16xi1>, vector<16xi32>
    %broadcast_in_dim3A_142 = vector.shape_cast %select_n3A_141 : vector<16xi32> to vector<16x1xi32>
    %gather3A_143 = vector.shape_cast %broadcast_in_dim3A_142 : vector<16x1xi32> to vector<16xi32>
    %gather3A_144 = tpu.dynamic_gather %get3A_132[%gather3A_143] in [0] : vector<16xf32>, vector<16xi32> -> vector<16xf32>
    %get3A_145 = arith.constant 16 : index
    %get3A_146 = tpu.vector_load %arg5[%get3A_145] {strides = array<i32>} : memref<48xf32, #tpu.memory_space<vmem>>, vector<16xf32>,
    %get3A_147 = vector.shape_cast %get3A_146 : vector<16xf32> to vector<16xf32>
    %broadcast_in_dim3A_148 = arith.constant 4 : i32
    %broadcast_in_dim3A_149 = vector.broadcast %broadcast_in_dim3A_148 : i32 to vector<16xi32>
    %lt3A_150 = arith.constant 0 : i32
    %lt3A_151 = vector.broadcast %lt3A_150 : i32 to vector<16xi32>
    %lt3A_152 = arith.cmpi slt, %broadcast_in_dim3A_149, %lt3A_151 : vector<16xi32>
    %add3A_153 = arith.constant 16 : i32
    %add3A_154 = vector.broadcast %add3A_153 : i32 to vector<16xi32>
    %add3A_155 = arith.addi %broadcast_in_dim3A_149, %add3A_154 : vector<16xi32>
    %select_n3A_156 = arith.select %lt3A_152, %add3A_155, %broadcast_in_dim3A_149 : vector<16xi1>, vector<16xi32>
    %broadcast_in_dim3A_157 = vector.shape_cast %select_n3A_156 : vector<16xi32> to vector<16x1xi32>
    %gather3A_158 = vector.shape_cast %broadcast_in_dim3A_157 : vector<16x1xi32> to vector<16xi32>
    %gather3A_159 = tpu.dynamic_gather %get3A_147[%gather3A_158] in [0] : vector<16xf32>, vector<16xi32> -> vector<16xf32>
    %get3A_160 = arith.constant 32 : index
    %get3A_161 = tpu.vector_load %arg5[%get3A_160] {strides = array<i32>} : memref<48xf32, #tpu.memory_space<vmem>>, vector<16xf32>,
    %get3A_162 = vector.shape_cast %get3A_161 : vector<16xf32> to vector<16xf32>
    %broadcast_in_dim3A_163 = arith.constant 0 : i32
    %broadcast_in_dim3A_164 = vector.broadcast %broadcast_in_dim3A_163 : i32 to vector<16xi32>
    %lt3A_165 = arith.constant 0 : i32
    %lt3A_166 = vector.broadcast %lt3A_165 : i32 to vector<16xi32>
    %lt3A_167 = arith.cmpi slt, %broadcast_in_dim3A_164, %lt3A_166 : vector<16xi32>
    %add3A_168 = arith.constant 16 : i32
    %add3A_169 = vector.broadcast %add3A_168 : i32 to vector<16xi32>
    %add3A_170 = arith.addi %broadcast_in_dim3A_164, %add3A_169 : vector<16xi32>
    %select_n3A_171 = arith.select %lt3A_167, %add3A_170, %broadcast_in_dim3A_164 : vector<16xi1>, vector<16xi32>
    %broadcast_in_dim3A_172 = vector.shape_cast %select_n3A_171 : vector<16xi32> to vector<16x1xi32>
    %gather3A_173 = vector.shape_cast %broadcast_in_dim3A_172 : vector<16x1xi32> to vector<16xi32>
    %gather3A_174 = tpu.dynamic_gather %get3A_162[%gather3A_173] in [0] : vector<16xf32>, vector<16xi32> -> vector<16xf32>
    %get3A_175 = arith.constant 32 : index
    %get3A_176 = tpu.vector_load %arg5[%get3A_175] {strides = array<i32>} : memref<48xf32, #tpu.memory_space<vmem>>, vector<16xf32>,
    %get3A_177 = vector.shape_cast %get3A_176 : vector<16xf32> to vector<16xf32>
    %broadcast_in_dim3A_178 = arith.constant 1 : i32
    %broadcast_in_dim3A_179 = vector.broadcast %broadcast_in_dim3A_178 : i32 to vector<16xi32>
    %lt3A_180 = arith.constant 0 : i32
    %lt3A_181 = vector.broadcast %lt3A_180 : i32 to vector<16xi32>
    %lt3A_182 = arith.cmpi slt, %broadcast_in_dim3A_179, %lt3A_181 : vector<16xi32>
    %add3A_183 = arith.constant 16 : i32
    %add3A_184 = vector.broadcast %add3A_183 : i32 to vector<16xi32>
    %add3A_185 = arith.addi %broadcast_in_dim3A_179, %add3A_184 : vector<16xi32>
    %select_n3A_186 = arith.select %lt3A_182, %add3A_185, %broadcast_in_dim3A_179 : vector<16xi1>, vector<16xi32>
    %broadcast_in_dim3A_187 = vector.shape_cast %select_n3A_186 : vector<16xi32> to vector<16x1xi32>
    %gather3A_188 = vector.shape_cast %broadcast_in_dim3A_187 : vector<16x1xi32> to vector<16xi32>
    %gather3A_189 = tpu.dynamic_gather %get3A_177[%gather3A_188] in [0] : vector<16xf32>, vector<16xi32> -> vector<16xf32>
    %get3A_190 = arith.constant 32 : index
    %get3A_191 = tpu.vector_load %arg5[%get3A_190] {strides = array<i32>} : memref<48xf32, #tpu.memory_space<vmem>>, vector<16xf32>,
    %get3A_192 = vector.shape_cast %get3A_191 : vector<16xf32> to vector<16xf32>
    %broadcast_in_dim3A_193 = arith.constant 2 : i32
    %broadcast_in_dim3A_194 = vector.broadcast %broadcast_in_dim3A_193 : i32 to vector<16xi32>
    %lt3A_195 = arith.constant 0 : i32
    %lt3A_196 = vector.broadcast %lt3A_195 : i32 to vector<16xi32>
    %lt3A_197 = arith.cmpi slt, %broadcast_in_dim3A_194, %lt3A_196 : vector<16xi32>
    %add3A_198 = arith.constant 16 : i32
    %add3A_199 = vector.broadcast %add3A_198 : i32 to vector<16xi32>
    %add3A_200 = arith.addi %broadcast_in_dim3A_194, %add3A_199 : vector<16xi32>
    %select_n3A_201 = arith.select %lt3A_197, %add3A_200, %broadcast_in_dim3A_194 : vector<16xi1>, vector<16xi32>
    %broadcast_in_dim3A_202 = vector.shape_cast %select_n3A_201 : vector<16xi32> to vector<16x1xi32>
    %gather3A_203 = vector.shape_cast %broadcast_in_dim3A_202 : vector<16x1xi32> to vector<16xi32>
    %gather3A_204 = tpu.dynamic_gather %get3A_192[%gather3A_203] in [0] : vector<16xf32>, vector<16xi32> -> vector<16xf32>
    %get3A_205 = arith.constant 32 : index
    %get3A_206 = tpu.vector_load %arg5[%get3A_205] {strides = array<i32>} : memref<48xf32, #tpu.memory_space<vmem>>, vector<16xf32>,
    %get3A_207 = vector.shape_cast %get3A_206 : vector<16xf32> to vector<16xf32>
    %broadcast_in_dim3A_208 = arith.constant 3 : i32
    %broadcast_in_dim3A_209 = vector.broadcast %broadcast_in_dim3A_208 : i32 to vector<16xi32>
    %lt3A_210 = arith.constant 0 : i32
    %lt3A_211 = vector.broadcast %lt3A_210 : i32 to vector<16xi32>
    %lt3A_212 = arith.cmpi slt, %broadcast_in_dim3A_209, %lt3A_211 : vector<16xi32>
    %add3A_213 = arith.constant 16 : i32
    %add3A_214 = vector.broadcast %add3A_213 : i32 to vector<16xi32>
    %add3A_215 = arith.addi %broadcast_in_dim3A_209, %add3A_214 : vector<16xi32>
    %select_n3A_216 = arith.select %lt3A_212, %add3A_215, %broadcast_in_dim3A_209 : vector<16xi1>, vector<16xi32>
    %broadcast_in_dim3A_217 = vector.shape_cast %select_n3A_216 : vector<16xi32> to vector<16x1xi32>
    %gather3A_218 = vector.shape_cast %broadcast_in_dim3A_217 : vector<16x1xi32> to vector<16xi32>
    %gather3A_219 = tpu.dynamic_gather %get3A_207[%gather3A_218] in [0] : vector<16xf32>, vector<16xi32> -> vector<16xf32>
    %get3A_220 = arith.constant 32 : index
    %get3A_221 = tpu.vector_load %arg5[%get3A_220] {strides = array<i32>} : memref<48xf32, #tpu.memory_space<vmem>>, vector<16xf32>,
    %get3A_222 = vector.shape_cast %get3A_221 : vector<16xf32> to vector<16xf32>
    %broadcast_in_dim3A_223 = arith.constant 4 : i32
    %broadcast_in_dim3A_224 = vector.broadcast %broadcast_in_dim3A_223 : i32 to vector<16xi32>
    %lt3A_225 = arith.constant 0 : i32
    %lt3A_226 = vector.broadcast %lt3A_225 : i32 to vector<16xi32>
    %lt3A_227 = arith.cmpi slt, %broadcast_in_dim3A_224, %lt3A_226 : vector<16xi32>
    %add3A_228 = arith.constant 16 : i32
    %add3A_229 = vector.broadcast %add3A_228 : i32 to vector<16xi32>
    %add3A_230 = arith.addi %broadcast_in_dim3A_224, %add3A_229 : vector<16xi32>
    %select_n3A_231 = arith.select %lt3A_227, %add3A_230, %broadcast_in_dim3A_224 : vector<16xi1>, vector<16xi32>
    %broadcast_in_dim3A_232 = vector.shape_cast %select_n3A_231 : vector<16xi32> to vector<16x1xi32>
    %gather3A_233 = vector.shape_cast %broadcast_in_dim3A_232 : vector<16x1xi32> to vector<16xi32>
    %gather3A_234 = tpu.dynamic_gather %get3A_222[%gather3A_233] in [0] : vector<16xf32>, vector<16xi32> -> vector<16xf32>
    %scan3A = arith.constant 0 : i32
    %scan3A_235 = arith.constant 0 : i32
    %scan3A_236 = arith.constant 12 : i32
    %scan3A_237 = arith.addi %scan3A_235, %scan3A_236 : i32
    %scan3A_238 = arith.constant 1 : i32
    scf.for %scan3A_326 = %scan3A_235 to %scan3A_237 step %scan3A_238  : i32 {
      %mul3A_327 = arith.constant 2 : i32
      %mul3A_328 = arith.muli %mul3A_327, %scan3A_326 : i32
      %add3A_329 = arith.constant 0 : i32
      %add3A_330 = arith.addi %mul3A_328, %add3A_329 : i32
      %add3A_331 = arith.constant 1 : i32
      %add3A_332 = arith.addi %add3A_330, %add3A_331 : i32
      %lt3A_333 = arith.constant 25 : i32
      %lt3A_334 = arith.cmpi slt, %add3A_332, %lt3A_333 : i32
      %convert_element_type3A = arith.extui %lt3A_334 : i1 to i32
      %cond3A = arith.constant 0 : i32
      %cond3A_335 = arith.cmpi ne, %convert_element_type3A, %cond3A : i32
      scf.if %cond3A_335 {
        %add3A_428 = arith.constant 1 : i32
        %add3A_429 = arith.addi %add3A_330, %add3A_428 : i32
        %mul3A_430 = arith.constant 8 : i32
        %mul3A_431 = arith.muli %add3A_429, %mul3A_430 : i32
        %dma_start3A_432 = arith.constant 1 : i32
        %dma_start3A_433 = arith.constant 0 : i32
        %dma_start3A_434 = arith.constant 0 : i32
        %dma_start3A_435 = tpu.memref_slice %arg6[%dma_start3A_432, %dma_start3A_433, %dma_start3A_434] : memref<2x8x512xi32, #tpu.memory_space<vmem>> -> memref<1x8x512xi32, #tpu.memory_space<vmem>>
        %dma_start3A_436 = tpu.memref_squeeze %dma_start3A_435 : memref<1x8x512xi32, #tpu.memory_space<vmem>> -> memref<8x512xi32, #tpu.memory_space<vmem>>
        %dma_start3A_437 = tpu.memref_slice %arg2[%mul3A_431, %mul3A_2] : memref<200x16384xi32, #tpu.memory_space<hbm>> -> memref<8x512xi32, #tpu.memory_space<hbm>>
        %dma_start3A_438 = arith.constant 0 : i32
        %dma_start3A_439 = arith.constant 0 : i32
        %dma_start3A_440 = tpu.memref_slice %arg6[%dma_start3A_432, %dma_start3A_438, %dma_start3A_439] : memref<2x8x512xi32, #tpu.memory_space<vmem>> -> memref<1x8x512xi32, #tpu.memory_space<vmem>>
        %dma_start3A_441 = tpu.memref_squeeze %dma_start3A_440 : memref<1x8x512xi32, #tpu.memory_space<vmem>> -> memref<8x512xi32, #tpu.memory_space<vmem>>
        %dma_start3A_442 = tpu.memref_slice %arg2[%mul3A_431, %mul3A_2] : memref<200x16384xi32, #tpu.memory_space<hbm>> -> memref<8x512xi32, #tpu.memory_space<hbm>>
        tpu.enqueue_dma source(%dma_start3A_442 : memref<8x512xi32, #tpu.memory_space<hbm>>) target(%dma_start3A_441 : memref<8x512xi32, #tpu.memory_space<vmem>>) target_semaphore(%arg9 : memref<!tpu.dma_semaphore, #tpu.memory_space<semaphore_mem>>)
      } else {
      }
      %mul3A_336 = arith.constant 8 : i32
      %mul3A_337 = arith.muli %add3A_330, %mul3A_336 : i32
      %dma_wait3A_338 = arith.constant 0 : i32
      %dma_wait3A_339 = arith.constant 0 : i32
      %dma_wait3A_340 = arith.constant 0 : i32
      %dma_wait3A_341 = tpu.memref_slice %arg6[%dma_wait3A_338, %dma_wait3A_339, %dma_wait3A_340] : memref<2x8x512xi32, #tpu.memory_space<vmem>> -> memref<1x8x512xi32, #tpu.memory_space<vmem>>
      %dma_wait3A_342 = tpu.memref_squeeze %dma_wait3A_341 : memref<1x8x512xi32, #tpu.memory_space<vmem>> -> memref<8x512xi32, #tpu.memory_space<vmem>>
      %dma_wait3A_343 = tpu.memref_slice %arg2[%mul3A_337, %mul3A_2] : memref<200x16384xi32, #tpu.memory_space<hbm>> -> memref<8x512xi32, #tpu.memory_space<hbm>>
      %dma_wait3A_344 = arith.constant 0 : i32
      %dma_wait3A_345 = arith.constant 0 : i32
      %dma_wait3A_346 = tpu.memref_slice %arg6[%dma_wait3A_338, %dma_wait3A_344, %dma_wait3A_345] : memref<2x8x512xi32, #tpu.memory_space<vmem>> -> memref<1x8x512xi32, #tpu.memory_space<vmem>>
      %dma_wait3A_347 = tpu.memref_squeeze %dma_wait3A_346 : memref<1x8x512xi32, #tpu.memory_space<vmem>> -> memref<8x512xi32, #tpu.memory_space<vmem>>
      %dma_wait3A_348 = tpu.memref_slice %arg2[%mul3A_337, %mul3A_2] : memref<200x16384xi32, #tpu.memory_space<hbm>> -> memref<8x512xi32, #tpu.memory_space<hbm>>
      tpu.wait_dma2 semaphore(%arg8 : memref<!tpu.dma_semaphore, #tpu.memory_space<semaphore_mem>>) src(%dma_wait3A_348 : memref<8x512xi32, #tpu.memory_space<hbm>>) dst(%dma_wait3A_347 : memref<8x512xi32, #tpu.memory_space<vmem>>)
      %ge3A = arith.constant 2 : i32
      %ge3A_349 = arith.cmpi sge, %add3A_330, %ge3A : i32
      %convert_element_type3A_350 = arith.extui %ge3A_349 : i1 to i32
      %cond3A_351 = arith.constant 0 : i32
      %cond3A_352 = arith.cmpi ne, %convert_element_type3A_350, %cond3A_351 : i32
      scf.if %cond3A_352 {
        %sub3A = arith.constant 2 : i32
        %sub3A_428 = arith.subi %add3A_330, %sub3A : i32
        %mul3A_429 = arith.constant 8 : i32
        %mul3A_430 = arith.muli %sub3A_428, %mul3A_429 : i32
        %dma_wait3A_431 = arith.constant 0 : i32
        %dma_wait3A_432 = arith.constant 0 : i32
        %dma_wait3A_433 = arith.constant 0 : i32
        %dma_wait3A_434 = arith.constant 0 : i32
        %dma_wait3A_435 = tpu.memref_slice %arg7[%dma_wait3A_431, %dma_wait3A_432, %dma_wait3A_433, %dma_wait3A_434] : memref<2x5x8x512xf32, #tpu.memory_space<vmem>> -> memref<1x5x8x512xf32, #tpu.memory_space<vmem>>
        %dma_wait3A_436 = tpu.memref_squeeze %dma_wait3A_435 : memref<1x5x8x512xf32, #tpu.memory_space<vmem>> -> memref<5x8x512xf32, #tpu.memory_space<vmem>>
        %dma_wait3A_437 = arith.constant 0 : i32
        %dma_wait3A_438 = tpu.memref_slice %arg4[%dma_wait3A_437, %mul3A_430, %mul3A_2] : memref<5x200x16384xf32, #tpu.memory_space<hbm>> -> memref<5x8x512xf32, #tpu.memory_space<hbm>>
        %dma_wait3A_439 = arith.constant 0 : i32
        %dma_wait3A_440 = tpu.memref_slice %arg4[%dma_wait3A_439, %mul3A_430, %mul3A_2] : memref<5x200x16384xf32, #tpu.memory_space<hbm>> -> memref<5x8x512xf32, #tpu.memory_space<hbm>>
        %dma_wait3A_441 = arith.constant 0 : i32
        %dma_wait3A_442 = arith.constant 0 : i32
        %dma_wait3A_443 = arith.constant 0 : i32
        %dma_wait3A_444 = tpu.memref_slice %arg7[%dma_wait3A_431, %dma_wait3A_441, %dma_wait3A_442, %dma_wait3A_443] : memref<2x5x8x512xf32, #tpu.memory_space<vmem>> -> memref<1x5x8x512xf32, #tpu.memory_space<vmem>>
        %dma_wait3A_445 = tpu.memref_squeeze %dma_wait3A_444 : memref<1x5x8x512xf32, #tpu.memory_space<vmem>> -> memref<5x8x512xf32, #tpu.memory_space<vmem>>
        tpu.wait_dma2 semaphore(%arg10 : memref<!tpu.dma_semaphore, #tpu.memory_space<semaphore_mem>>) src(%dma_wait3A_445 : memref<5x8x512xf32, #tpu.memory_space<vmem>>) dst(%dma_wait3A_440 : memref<5x8x512xf32, #tpu.memory_space<hbm>>)
      } else {
      }
      %scan3A_353 = arith.constant 0 : i32
      %scan3A_354 = arith.constant 0 : i32
      %scan3A_355 = arith.constant 32 : i32
      %scan3A_356 = arith.addi %scan3A_354, %scan3A_355 : i32
      %scan3A_357 = arith.constant 1 : i32
      scf.for %scan3A_428 = %scan3A_354 to %scan3A_356 step %scan3A_357  : i32 {
        %mul3A_429 = arith.constant 16 : i32
        %mul3A_430 = arith.muli %scan3A_428, %mul3A_429 : i32
        %get3A_431 = arith.constant 0 : i32
        %get3A_432 = arith.constant 0 : i32
        %get3A_433 = arith.index_cast %get3A_431 : i32 to index
        %get3A_434 = arith.index_cast %get3A_432 : i32 to index
        %get3A_435 = arith.index_cast %mul3A_430 : i32 to index
        %get3A_436 = tpu.vector_load %arg6[%get3A_433, %get3A_434, %get3A_435] {strides = array<i32>} : memref<2x8x512xi32, #tpu.memory_space<vmem>>, vector<1x1x16xi32>,
        %get3A_437 = vector.shape_cast %get3A_436 : vector<1x1x16xi32> to vector<16xi32>
        %eq3A = arith.constant 0 : i32
        %eq3A_438 = vector.broadcast %eq3A : i32 to vector<16xi32>
        %eq3A_439 = arith.cmpi eq, %get3A_437, %eq3A_438 : vector<16xi32>
        %eq3A_440 = arith.constant 1 : i32
        %eq3A_441 = vector.broadcast %eq3A_440 : i32 to vector<16xi32>
        %eq3A_442 = arith.cmpi eq, %get3A_437, %eq3A_441 : vector<16xi32>
        %select_n3A_443 = arith.select %eq3A_442, %gather3A_99, %gather3A_174 : vector<16xi1>, vector<16xf32>
        %select_n3A_444 = arith.select %eq3A_439, %gather3A_24, %select_n3A_443 : vector<16xi1>, vector<16xf32>
        %mul3A_445 = arith.constant 16 : i32
        %mul3A_446 = arith.muli %scan3A_428, %mul3A_445 : i32
        %swap3A = arith.constant 0 : i32
        %swap3A_447 = arith.constant 0 : i32
        %swap3A_448 = arith.constant 0 : i32
        %swap3A_449 = arith.index_cast %swap3A : i32 to index
        %swap3A_450 = arith.index_cast %swap3A_447 : i32 to index
        %swap3A_451 = arith.index_cast %swap3A_448 : i32 to index
        %swap3A_452 = arith.index_cast %mul3A_446 : i32 to index
        %swap3A_453 = tpu.vector_load %arg7[%swap3A_449, %swap3A_450, %swap3A_451, %swap3A_452] {strides = array<i32>} : memref<2x5x8x512xf32, #tpu.memory_space<vmem>>, vector<1x1x1x16xf32>,
        %swap3A_454 = vector.shape_cast %swap3A_453 : vector<1x1x1x16xf32> to vector<16xf32>
        %swap3A_455 = vector.shape_cast %select_n3A_444 : vector<16xf32> to vector<1x1x1x16xf32>
        tpu.vector_store %arg7[%swap3A_449, %swap3A_450, %swap3A_451, %swap3A_452], %swap3A_455 {strides = array<i32>} : memref<2x5x8x512xf32, #tpu.memory_space<vmem>>, vector<1x1x1x16xf32>,
        %select_n3A_456 = arith.select %eq3A_442, %gather3A_114, %gather3A_189 : vector<16xi1>, vector<16xf32>
        %select_n3A_457 = arith.select %eq3A_439, %gather3A_39, %select_n3A_456 : vector<16xi1>, vector<16xf32>
        %mul3A_458 = arith.constant 16 : i32
        %mul3A_459 = arith.muli %scan3A_428, %mul3A_458 : i32
        %swap3A_460 = arith.constant 0 : i32
        %swap3A_461 = arith.constant 1 : i32
        %swap3A_462 = arith.constant 0 : i32
        %swap3A_463 = arith.index_cast %swap3A_460 : i32 to index
        %swap3A_464 = arith.index_cast %swap3A_461 : i32 to index
        %swap3A_465 = arith.index_cast %swap3A_462 : i32 to index
        %swap3A_466 = arith.index_cast %mul3A_459 : i32 to index
        %swap3A_467 = tpu.vector_load %arg7[%swap3A_463, %swap3A_464, %swap3A_465, %swap3A_466] {strides = array<i32>} : memref<2x5x8x512xf32, #tpu.memory_space<vmem>>, vector<1x1x1x16xf32>,
        %swap3A_468 = vector.shape_cast %swap3A_467 : vector<1x1x1x16xf32> to vector<16xf32>
        %swap3A_469 = vector.shape_cast %select_n3A_457 : vector<16xf32> to vector<1x1x1x16xf32>
        tpu.vector_store %arg7[%swap3A_463, %swap3A_464, %swap3A_465, %swap3A_466], %swap3A_469 {strides = array<i32>} : memref<2x5x8x512xf32, #tpu.memory_space<vmem>>, vector<1x1x1x16xf32>,
        %select_n3A_470 = arith.select %eq3A_442, %gather3A_129, %gather3A_204 : vector<16xi1>, vector<16xf32>
        %select_n3A_471 = arith.select %eq3A_439, %gather3A_54, %select_n3A_470 : vector<16xi1>, vector<16xf32>
        %mul3A_472 = arith.constant 16 : i32
        %mul3A_473 = arith.muli %scan3A_428, %mul3A_472 : i32
        %swap3A_474 = arith.constant 0 : i32
        %swap3A_475 = arith.constant 2 : i32
        %swap3A_476 = arith.constant 0 : i32
        %swap3A_477 = arith.index_cast %swap3A_474 : i32 to index
        %swap3A_478 = arith.index_cast %swap3A_475 : i32 to index
        %swap3A_479 = arith.index_cast %swap3A_476 : i32 to index
        %swap3A_480 = arith.index_cast %mul3A_473 : i32 to index
        %swap3A_481 = tpu.vector_load %arg7[%swap3A_477, %swap3A_478, %swap3A_479, %swap3A_480] {strides = array<i32>} : memref<2x5x8x512xf32, #tpu.memory_space<vmem>>, vector<1x1x1x16xf32>,
        %swap3A_482 = vector.shape_cast %swap3A_481 : vector<1x1x1x16xf32> to vector<16xf32>
        %swap3A_483 = vector.shape_cast %select_n3A_471 : vector<16xf32> to vector<1x1x1x16xf32>
        tpu.vector_store %arg7[%swap3A_477, %swap3A_478, %swap3A_479, %swap3A_480], %swap3A_483 {strides = array<i32>} : memref<2x5x8x512xf32, #tpu.memory_space<vmem>>, vector<1x1x1x16xf32>,
        %select_n3A_484 = arith.select %eq3A_442, %gather3A_144, %gather3A_219 : vector<16xi1>, vector<16xf32>
        %select_n3A_485 = arith.select %eq3A_439, %gather3A_69, %select_n3A_484 : vector<16xi1>, vector<16xf32>
        %mul3A_486 = arith.constant 16 : i32
        %mul3A_487 = arith.muli %scan3A_428, %mul3A_486 : i32
        %swap3A_488 = arith.constant 0 : i32
        %swap3A_489 = arith.constant 3 : i32
        %swap3A_490 = arith.constant 0 : i32
        %swap3A_491 = arith.index_cast %swap3A_488 : i32 to index
        %swap3A_492 = arith.index_cast %swap3A_489 : i32 to index
        %swap3A_493 = arith.index_cast %swap3A_490 : i32 to index
        %swap3A_494 = arith.index_cast %mul3A_487 : i32 to index
        %swap3A_495 = tpu.vector_load %arg7[%swap3A_491, %swap3A_492, %swap3A_493, %swap3A_494] {strides = array<i32>} : memref<2x5x8x512xf32, #tpu.memory_space<vmem>>, vector<1x1x1x16xf32>,
        %swap3A_496 = vector.shape_cast %swap3A_495 : vector<1x1x1x16xf32> to vector<16xf32>
        %swap3A_497 = vector.shape_cast %select_n3A_485 : vector<16xf32> to vector<1x1x1x16xf32>
        tpu.vector_store %arg7[%swap3A_491, %swap3A_492, %swap3A_493, %swap3A_494], %swap3A_497 {strides = array<i32>} : memref<2x5x8x512xf32, #tpu.memory_space<vmem>>, vector<1x1x1x16xf32>,
        %select_n3A_498 = arith.select %eq3A_442, %gather3A_159, %gather3A_234 : vector<16xi1>, vector<16xf32>
        %select_n3A_499 = arith.select %eq3A_439, %gather3A_84, %select_n3A_498 : vector<16xi1>, vector<16xf32>
        %mul3A_500 = arith.constant 16 : i32
        %mul3A_501 = arith.muli %scan3A_428, %mul3A_500 : i32
        %swap3A_502 = arith.constant 0 : i32
        %swap3A_503 = arith.constant 4 : i32
        %swap3A_504 = arith.constant 0 : i32
        %swap3A_505 = arith.index_cast %swap3A_502 : i32 to index
        %swap3A_506 = arith.index_cast %swap3A_503 : i32 to index
        %swap3A_507 = arith.index_cast %swap3A_504 : i32 to index
        %swap3A_508 = arith.index_cast %mul3A_501 : i32 to index
        %swap3A_509 = tpu.vector_load %arg7[%swap3A_505, %swap3A_506, %swap3A_507, %swap3A_508] {strides = array<i32>} : memref<2x5x8x512xf32, #tpu.memory_space<vmem>>, vector<1x1x1x16xf32>,
        %swap3A_510 = vector.shape_cast %swap3A_509 : vector<1x1x1x16xf32> to vector<16xf32>
        %swap3A_511 = vector.shape_cast %select_n3A_499 : vector<16xf32> to vector<1x1x1x16xf32>
        tpu.vector_store %arg7[%swap3A_505, %swap3A_506, %swap3A_507, %swap3A_508], %swap3A_511 {strides = array<i32>} : memref<2x5x8x512xf32, #tpu.memory_space<vmem>>, vector<1x1x1x16xf32>,
        %mul3A_512 = arith.constant 16 : i32
        %mul3A_513 = arith.muli %scan3A_428, %mul3A_512 : i32
        %get3A_514 = arith.constant 0 : i32
        %get3A_515 = arith.constant 1 : i32
        %get3A_516 = arith.index_cast %get3A_514 : i32 to index
        %get3A_517 = arith.index_cast %get3A_515 : i32 to index
        %get3A_518 = arith.index_cast %mul3A_513 : i32 to index
        %get3A_519 = tpu.vector_load %arg6[%get3A_516, %get3A_517, %get3A_518] {strides = array<i32>} : memref<2x8x512xi32, #tpu.memory_space<vmem>>, vector<1x1x16xi32>,
        %get3A_520 = vector.shape_cast %get3A_519 : vector<1x1x16xi32> to vector<16xi32>
        %eq3A_521 = arith.constant 0 : i32
        %eq3A_522 = vector.broadcast %eq3A_521 : i32 to vector<16xi32>
        %eq3A_523 = arith.cmpi eq, %get3A_520, %eq3A_522 : vector<16xi32>
        %eq3A_524 = arith.constant 1 : i32
        %eq3A_525 = vector.broadcast %eq3A_524 : i32 to vector<16xi32>
        %eq3A_526 = arith.cmpi eq, %get3A_520, %eq3A_525 : vector<16xi32>
        %select_n3A_527 = arith.select %eq3A_526, %gather3A_99, %gather3A_174 : vector<16xi1>, vector<16xf32>
        %select_n3A_528 = arith.select %eq3A_523, %gather3A_24, %select_n3A_527 : vector<16xi1>, vector<16xf32>
        %mul3A_529 = arith.constant 16 : i32
        %mul3A_530 = arith.muli %scan3A_428, %mul3A_529 : i32
        %swap3A_531 = arith.constant 0 : i32
        %swap3A_532 = arith.constant 0 : i32
        %swap3A_533 = arith.constant 1 : i32
        %swap3A_534 = arith.index_cast %swap3A_531 : i32 to index
        %swap3A_535 = arith.index_cast %swap3A_532 : i32 to index
        %swap3A_536 = arith.index_cast %swap3A_533 : i32 to index
        %swap3A_537 = arith.index_cast %mul3A_530 : i32 to index
        %swap3A_538 = tpu.vector_load %arg7[%swap3A_534, %swap3A_535, %swap3A_536, %swap3A_537] {strides = array<i32>} : memref<2x5x8x512xf32, #tpu.memory_space<vmem>>, vector<1x1x1x16xf32>,
        %swap3A_539 = vector.shape_cast %swap3A_538 : vector<1x1x1x16xf32> to vector<16xf32>
        %swap3A_540 = vector.shape_cast %select_n3A_528 : vector<16xf32> to vector<1x1x1x16xf32>
        tpu.vector_store %arg7[%swap3A_534, %swap3A_535, %swap3A_536, %swap3A_537], %swap3A_540 {strides = array<i32>} : memref<2x5x8x512xf32, #tpu.memory_space<vmem>>, vector<1x1x1x16xf32>,
        %select_n3A_541 = arith.select %eq3A_526, %gather3A_114, %gather3A_189 : vector<16xi1>, vector<16xf32>
        %select_n3A_542 = arith.select %eq3A_523, %gather3A_39, %select_n3A_541 : vector<16xi1>, vector<16xf32>
        %mul3A_543 = arith.constant 16 : i32
        %mul3A_544 = arith.muli %scan3A_428, %mul3A_543 : i32
        %swap3A_545 = arith.constant 0 : i32
        %swap3A_546 = arith.constant 1 : i32
        %swap3A_547 = arith.constant 1 : i32
        %swap3A_548 = arith.index_cast %swap3A_545 : i32 to index
        %swap3A_549 = arith.index_cast %swap3A_546 : i32 to index
        %swap3A_550 = arith.index_cast %swap3A_547 : i32 to index
        %swap3A_551 = arith.index_cast %mul3A_544 : i32 to index
        %swap3A_552 = tpu.vector_load %arg7[%swap3A_548, %swap3A_549, %swap3A_550, %swap3A_551] {strides = array<i32>} : memref<2x5x8x512xf32, #tpu.memory_space<vmem>>, vector<1x1x1x16xf32>,
        %swap3A_553 = vector.shape_cast %swap3A_552 : vector<1x1x1x16xf32> to vector<16xf32>
        %swap3A_554 = vector.shape_cast %select_n3A_542 : vector<16xf32> to vector<1x1x1x16xf32>
        tpu.vector_store %arg7[%swap3A_548, %swap3A_549, %swap3A_550, %swap3A_551], %swap3A_554 {strides = array<i32>} : memref<2x5x8x512xf32, #tpu.memory_space<vmem>>, vector<1x1x1x16xf32>,
        %select_n3A_555 = arith.select %eq3A_526, %gather3A_129, %gather3A_204 : vector<16xi1>, vector<16xf32>
        %select_n3A_556 = arith.select %eq3A_523, %gather3A_54, %select_n3A_555 : vector<16xi1>, vector<16xf32>
        %mul3A_557 = arith.constant 16 : i32
        %mul3A_558 = arith.muli %scan3A_428, %mul3A_557 : i32
        %swap3A_559 = arith.constant 0 : i32
        %swap3A_560 = arith.constant 2 : i32
        %swap3A_561 = arith.constant 1 : i32
        %swap3A_562 = arith.index_cast %swap3A_559 : i32 to index
        %swap3A_563 = arith.index_cast %swap3A_560 : i32 to index
        %swap3A_564 = arith.index_cast %swap3A_561 : i32 to index
        %swap3A_565 = arith.index_cast %mul3A_558 : i32 to index
        %swap3A_566 = tpu.vector_load %arg7[%swap3A_562, %swap3A_563, %swap3A_564, %swap3A_565] {strides = array<i32>} : memref<2x5x8x512xf32, #tpu.memory_space<vmem>>, vector<1x1x1x16xf32>,
        %swap3A_567 = vector.shape_cast %swap3A_566 : vector<1x1x1x16xf32> to vector<16xf32>
        %swap3A_568 = vector.shape_cast %select_n3A_556 : vector<16xf32> to vector<1x1x1x16xf32>
        tpu.vector_store %arg7[%swap3A_562, %swap3A_563, %swap3A_564, %swap3A_565], %swap3A_568 {strides = array<i32>} : memref<2x5x8x512xf32, #tpu.memory_space<vmem>>, vector<1x1x1x16xf32>,
        %select_n3A_569 = arith.select %eq3A_526, %gather3A_144, %gather3A_219 : vector<16xi1>, vector<16xf32>
        %select_n3A_570 = arith.select %eq3A_523, %gather3A_69, %select_n3A_569 : vector<16xi1>, vector<16xf32>
        %mul3A_571 = arith.constant 16 : i32
        %mul3A_572 = arith.muli %scan3A_428, %mul3A_571 : i32
        %swap3A_573 = arith.constant 0 : i32
        %swap3A_574 = arith.constant 3 : i32
        %swap3A_575 = arith.constant 1 : i32
        %swap3A_576 = arith.index_cast %swap3A_573 : i32 to index
        %swap3A_577 = arith.index_cast %swap3A_574 : i32 to index
        %swap3A_578 = arith.index_cast %swap3A_575 : i32 to index
        %swap3A_579 = arith.index_cast %mul3A_572 : i32 to index
        %swap3A_580 = tpu.vector_load %arg7[%swap3A_576, %swap3A_577, %swap3A_578, %swap3A_579] {strides = array<i32>} : memref<2x5x8x512xf32, #tpu.memory_space<vmem>>, vector<1x1x1x16xf32>,
        %swap3A_581 = vector.shape_cast %swap3A_580 : vector<1x1x1x16xf32> to vector<16xf32>
        %swap3A_582 = vector.shape_cast %select_n3A_570 : vector<16xf32> to vector<1x1x1x16xf32>
        tpu.vector_store %arg7[%swap3A_576, %swap3A_577, %swap3A_578, %swap3A_579], %swap3A_582 {strides = array<i32>} : memref<2x5x8x512xf32, #tpu.memory_space<vmem>>, vector<1x1x1x16xf32>,
        %select_n3A_583 = arith.select %eq3A_526, %gather3A_159, %gather3A_234 : vector<16xi1>, vector<16xf32>
        %select_n3A_584 = arith.select %eq3A_523, %gather3A_84, %select_n3A_583 : vector<16xi1>, vector<16xf32>
        %mul3A_585 = arith.constant 16 : i32
        %mul3A_586 = arith.muli %scan3A_428, %mul3A_585 : i32
        %swap3A_587 = arith.constant 0 : i32
        %swap3A_588 = arith.constant 4 : i32
        %swap3A_589 = arith.constant 1 : i32
        %swap3A_590 = arith.index_cast %swap3A_587 : i32 to index
        %swap3A_591 = arith.index_cast %swap3A_588 : i32 to index
        %swap3A_592 = arith.index_cast %swap3A_589 : i32 to index
        %swap3A_593 = arith.index_cast %mul3A_586 : i32 to index
        %swap3A_594 = tpu.vector_load %arg7[%swap3A_590, %swap3A_591, %swap3A_592, %swap3A_593] {strides = array<i32>} : memref<2x5x8x512xf32, #tpu.memory_space<vmem>>, vector<1x1x1x16xf32>,
        %swap3A_595 = vector.shape_cast %swap3A_594 : vector<1x1x1x16xf32> to vector<16xf32>
        %swap3A_596 = vector.shape_cast %select_n3A_584 : vector<16xf32> to vector<1x1x1x16xf32>
        tpu.vector_store %arg7[%swap3A_590, %swap3A_591, %swap3A_592, %swap3A_593], %swap3A_596 {strides = array<i32>} : memref<2x5x8x512xf32, #tpu.memory_space<vmem>>, vector<1x1x1x16xf32>,
        %mul3A_597 = arith.constant 16 : i32
        %mul3A_598 = arith.muli %scan3A_428, %mul3A_597 : i32
        %get3A_599 = arith.constant 0 : i32
        %get3A_600 = arith.constant 2 : i32
        %get3A_601 = arith.index_cast %get3A_599 : i32 to index
        %get3A_602 = arith.index_cast %get3A_600 : i32 to index
        %get3A_603 = arith.index_cast %mul3A_598 : i32 to index
        %get3A_604 = tpu.vector_load %arg6[%get3A_601, %get3A_602, %get3A_603] {strides = array<i32>} : memref<2x8x512xi32, #tpu.memory_space<vmem>>, vector<1x1x16xi32>,
        %get3A_605 = vector.shape_cast %get3A_604 : vector<1x1x16xi32> to vector<16xi32>
        %eq3A_606 = arith.constant 0 : i32
        %eq3A_607 = vector.broadcast %eq3A_606 : i32 to vector<16xi32>
        %eq3A_608 = arith.cmpi eq, %get3A_605, %eq3A_607 : vector<16xi32>
        %eq3A_609 = arith.constant 1 : i32
        %eq3A_610 = vector.broadcast %eq3A_609 : i32 to vector<16xi32>
        %eq3A_611 = arith.cmpi eq, %get3A_605, %eq3A_610 : vector<16xi32>
        %select_n3A_612 = arith.select %eq3A_611, %gather3A_99, %gather3A_174 : vector<16xi1>, vector<16xf32>
        %select_n3A_613 = arith.select %eq3A_608, %gather3A_24, %select_n3A_612 : vector<16xi1>, vector<16xf32>
        %mul3A_614 = arith.constant 16 : i32
        %mul3A_615 = arith.muli %scan3A_428, %mul3A_614 : i32
        %swap3A_616 = arith.constant 0 : i32
        %swap3A_617 = arith.constant 0 : i32
        %swap3A_618 = arith.constant 2 : i32
        %swap3A_619 = arith.index_cast %swap3A_616 : i32 to index
        %swap3A_620 = arith.index_cast %swap3A_617 : i32 to index
        %swap3A_621 = arith.index_cast %swap3A_618 : i32 to index
        %swap3A_622 = arith.index_cast %mul3A_615 : i32 to index
        %swap3A_623 = tpu.vector_load %arg7[%swap3A_619, %swap3A_620, %swap3A_621, %swap3A_622] {strides = array<i32>} : memref<2x5x8x512xf32, #tpu.memory_space<vmem>>, vector<1x1x1x16xf32>,
        %swap3A_624 = vector.shape_cast %swap3A_623 : vector<1x1x1x16xf32> to vector<16xf32>
        %swap3A_625 = vector.shape_cast %select_n3A_613 : vector<16xf32> to vector<1x1x1x16xf32>
        tpu.vector_store %arg7[%swap3A_619, %swap3A_620, %swap3A_621, %swap3A_622], %swap3A_625 {strides = array<i32>} : memref<2x5x8x512xf32, #tpu.memory_space<vmem>>, vector<1x1x1x16xf32>,
        %select_n3A_626 = arith.select %eq3A_611, %gather3A_114, %gather3A_189 : vector<16xi1>, vector<16xf32>
        %select_n3A_627 = arith.select %eq3A_608, %gather3A_39, %select_n3A_626 : vector<16xi1>, vector<16xf32>
        %mul3A_628 = arith.constant 16 : i32
        %mul3A_629 = arith.muli %scan3A_428, %mul3A_628 : i32
        %swap3A_630 = arith.constant 0 : i32
        %swap3A_631 = arith.constant 1 : i32
        %swap3A_632 = arith.constant 2 : i32
        %swap3A_633 = arith.index_cast %swap3A_630 : i32 to index
        %swap3A_634 = arith.index_cast %swap3A_631 : i32 to index
        %swap3A_635 = arith.index_cast %swap3A_632 : i32 to index
        %swap3A_636 = arith.index_cast %mul3A_629 : i32 to index
        %swap3A_637 = tpu.vector_load %arg7[%swap3A_633, %swap3A_634, %swap3A_635, %swap3A_636] {strides = array<i32>} : memref<2x5x8x512xf32, #tpu.memory_space<vmem>>, vector<1x1x1x16xf32>,
        %swap3A_638 = vector.shape_cast %swap3A_637 : vector<1x1x1x16xf32> to vector<16xf32>
        %swap3A_639 = vector.shape_cast %select_n3A_627 : vector<16xf32> to vector<1x1x1x16xf32>
        tpu.vector_store %arg7[%swap3A_633, %swap3A_634, %swap3A_635, %swap3A_636], %swap3A_639 {strides = array<i32>} : memref<2x5x8x512xf32, #tpu.memory_space<vmem>>, vector<1x1x1x16xf32>,
        %select_n3A_640 = arith.select %eq3A_611, %gather3A_129, %gather3A_204 : vector<16xi1>, vector<16xf32>
        %select_n3A_641 = arith.select %eq3A_608, %gather3A_54, %select_n3A_640 : vector<16xi1>, vector<16xf32>
        %mul3A_642 = arith.constant 16 : i32
        %mul3A_643 = arith.muli %scan3A_428, %mul3A_642 : i32
        %swap3A_644 = arith.constant 0 : i32
        %swap3A_645 = arith.constant 2 : i32
        %swap3A_646 = arith.constant 2 : i32
        %swap3A_647 = arith.index_cast %swap3A_644 : i32 to index
        %swap3A_648 = arith.index_cast %swap3A_645 : i32 to index
        %swap3A_649 = arith.index_cast %swap3A_646 : i32 to index
        %swap3A_650 = arith.index_cast %mul3A_643 : i32 to index
        %swap3A_651 = tpu.vector_load %arg7[%swap3A_647, %swap3A_648, %swap3A_649, %swap3A_650] {strides = array<i32>} : memref<2x5x8x512xf32, #tpu.memory_space<vmem>>, vector<1x1x1x16xf32>,
        %swap3A_652 = vector.shape_cast %swap3A_651 : vector<1x1x1x16xf32> to vector<16xf32>
        %swap3A_653 = vector.shape_cast %select_n3A_641 : vector<16xf32> to vector<1x1x1x16xf32>
        tpu.vector_store %arg7[%swap3A_647, %swap3A_648, %swap3A_649, %swap3A_650], %swap3A_653 {strides = array<i32>} : memref<2x5x8x512xf32, #tpu.memory_space<vmem>>, vector<1x1x1x16xf32>,
        %select_n3A_654 = arith.select %eq3A_611, %gather3A_144, %gather3A_219 : vector<16xi1>, vector<16xf32>
        %select_n3A_655 = arith.select %eq3A_608, %gather3A_69, %select_n3A_654 : vector<16xi1>, vector<16xf32>
        %mul3A_656 = arith.constant 16 : i32
        %mul3A_657 = arith.muli %scan3A_428, %mul3A_656 : i32
        %swap3A_658 = arith.constant 0 : i32
        %swap3A_659 = arith.constant 3 : i32
        %swap3A_660 = arith.constant 2 : i32
        %swap3A_661 = arith.index_cast %swap3A_658 : i32 to index
        %swap3A_662 = arith.index_cast %swap3A_659 : i32 to index
        %swap3A_663 = arith.index_cast %swap3A_660 : i32 to index
        %swap3A_664 = arith.index_cast %mul3A_657 : i32 to index
        %swap3A_665 = tpu.vector_load %arg7[%swap3A_661, %swap3A_662, %swap3A_663, %swap3A_664] {strides = array<i32>} : memref<2x5x8x512xf32, #tpu.memory_space<vmem>>, vector<1x1x1x16xf32>,
        %swap3A_666 = vector.shape_cast %swap3A_665 : vector<1x1x1x16xf32> to vector<16xf32>
        %swap3A_667 = vector.shape_cast %select_n3A_655 : vector<16xf32> to vector<1x1x1x16xf32>
        tpu.vector_store %arg7[%swap3A_661, %swap3A_662, %swap3A_663, %swap3A_664], %swap3A_667 {strides = array<i32>} : memref<2x5x8x512xf32, #tpu.memory_space<vmem>>, vector<1x1x1x16xf32>,
        %select_n3A_668 = arith.select %eq3A_611, %gather3A_159, %gather3A_234 : vector<16xi1>, vector<16xf32>
        %select_n3A_669 = arith.select %eq3A_608, %gather3A_84, %select_n3A_668 : vector<16xi1>, vector<16xf32>
        %mul3A_670 = arith.constant 16 : i32
        %mul3A_671 = arith.muli %scan3A_428, %mul3A_670 : i32
        %swap3A_672 = arith.constant 0 : i32
        %swap3A_673 = arith.constant 4 : i32
        %swap3A_674 = arith.constant 2 : i32
        %swap3A_675 = arith.index_cast %swap3A_672 : i32 to index
        %swap3A_676 = arith.index_cast %swap3A_673 : i32 to index
        %swap3A_677 = arith.index_cast %swap3A_674 : i32 to index
        %swap3A_678 = arith.index_cast %mul3A_671 : i32 to index
        %swap3A_679 = tpu.vector_load %arg7[%swap3A_675, %swap3A_676, %swap3A_677, %swap3A_678] {strides = array<i32>} : memref<2x5x8x512xf32, #tpu.memory_space<vmem>>, vector<1x1x1x16xf32>,
        %swap3A_680 = vector.shape_cast %swap3A_679 : vector<1x1x1x16xf32> to vector<16xf32>
        %swap3A_681 = vector.shape_cast %select_n3A_669 : vector<16xf32> to vector<1x1x1x16xf32>
        tpu.vector_store %arg7[%swap3A_675, %swap3A_676, %swap3A_677, %swap3A_678], %swap3A_681 {strides = array<i32>} : memref<2x5x8x512xf32, #tpu.memory_space<vmem>>, vector<1x1x1x16xf32>,
        %mul3A_682 = arith.constant 16 : i32
        %mul3A_683 = arith.muli %scan3A_428, %mul3A_682 : i32
        %get3A_684 = arith.constant 0 : i32
        %get3A_685 = arith.constant 3 : i32
        %get3A_686 = arith.index_cast %get3A_684 : i32 to index
        %get3A_687 = arith.index_cast %get3A_685 : i32 to index
        %get3A_688 = arith.index_cast %mul3A_683 : i32 to index
        %get3A_689 = tpu.vector_load %arg6[%get3A_686, %get3A_687, %get3A_688] {strides = array<i32>} : memref<2x8x512xi32, #tpu.memory_space<vmem>>, vector<1x1x16xi32>,
        %get3A_690 = vector.shape_cast %get3A_689 : vector<1x1x16xi32> to vector<16xi32>
        %eq3A_691 = arith.constant 0 : i32
        %eq3A_692 = vector.broadcast %eq3A_691 : i32 to vector<16xi32>
        %eq3A_693 = arith.cmpi eq, %get3A_690, %eq3A_692 : vector<16xi32>
        %eq3A_694 = arith.constant 1 : i32
        %eq3A_695 = vector.broadcast %eq3A_694 : i32 to vector<16xi32>
        %eq3A_696 = arith.cmpi eq, %get3A_690, %eq3A_695 : vector<16xi32>
        %select_n3A_697 = arith.select %eq3A_696, %gather3A_99, %gather3A_174 : vector<16xi1>, vector<16xf32>
        %select_n3A_698 = arith.select %eq3A_693, %gather3A_24, %select_n3A_697 : vector<16xi1>, vector<16xf32>
        %mul3A_699 = arith.constant 16 : i32
        %mul3A_700 = arith.muli %scan3A_428, %mul3A_699 : i32
        %swap3A_701 = arith.constant 0 : i32
        %swap3A_702 = arith.constant 0 : i32
        %swap3A_703 = arith.constant 3 : i32
        %swap3A_704 = arith.index_cast %swap3A_701 : i32 to index
        %swap3A_705 = arith.index_cast %swap3A_702 : i32 to index
        %swap3A_706 = arith.index_cast %swap3A_703 : i32 to index
        %swap3A_707 = arith.index_cast %mul3A_700 : i32 to index
        %swap3A_708 = tpu.vector_load %arg7[%swap3A_704, %swap3A_705, %swap3A_706, %swap3A_707] {strides = array<i32>} : memref<2x5x8x512xf32, #tpu.memory_space<vmem>>, vector<1x1x1x16xf32>,
        %swap3A_709 = vector.shape_cast %swap3A_708 : vector<1x1x1x16xf32> to vector<16xf32>
        %swap3A_710 = vector.shape_cast %select_n3A_698 : vector<16xf32> to vector<1x1x1x16xf32>
        tpu.vector_store %arg7[%swap3A_704, %swap3A_705, %swap3A_706, %swap3A_707], %swap3A_710 {strides = array<i32>} : memref<2x5x8x512xf32, #tpu.memory_space<vmem>>, vector<1x1x1x16xf32>,
        %select_n3A_711 = arith.select %eq3A_696, %gather3A_114, %gather3A_189 : vector<16xi1>, vector<16xf32>
        %select_n3A_712 = arith.select %eq3A_693, %gather3A_39, %select_n3A_711 : vector<16xi1>, vector<16xf32>
        %mul3A_713 = arith.constant 16 : i32
        %mul3A_714 = arith.muli %scan3A_428, %mul3A_713 : i32
        %swap3A_715 = arith.constant 0 : i32
        %swap3A_716 = arith.constant 1 : i32
        %swap3A_717 = arith.constant 3 : i32
        %swap3A_718 = arith.index_cast %swap3A_715 : i32 to index
        %swap3A_719 = arith.index_cast %swap3A_716 : i32 to index
        %swap3A_720 = arith.index_cast %swap3A_717 : i32 to index
        %swap3A_721 = arith.index_cast %mul3A_714 : i32 to index
        %swap3A_722 = tpu.vector_load %arg7[%swap3A_718, %swap3A_719, %swap3A_720, %swap3A_721] {strides = array<i32>} : memref<2x5x8x512xf32, #tpu.memory_space<vmem>>, vector<1x1x1x16xf32>,
        %swap3A_723 = vector.shape_cast %swap3A_722 : vector<1x1x1x16xf32> to vector<16xf32>
        %swap3A_724 = vector.shape_cast %select_n3A_712 : vector<16xf32> to vector<1x1x1x16xf32>
        tpu.vector_store %arg7[%swap3A_718, %swap3A_719, %swap3A_720, %swap3A_721], %swap3A_724 {strides = array<i32>} : memref<2x5x8x512xf32, #tpu.memory_space<vmem>>, vector<1x1x1x16xf32>,
        %select_n3A_725 = arith.select %eq3A_696, %gather3A_129, %gather3A_204 : vector<16xi1>, vector<16xf32>
        %select_n3A_726 = arith.select %eq3A_693, %gather3A_54, %select_n3A_725 : vector<16xi1>, vector<16xf32>
        %mul3A_727 = arith.constant 16 : i32
        %mul3A_728 = arith.muli %scan3A_428, %mul3A_727 : i32
        %swap3A_729 = arith.constant 0 : i32
        %swap3A_730 = arith.constant 2 : i32
        %swap3A_731 = arith.constant 3 : i32
        %swap3A_732 = arith.index_cast %swap3A_729 : i32 to index
        %swap3A_733 = arith.index_cast %swap3A_730 : i32 to index
        %swap3A_734 = arith.index_cast %swap3A_731 : i32 to index
        %swap3A_735 = arith.index_cast %mul3A_728 : i32 to index
        %swap3A_736 = tpu.vector_load %arg7[%swap3A_732, %swap3A_733, %swap3A_734, %swap3A_735] {strides = array<i32>} : memref<2x5x8x512xf32, #tpu.memory_space<vmem>>, vector<1x1x1x16xf32>,
        %swap3A_737 = vector.shape_cast %swap3A_736 : vector<1x1x1x16xf32> to vector<16xf32>
        %swap3A_738 = vector.shape_cast %select_n3A_726 : vector<16xf32> to vector<1x1x1x16xf32>
        tpu.vector_store %arg7[%swap3A_732, %swap3A_733, %swap3A_734, %swap3A_735], %swap3A_738 {strides = array<i32>} : memref<2x5x8x512xf32, #tpu.memory_space<vmem>>, vector<1x1x1x16xf32>,
        %select_n3A_739 = arith.select %eq3A_696, %gather3A_144, %gather3A_219 : vector<16xi1>, vector<16xf32>
        %select_n3A_740 = arith.select %eq3A_693, %gather3A_69, %select_n3A_739 : vector<16xi1>, vector<16xf32>
        %mul3A_741 = arith.constant 16 : i32
        %mul3A_742 = arith.muli %scan3A_428, %mul3A_741 : i32
        %swap3A_743 = arith.constant 0 : i32
        %swap3A_744 = arith.constant 3 : i32
        %swap3A_745 = arith.constant 3 : i32
        %swap3A_746 = arith.index_cast %swap3A_743 : i32 to index
        %swap3A_747 = arith.index_cast %swap3A_744 : i32 to index
        %swap3A_748 = arith.index_cast %swap3A_745 : i32 to index
        %swap3A_749 = arith.index_cast %mul3A_742 : i32 to index
        %swap3A_750 = tpu.vector_load %arg7[%swap3A_746, %swap3A_747, %swap3A_748, %swap3A_749] {strides = array<i32>} : memref<2x5x8x512xf32, #tpu.memory_space<vmem>>, vector<1x1x1x16xf32>,
        %swap3A_751 = vector.shape_cast %swap3A_750 : vector<1x1x1x16xf32> to vector<16xf32>
        %swap3A_752 = vector.shape_cast %select_n3A_740 : vector<16xf32> to vector<1x1x1x16xf32>
        tpu.vector_store %arg7[%swap3A_746, %swap3A_747, %swap3A_748, %swap3A_749], %swap3A_752 {strides = array<i32>} : memref<2x5x8x512xf32, #tpu.memory_space<vmem>>, vector<1x1x1x16xf32>,
        %select_n3A_753 = arith.select %eq3A_696, %gather3A_159, %gather3A_234 : vector<16xi1>, vector<16xf32>
        %select_n3A_754 = arith.select %eq3A_693, %gather3A_84, %select_n3A_753 : vector<16xi1>, vector<16xf32>
        %mul3A_755 = arith.constant 16 : i32
        %mul3A_756 = arith.muli %scan3A_428, %mul3A_755 : i32
        %swap3A_757 = arith.constant 0 : i32
        %swap3A_758 = arith.constant 4 : i32
        %swap3A_759 = arith.constant 3 : i32
        %swap3A_760 = arith.index_cast %swap3A_757 : i32 to index
        %swap3A_761 = arith.index_cast %swap3A_758 : i32 to index
        %swap3A_762 = arith.index_cast %swap3A_759 : i32 to index
        %swap3A_763 = arith.index_cast %mul3A_756 : i32 to index
        %swap3A_764 = tpu.vector_load %arg7[%swap3A_760, %swap3A_761, %swap3A_762, %swap3A_763] {strides = array<i32>} : memref<2x5x8x512xf32, #tpu.memory_space<vmem>>, vector<1x1x1x16xf32>,
        %swap3A_765 = vector.shape_cast %swap3A_764 : vector<1x1x1x16xf32> to vector<16xf32>
        %swap3A_766 = vector.shape_cast %select_n3A_754 : vector<16xf32> to vector<1x1x1x16xf32>
        tpu.vector_store %arg7[%swap3A_760, %swap3A_761, %swap3A_762, %swap3A_763], %swap3A_766 {strides = array<i32>} : memref<2x5x8x512xf32, #tpu.memory_space<vmem>>, vector<1x1x1x16xf32>,
        %mul3A_767 = arith.constant 16 : i32
        %mul3A_768 = arith.muli %scan3A_428, %mul3A_767 : i32
        %get3A_769 = arith.constant 0 : i32
        %get3A_770 = arith.constant 4 : i32
        %get3A_771 = arith.index_cast %get3A_769 : i32 to index
        %get3A_772 = arith.index_cast %get3A_770 : i32 to index
        %get3A_773 = arith.index_cast %mul3A_768 : i32 to index
        %get3A_774 = tpu.vector_load %arg6[%get3A_771, %get3A_772, %get3A_773] {strides = array<i32>} : memref<2x8x512xi32, #tpu.memory_space<vmem>>, vector<1x1x16xi32>,
        %get3A_775 = vector.shape_cast %get3A_774 : vector<1x1x16xi32> to vector<16xi32>
        %eq3A_776 = arith.constant 0 : i32
        %eq3A_777 = vector.broadcast %eq3A_776 : i32 to vector<16xi32>
        %eq3A_778 = arith.cmpi eq, %get3A_775, %eq3A_777 : vector<16xi32>
        %eq3A_779 = arith.constant 1 : i32
        %eq3A_780 = vector.broadcast %eq3A_779 : i32 to vector<16xi32>
        %eq3A_781 = arith.cmpi eq, %get3A_775, %eq3A_780 : vector<16xi32>
        %select_n3A_782 = arith.select %eq3A_781, %gather3A_99, %gather3A_174 : vector<16xi1>, vector<16xf32>
        %select_n3A_783 = arith.select %eq3A_778, %gather3A_24, %select_n3A_782 : vector<16xi1>, vector<16xf32>
        %mul3A_784 = arith.constant 16 : i32
        %mul3A_785 = arith.muli %scan3A_428, %mul3A_784 : i32
        %swap3A_786 = arith.constant 0 : i32
        %swap3A_787 = arith.constant 0 : i32
        %swap3A_788 = arith.constant 4 : i32
        %swap3A_789 = arith.index_cast %swap3A_786 : i32 to index
        %swap3A_790 = arith.index_cast %swap3A_787 : i32 to index
        %swap3A_791 = arith.index_cast %swap3A_788 : i32 to index
        %swap3A_792 = arith.index_cast %mul3A_785 : i32 to index
        %swap3A_793 = tpu.vector_load %arg7[%swap3A_789, %swap3A_790, %swap3A_791, %swap3A_792] {strides = array<i32>} : memref<2x5x8x512xf32, #tpu.memory_space<vmem>>, vector<1x1x1x16xf32>,
        %swap3A_794 = vector.shape_cast %swap3A_793 : vector<1x1x1x16xf32> to vector<16xf32>
        %swap3A_795 = vector.shape_cast %select_n3A_783 : vector<16xf32> to vector<1x1x1x16xf32>
        tpu.vector_store %arg7[%swap3A_789, %swap3A_790, %swap3A_791, %swap3A_792], %swap3A_795 {strides = array<i32>} : memref<2x5x8x512xf32, #tpu.memory_space<vmem>>, vector<1x1x1x16xf32>,
        %select_n3A_796 = arith.select %eq3A_781, %gather3A_114, %gather3A_189 : vector<16xi1>, vector<16xf32>
        %select_n3A_797 = arith.select %eq3A_778, %gather3A_39, %select_n3A_796 : vector<16xi1>, vector<16xf32>
        %mul3A_798 = arith.constant 16 : i32
        %mul3A_799 = arith.muli %scan3A_428, %mul3A_798 : i32
        %swap3A_800 = arith.constant 0 : i32
        %swap3A_801 = arith.constant 1 : i32
        %swap3A_802 = arith.constant 4 : i32
        %swap3A_803 = arith.index_cast %swap3A_800 : i32 to index
        %swap3A_804 = arith.index_cast %swap3A_801 : i32 to index
        %swap3A_805 = arith.index_cast %swap3A_802 : i32 to index
        %swap3A_806 = arith.index_cast %mul3A_799 : i32 to index
        %swap3A_807 = tpu.vector_load %arg7[%swap3A_803, %swap3A_804, %swap3A_805, %swap3A_806] {strides = array<i32>} : memref<2x5x8x512xf32, #tpu.memory_space<vmem>>, vector<1x1x1x16xf32>,
        %swap3A_808 = vector.shape_cast %swap3A_807 : vector<1x1x1x16xf32> to vector<16xf32>
        %swap3A_809 = vector.shape_cast %select_n3A_797 : vector<16xf32> to vector<1x1x1x16xf32>
        tpu.vector_store %arg7[%swap3A_803, %swap3A_804, %swap3A_805, %swap3A_806], %swap3A_809 {strides = array<i32>} : memref<2x5x8x512xf32, #tpu.memory_space<vmem>>, vector<1x1x1x16xf32>,
        %select_n3A_810 = arith.select %eq3A_781, %gather3A_129, %gather3A_204 : vector<16xi1>, vector<16xf32>
        %select_n3A_811 = arith.select %eq3A_778, %gather3A_54, %select_n3A_810 : vector<16xi1>, vector<16xf32>
        %mul3A_812 = arith.constant 16 : i32
        %mul3A_813 = arith.muli %scan3A_428, %mul3A_812 : i32
        %swap3A_814 = arith.constant 0 : i32
        %swap3A_815 = arith.constant 2 : i32
        %swap3A_816 = arith.constant 4 : i32
        %swap3A_817 = arith.index_cast %swap3A_814 : i32 to index
        %swap3A_818 = arith.index_cast %swap3A_815 : i32 to index
        %swap3A_819 = arith.index_cast %swap3A_816 : i32 to index
        %swap3A_820 = arith.index_cast %mul3A_813 : i32 to index
        %swap3A_821 = tpu.vector_load %arg7[%swap3A_817, %swap3A_818, %swap3A_819, %swap3A_820] {strides = array<i32>} : memref<2x5x8x512xf32, #tpu.memory_space<vmem>>, vector<1x1x1x16xf32>,
        %swap3A_822 = vector.shape_cast %swap3A_821 : vector<1x1x1x16xf32> to vector<16xf32>
        %swap3A_823 = vector.shape_cast %select_n3A_811 : vector<16xf32> to vector<1x1x1x16xf32>
        tpu.vector_store %arg7[%swap3A_817, %swap3A_818, %swap3A_819, %swap3A_820], %swap3A_823 {strides = array<i32>} : memref<2x5x8x512xf32, #tpu.memory_space<vmem>>, vector<1x1x1x16xf32>,
        %select_n3A_824 = arith.select %eq3A_781, %gather3A_144, %gather3A_219 : vector<16xi1>, vector<16xf32>
        %select_n3A_825 = arith.select %eq3A_778, %gather3A_69, %select_n3A_824 : vector<16xi1>, vector<16xf32>
        %mul3A_826 = arith.constant 16 : i32
        %mul3A_827 = arith.muli %scan3A_428, %mul3A_826 : i32
        %swap3A_828 = arith.constant 0 : i32
        %swap3A_829 = arith.constant 3 : i32
        %swap3A_830 = arith.constant 4 : i32
        %swap3A_831 = arith.index_cast %swap3A_828 : i32 to index
        %swap3A_832 = arith.index_cast %swap3A_829 : i32 to index
        %swap3A_833 = arith.index_cast %swap3A_830 : i32 to index
        %swap3A_834 = arith.index_cast %mul3A_827 : i32 to index
        %swap3A_835 = tpu.vector_load %arg7[%swap3A_831, %swap3A_832, %swap3A_833, %swap3A_834] {strides = array<i32>} : memref<2x5x8x512xf32, #tpu.memory_space<vmem>>, vector<1x1x1x16xf32>,
        %swap3A_836 = vector.shape_cast %swap3A_835 : vector<1x1x1x16xf32> to vector<16xf32>
        %swap3A_837 = vector.shape_cast %select_n3A_825 : vector<16xf32> to vector<1x1x1x16xf32>
        tpu.vector_store %arg7[%swap3A_831, %swap3A_832, %swap3A_833, %swap3A_834], %swap3A_837 {strides = array<i32>} : memref<2x5x8x512xf32, #tpu.memory_space<vmem>>, vector<1x1x1x16xf32>,
        %select_n3A_838 = arith.select %eq3A_781, %gather3A_159, %gather3A_234 : vector<16xi1>, vector<16xf32>
        %select_n3A_839 = arith.select %eq3A_778, %gather3A_84, %select_n3A_838 : vector<16xi1>, vector<16xf32>
        %mul3A_840 = arith.constant 16 : i32
        %mul3A_841 = arith.muli %scan3A_428, %mul3A_840 : i32
        %swap3A_842 = arith.constant 0 : i32
        %swap3A_843 = arith.constant 4 : i32
        %swap3A_844 = arith.constant 4 : i32
        %swap3A_845 = arith.index_cast %swap3A_842 : i32 to index
        %swap3A_846 = arith.index_cast %swap3A_843 : i32 to index
        %swap3A_847 = arith.index_cast %swap3A_844 : i32 to index
        %swap3A_848 = arith.index_cast %mul3A_841 : i32 to index
        %swap3A_849 = tpu.vector_load %arg7[%swap3A_845, %swap3A_846, %swap3A_847, %swap3A_848] {strides = array<i32>} : memref<2x5x8x512xf32, #tpu.memory_space<vmem>>, vector<1x1x1x16xf32>,
        %swap3A_850 = vector.shape_cast %swap3A_849 : vector<1x1x1x16xf32> to vector<16xf32>
        %swap3A_851 = vector.shape_cast %select_n3A_839 : vector<16xf32> to vector<1x1x1x16xf32>
        tpu.vector_store %arg7[%swap3A_845, %swap3A_846, %swap3A_847, %swap3A_848], %swap3A_851 {strides = array<i32>} : memref<2x5x8x512xf32, #tpu.memory_space<vmem>>, vector<1x1x1x16xf32>,
        %mul3A_852 = arith.constant 16 : i32
        %mul3A_853 = arith.muli %scan3A_428, %mul3A_852 : i32
        %get3A_854 = arith.constant 0 : i32
        %get3A_855 = arith.constant 5 : i32
        %get3A_856 = arith.index_cast %get3A_854 : i32 to index
        %get3A_857 = arith.index_cast %get3A_855 : i32 to index
        %get3A_858 = arith.index_cast %mul3A_853 : i32 to index
        %get3A_859 = tpu.vector_load %arg6[%get3A_856, %get3A_857, %get3A_858] {strides = array<i32>} : memref<2x8x512xi32, #tpu.memory_space<vmem>>, vector<1x1x16xi32>,
        %get3A_860 = vector.shape_cast %get3A_859 : vector<1x1x16xi32> to vector<16xi32>
        %eq3A_861 = arith.constant 0 : i32
        %eq3A_862 = vector.broadcast %eq3A_861 : i32 to vector<16xi32>
        %eq3A_863 = arith.cmpi eq, %get3A_860, %eq3A_862 : vector<16xi32>
        %eq3A_864 = arith.constant 1 : i32
        %eq3A_865 = vector.broadcast %eq3A_864 : i32 to vector<16xi32>
        %eq3A_866 = arith.cmpi eq, %get3A_860, %eq3A_865 : vector<16xi32>
        %select_n3A_867 = arith.select %eq3A_866, %gather3A_99, %gather3A_174 : vector<16xi1>, vector<16xf32>
        %select_n3A_868 = arith.select %eq3A_863, %gather3A_24, %select_n3A_867 : vector<16xi1>, vector<16xf32>
        %mul3A_869 = arith.constant 16 : i32
        %mul3A_870 = arith.muli %scan3A_428, %mul3A_869 : i32
        %swap3A_871 = arith.constant 0 : i32
        %swap3A_872 = arith.constant 0 : i32
        %swap3A_873 = arith.constant 5 : i32
        %swap3A_874 = arith.index_cast %swap3A_871 : i32 to index
        %swap3A_875 = arith.index_cast %swap3A_872 : i32 to index
        %swap3A_876 = arith.index_cast %swap3A_873 : i32 to index
        %swap3A_877 = arith.index_cast %mul3A_870 : i32 to index
        %swap3A_878 = tpu.vector_load %arg7[%swap3A_874, %swap3A_875, %swap3A_876, %swap3A_877] {strides = array<i32>} : memref<2x5x8x512xf32, #tpu.memory_space<vmem>>, vector<1x1x1x16xf32>,
        %swap3A_879 = vector.shape_cast %swap3A_878 : vector<1x1x1x16xf32> to vector<16xf32>
        %swap3A_880 = vector.shape_cast %select_n3A_868 : vector<16xf32> to vector<1x1x1x16xf32>
        tpu.vector_store %arg7[%swap3A_874, %swap3A_875, %swap3A_876, %swap3A_877], %swap3A_880 {strides = array<i32>} : memref<2x5x8x512xf32, #tpu.memory_space<vmem>>, vector<1x1x1x16xf32>,
        %select_n3A_881 = arith.select %eq3A_866, %gather3A_114, %gather3A_189 : vector<16xi1>, vector<16xf32>
        %select_n3A_882 = arith.select %eq3A_863, %gather3A_39, %select_n3A_881 : vector<16xi1>, vector<16xf32>
        %mul3A_883 = arith.constant 16 : i32
        %mul3A_884 = arith.muli %scan3A_428, %mul3A_883 : i32
        %swap3A_885 = arith.constant 0 : i32
        %swap3A_886 = arith.constant 1 : i32
        %swap3A_887 = arith.constant 5 : i32
        %swap3A_888 = arith.index_cast %swap3A_885 : i32 to index
        %swap3A_889 = arith.index_cast %swap3A_886 : i32 to index
        %swap3A_890 = arith.index_cast %swap3A_887 : i32 to index
        %swap3A_891 = arith.index_cast %mul3A_884 : i32 to index
        %swap3A_892 = tpu.vector_load %arg7[%swap3A_888, %swap3A_889, %swap3A_890, %swap3A_891] {strides = array<i32>} : memref<2x5x8x512xf32, #tpu.memory_space<vmem>>, vector<1x1x1x16xf32>,
        %swap3A_893 = vector.shape_cast %swap3A_892 : vector<1x1x1x16xf32> to vector<16xf32>
        %swap3A_894 = vector.shape_cast %select_n3A_882 : vector<16xf32> to vector<1x1x1x16xf32>
        tpu.vector_store %arg7[%swap3A_888, %swap3A_889, %swap3A_890, %swap3A_891], %swap3A_894 {strides = array<i32>} : memref<2x5x8x512xf32, #tpu.memory_space<vmem>>, vector<1x1x1x16xf32>,
        %select_n3A_895 = arith.select %eq3A_866, %gather3A_129, %gather3A_204 : vector<16xi1>, vector<16xf32>
        %select_n3A_896 = arith.select %eq3A_863, %gather3A_54, %select_n3A_895 : vector<16xi1>, vector<16xf32>
        %mul3A_897 = arith.constant 16 : i32
        %mul3A_898 = arith.muli %scan3A_428, %mul3A_897 : i32
        %swap3A_899 = arith.constant 0 : i32
        %swap3A_900 = arith.constant 2 : i32
        %swap3A_901 = arith.constant 5 : i32
        %swap3A_902 = arith.index_cast %swap3A_899 : i32 to index
        %swap3A_903 = arith.index_cast %swap3A_900 : i32 to index
        %swap3A_904 = arith.index_cast %swap3A_901 : i32 to index
        %swap3A_905 = arith.index_cast %mul3A_898 : i32 to index
        %swap3A_906 = tpu.vector_load %arg7[%swap3A_902, %swap3A_903, %swap3A_904, %swap3A_905] {strides = array<i32>} : memref<2x5x8x512xf32, #tpu.memory_space<vmem>>, vector<1x1x1x16xf32>,
        %swap3A_907 = vector.shape_cast %swap3A_906 : vector<1x1x1x16xf32> to vector<16xf32>
        %swap3A_908 = vector.shape_cast %select_n3A_896 : vector<16xf32> to vector<1x1x1x16xf32>
        tpu.vector_store %arg7[%swap3A_902, %swap3A_903, %swap3A_904, %swap3A_905], %swap3A_908 {strides = array<i32>} : memref<2x5x8x512xf32, #tpu.memory_space<vmem>>, vector<1x1x1x16xf32>,
        %select_n3A_909 = arith.select %eq3A_866, %gather3A_144, %gather3A_219 : vector<16xi1>, vector<16xf32>
        %select_n3A_910 = arith.select %eq3A_863, %gather3A_69, %select_n3A_909 : vector<16xi1>, vector<16xf32>
        %mul3A_911 = arith.constant 16 : i32
        %mul3A_912 = arith.muli %scan3A_428, %mul3A_911 : i32
        %swap3A_913 = arith.constant 0 : i32
        %swap3A_914 = arith.constant 3 : i32
        %swap3A_915 = arith.constant 5 : i32
        %swap3A_916 = arith.index_cast %swap3A_913 : i32 to index
        %swap3A_917 = arith.index_cast %swap3A_914 : i32 to index
        %swap3A_918 = arith.index_cast %swap3A_915 : i32 to index
        %swap3A_919 = arith.index_cast %mul3A_912 : i32 to index
        %swap3A_920 = tpu.vector_load %arg7[%swap3A_916, %swap3A_917, %swap3A_918, %swap3A_919] {strides = array<i32>} : memref<2x5x8x512xf32, #tpu.memory_space<vmem>>, vector<1x1x1x16xf32>,
        %swap3A_921 = vector.shape_cast %swap3A_920 : vector<1x1x1x16xf32> to vector<16xf32>
        %swap3A_922 = vector.shape_cast %select_n3A_910 : vector<16xf32> to vector<1x1x1x16xf32>
        tpu.vector_store %arg7[%swap3A_916, %swap3A_917, %swap3A_918, %swap3A_919], %swap3A_922 {strides = array<i32>} : memref<2x5x8x512xf32, #tpu.memory_space<vmem>>, vector<1x1x1x16xf32>,
        %select_n3A_923 = arith.select %eq3A_866, %gather3A_159, %gather3A_234 : vector<16xi1>, vector<16xf32>
        %select_n3A_924 = arith.select %eq3A_863, %gather3A_84, %select_n3A_923 : vector<16xi1>, vector<16xf32>
        %mul3A_925 = arith.constant 16 : i32
        %mul3A_926 = arith.muli %scan3A_428, %mul3A_925 : i32
        %swap3A_927 = arith.constant 0 : i32
        %swap3A_928 = arith.constant 4 : i32
        %swap3A_929 = arith.constant 5 : i32
        %swap3A_930 = arith.index_cast %swap3A_927 : i32 to index
        %swap3A_931 = arith.index_cast %swap3A_928 : i32 to index
        %swap3A_932 = arith.index_cast %swap3A_929 : i32 to index
        %swap3A_933 = arith.index_cast %mul3A_926 : i32 to index
        %swap3A_934 = tpu.vector_load %arg7[%swap3A_930, %swap3A_931, %swap3A_932, %swap3A_933] {strides = array<i32>} : memref<2x5x8x512xf32, #tpu.memory_space<vmem>>, vector<1x1x1x16xf32>,
        %swap3A_935 = vector.shape_cast %swap3A_934 : vector<1x1x1x16xf32> to vector<16xf32>
        %swap3A_936 = vector.shape_cast %select_n3A_924 : vector<16xf32> to vector<1x1x1x16xf32>
        tpu.vector_store %arg7[%swap3A_930, %swap3A_931, %swap3A_932, %swap3A_933], %swap3A_936 {strides = array<i32>} : memref<2x5x8x512xf32, #tpu.memory_space<vmem>>, vector<1x1x1x16xf32>,
        %mul3A_937 = arith.constant 16 : i32
        %mul3A_938 = arith.muli %scan3A_428, %mul3A_937 : i32
        %get3A_939 = arith.constant 0 : i32
        %get3A_940 = arith.constant 6 : i32
        %get3A_941 = arith.index_cast %get3A_939 : i32 to index
        %get3A_942 = arith.index_cast %get3A_940 : i32 to index
        %get3A_943 = arith.index_cast %mul3A_938 : i32 to index
        %get3A_944 = tpu.vector_load %arg6[%get3A_941, %get3A_942, %get3A_943] {strides = array<i32>} : memref<2x8x512xi32, #tpu.memory_space<vmem>>, vector<1x1x16xi32>,
        %get3A_945 = vector.shape_cast %get3A_944 : vector<1x1x16xi32> to vector<16xi32>
        %eq3A_946 = arith.constant 0 : i32
        %eq3A_947 = vector.broadcast %eq3A_946 : i32 to vector<16xi32>
        %eq3A_948 = arith.cmpi eq, %get3A_945, %eq3A_947 : vector<16xi32>
        %eq3A_949 = arith.constant 1 : i32
        %eq3A_950 = vector.broadcast %eq3A_949 : i32 to vector<16xi32>
        %eq3A_951 = arith.cmpi eq, %get3A_945, %eq3A_950 : vector<16xi32>
        %select_n3A_952 = arith.select %eq3A_951, %gather3A_99, %gather3A_174 : vector<16xi1>, vector<16xf32>
        %select_n3A_953 = arith.select %eq3A_948, %gather3A_24, %select_n3A_952 : vector<16xi1>, vector<16xf32>
        %mul3A_954 = arith.constant 16 : i32
        %mul3A_955 = arith.muli %scan3A_428, %mul3A_954 : i32
        %swap3A_956 = arith.constant 0 : i32
        %swap3A_957 = arith.constant 0 : i32
        %swap3A_958 = arith.constant 6 : i32
        %swap3A_959 = arith.index_cast %swap3A_956 : i32 to index
        %swap3A_960 = arith.index_cast %swap3A_957 : i32 to index
        %swap3A_961 = arith.index_cast %swap3A_958 : i32 to index
        %swap3A_962 = arith.index_cast %mul3A_955 : i32 to index
        %swap3A_963 = tpu.vector_load %arg7[%swap3A_959, %swap3A_960, %swap3A_961, %swap3A_962] {strides = array<i32>} : memref<2x5x8x512xf32, #tpu.memory_space<vmem>>, vector<1x1x1x16xf32>,
        %swap3A_964 = vector.shape_cast %swap3A_963 : vector<1x1x1x16xf32> to vector<16xf32>
        %swap3A_965 = vector.shape_cast %select_n3A_953 : vector<16xf32> to vector<1x1x1x16xf32>
        tpu.vector_store %arg7[%swap3A_959, %swap3A_960, %swap3A_961, %swap3A_962], %swap3A_965 {strides = array<i32>} : memref<2x5x8x512xf32, #tpu.memory_space<vmem>>, vector<1x1x1x16xf32>,
        %select_n3A_966 = arith.select %eq3A_951, %gather3A_114, %gather3A_189 : vector<16xi1>, vector<16xf32>
        %select_n3A_967 = arith.select %eq3A_948, %gather3A_39, %select_n3A_966 : vector<16xi1>, vector<16xf32>
        %mul3A_968 = arith.constant 16 : i32
        %mul3A_969 = arith.muli %scan3A_428, %mul3A_968 : i32
        %swap3A_970 = arith.constant 0 : i32
        %swap3A_971 = arith.constant 1 : i32
        %swap3A_972 = arith.constant 6 : i32
        %swap3A_973 = arith.index_cast %swap3A_970 : i32 to index
        %swap3A_974 = arith.index_cast %swap3A_971 : i32 to index
        %swap3A_975 = arith.index_cast %swap3A_972 : i32 to index
        %swap3A_976 = arith.index_cast %mul3A_969 : i32 to index
        %swap3A_977 = tpu.vector_load %arg7[%swap3A_973, %swap3A_974, %swap3A_975, %swap3A_976] {strides = array<i32>} : memref<2x5x8x512xf32, #tpu.memory_space<vmem>>, vector<1x1x1x16xf32>,
        %swap3A_978 = vector.shape_cast %swap3A_977 : vector<1x1x1x16xf32> to vector<16xf32>
        %swap3A_979 = vector.shape_cast %select_n3A_967 : vector<16xf32> to vector<1x1x1x16xf32>
        tpu.vector_store %arg7[%swap3A_973, %swap3A_974, %swap3A_975, %swap3A_976], %swap3A_979 {strides = array<i32>} : memref<2x5x8x512xf32, #tpu.memory_space<vmem>>, vector<1x1x1x16xf32>,
        %select_n3A_980 = arith.select %eq3A_951, %gather3A_129, %gather3A_204 : vector<16xi1>, vector<16xf32>
        %select_n3A_981 = arith.select %eq3A_948, %gather3A_54, %select_n3A_980 : vector<16xi1>, vector<16xf32>
        %mul3A_982 = arith.constant 16 : i32
        %mul3A_983 = arith.muli %scan3A_428, %mul3A_982 : i32
        %swap3A_984 = arith.constant 0 : i32
        %swap3A_985 = arith.constant 2 : i32
        %swap3A_986 = arith.constant 6 : i32
        %swap3A_987 = arith.index_cast %swap3A_984 : i32 to index
        %swap3A_988 = arith.index_cast %swap3A_985 : i32 to index
        %swap3A_989 = arith.index_cast %swap3A_986 : i32 to index
        %swap3A_990 = arith.index_cast %mul3A_983 : i32 to index
        %swap3A_991 = tpu.vector_load %arg7[%swap3A_987, %swap3A_988, %swap3A_989, %swap3A_990] {strides = array<i32>} : memref<2x5x8x512xf32, #tpu.memory_space<vmem>>, vector<1x1x1x16xf32>,
        %swap3A_992 = vector.shape_cast %swap3A_991 : vector<1x1x1x16xf32> to vector<16xf32>
        %swap3A_993 = vector.shape_cast %select_n3A_981 : vector<16xf32> to vector<1x1x1x16xf32>
        tpu.vector_store %arg7[%swap3A_987, %swap3A_988, %swap3A_989, %swap3A_990], %swap3A_993 {strides = array<i32>} : memref<2x5x8x512xf32, #tpu.memory_space<vmem>>, vector<1x1x1x16xf32>,
        %select_n3A_994 = arith.select %eq3A_951, %gather3A_144, %gather3A_219 : vector<16xi1>, vector<16xf32>
        %select_n3A_995 = arith.select %eq3A_948, %gather3A_69, %select_n3A_994 : vector<16xi1>, vector<16xf32>
        %mul3A_996 = arith.constant 16 : i32
        %mul3A_997 = arith.muli %scan3A_428, %mul3A_996 : i32
        %swap3A_998 = arith.constant 0 : i32
        %swap3A_999 = arith.constant 3 : i32
        %swap3A_1000 = arith.constant 6 : i32
        %swap3A_1001 = arith.index_cast %swap3A_998 : i32 to index
        %swap3A_1002 = arith.index_cast %swap3A_999 : i32 to index
        %swap3A_1003 = arith.index_cast %swap3A_1000 : i32 to index
        %swap3A_1004 = arith.index_cast %mul3A_997 : i32 to index
        %swap3A_1005 = tpu.vector_load %arg7[%swap3A_1001, %swap3A_1002, %swap3A_1003, %swap3A_1004] {strides = array<i32>} : memref<2x5x8x512xf32, #tpu.memory_space<vmem>>, vector<1x1x1x16xf32>,
        %swap3A_1006 = vector.shape_cast %swap3A_1005 : vector<1x1x1x16xf32> to vector<16xf32>
        %swap3A_1007 = vector.shape_cast %select_n3A_995 : vector<16xf32> to vector<1x1x1x16xf32>
        tpu.vector_store %arg7[%swap3A_1001, %swap3A_1002, %swap3A_1003, %swap3A_1004], %swap3A_1007 {strides = array<i32>} : memref<2x5x8x512xf32, #tpu.memory_space<vmem>>, vector<1x1x1x16xf32>,
        %select_n3A_1008 = arith.select %eq3A_951, %gather3A_159, %gather3A_234 : vector<16xi1>, vector<16xf32>
        %select_n3A_1009 = arith.select %eq3A_948, %gather3A_84, %select_n3A_1008 : vector<16xi1>, vector<16xf32>
        %mul3A_1010 = arith.constant 16 : i32
        %mul3A_1011 = arith.muli %scan3A_428, %mul3A_1010 : i32
        %swap3A_1012 = arith.constant 0 : i32
        %swap3A_1013 = arith.constant 4 : i32
        %swap3A_1014 = arith.constant 6 : i32
        %swap3A_1015 = arith.index_cast %swap3A_1012 : i32 to index
        %swap3A_1016 = arith.index_cast %swap3A_1013 : i32 to index
        %swap3A_1017 = arith.index_cast %swap3A_1014 : i32 to index
        %swap3A_1018 = arith.index_cast %mul3A_1011 : i32 to index
        %swap3A_1019 = tpu.vector_load %arg7[%swap3A_1015, %swap3A_1016, %swap3A_1017, %swap3A_1018] {strides = array<i32>} : memref<2x5x8x512xf32, #tpu.memory_space<vmem>>, vector<1x1x1x16xf32>,
        %swap3A_1020 = vector.shape_cast %swap3A_1019 : vector<1x1x1x16xf32> to vector<16xf32>
        %swap3A_1021 = vector.shape_cast %select_n3A_1009 : vector<16xf32> to vector<1x1x1x16xf32>
        tpu.vector_store %arg7[%swap3A_1015, %swap3A_1016, %swap3A_1017, %swap3A_1018], %swap3A_1021 {strides = array<i32>} : memref<2x5x8x512xf32, #tpu.memory_space<vmem>>, vector<1x1x1x16xf32>,
        %mul3A_1022 = arith.constant 16 : i32
        %mul3A_1023 = arith.muli %scan3A_428, %mul3A_1022 : i32
        %get3A_1024 = arith.constant 0 : i32
        %get3A_1025 = arith.constant 7 : i32
        %get3A_1026 = arith.index_cast %get3A_1024 : i32 to index
        %get3A_1027 = arith.index_cast %get3A_1025 : i32 to index
        %get3A_1028 = arith.index_cast %mul3A_1023 : i32 to index
        %get3A_1029 = tpu.vector_load %arg6[%get3A_1026, %get3A_1027, %get3A_1028] {strides = array<i32>} : memref<2x8x512xi32, #tpu.memory_space<vmem>>, vector<1x1x16xi32>,
        %get3A_1030 = vector.shape_cast %get3A_1029 : vector<1x1x16xi32> to vector<16xi32>
        %eq3A_1031 = arith.constant 0 : i32
        %eq3A_1032 = vector.broadcast %eq3A_1031 : i32 to vector<16xi32>
        %eq3A_1033 = arith.cmpi eq, %get3A_1030, %eq3A_1032 : vector<16xi32>
        %eq3A_1034 = arith.constant 1 : i32
        %eq3A_1035 = vector.broadcast %eq3A_1034 : i32 to vector<16xi32>
        %eq3A_1036 = arith.cmpi eq, %get3A_1030, %eq3A_1035 : vector<16xi32>
        %select_n3A_1037 = arith.select %eq3A_1036, %gather3A_99, %gather3A_174 : vector<16xi1>, vector<16xf32>
        %select_n3A_1038 = arith.select %eq3A_1033, %gather3A_24, %select_n3A_1037 : vector<16xi1>, vector<16xf32>
        %mul3A_1039 = arith.constant 16 : i32
        %mul3A_1040 = arith.muli %scan3A_428, %mul3A_1039 : i32
        %swap3A_1041 = arith.constant 0 : i32
        %swap3A_1042 = arith.constant 0 : i32
        %swap3A_1043 = arith.constant 7 : i32
        %swap3A_1044 = arith.index_cast %swap3A_1041 : i32 to index
        %swap3A_1045 = arith.index_cast %swap3A_1042 : i32 to index
        %swap3A_1046 = arith.index_cast %swap3A_1043 : i32 to index
        %swap3A_1047 = arith.index_cast %mul3A_1040 : i32 to index
        %swap3A_1048 = tpu.vector_load %arg7[%swap3A_1044, %swap3A_1045, %swap3A_1046, %swap3A_1047] {strides = array<i32>} : memref<2x5x8x512xf32, #tpu.memory_space<vmem>>, vector<1x1x1x16xf32>,
        %swap3A_1049 = vector.shape_cast %swap3A_1048 : vector<1x1x1x16xf32> to vector<16xf32>
        %swap3A_1050 = vector.shape_cast %select_n3A_1038 : vector<16xf32> to vector<1x1x1x16xf32>
        tpu.vector_store %arg7[%swap3A_1044, %swap3A_1045, %swap3A_1046, %swap3A_1047], %swap3A_1050 {strides = array<i32>} : memref<2x5x8x512xf32, #tpu.memory_space<vmem>>, vector<1x1x1x16xf32>,
        %select_n3A_1051 = arith.select %eq3A_1036, %gather3A_114, %gather3A_189 : vector<16xi1>, vector<16xf32>
        %select_n3A_1052 = arith.select %eq3A_1033, %gather3A_39, %select_n3A_1051 : vector<16xi1>, vector<16xf32>
        %mul3A_1053 = arith.constant 16 : i32
        %mul3A_1054 = arith.muli %scan3A_428, %mul3A_1053 : i32
        %swap3A_1055 = arith.constant 0 : i32
        %swap3A_1056 = arith.constant 1 : i32
        %swap3A_1057 = arith.constant 7 : i32
        %swap3A_1058 = arith.index_cast %swap3A_1055 : i32 to index
        %swap3A_1059 = arith.index_cast %swap3A_1056 : i32 to index
        %swap3A_1060 = arith.index_cast %swap3A_1057 : i32 to index
        %swap3A_1061 = arith.index_cast %mul3A_1054 : i32 to index
        %swap3A_1062 = tpu.vector_load %arg7[%swap3A_1058, %swap3A_1059, %swap3A_1060, %swap3A_1061] {strides = array<i32>} : memref<2x5x8x512xf32, #tpu.memory_space<vmem>>, vector<1x1x1x16xf32>,
        %swap3A_1063 = vector.shape_cast %swap3A_1062 : vector<1x1x1x16xf32> to vector<16xf32>
        %swap3A_1064 = vector.shape_cast %select_n3A_1052 : vector<16xf32> to vector<1x1x1x16xf32>
        tpu.vector_store %arg7[%swap3A_1058, %swap3A_1059, %swap3A_1060, %swap3A_1061], %swap3A_1064 {strides = array<i32>} : memref<2x5x8x512xf32, #tpu.memory_space<vmem>>, vector<1x1x1x16xf32>,
        %select_n3A_1065 = arith.select %eq3A_1036, %gather3A_129, %gather3A_204 : vector<16xi1>, vector<16xf32>
        %select_n3A_1066 = arith.select %eq3A_1033, %gather3A_54, %select_n3A_1065 : vector<16xi1>, vector<16xf32>
        %mul3A_1067 = arith.constant 16 : i32
        %mul3A_1068 = arith.muli %scan3A_428, %mul3A_1067 : i32
        %swap3A_1069 = arith.constant 0 : i32
        %swap3A_1070 = arith.constant 2 : i32
        %swap3A_1071 = arith.constant 7 : i32
        %swap3A_1072 = arith.index_cast %swap3A_1069 : i32 to index
        %swap3A_1073 = arith.index_cast %swap3A_1070 : i32 to index
        %swap3A_1074 = arith.index_cast %swap3A_1071 : i32 to index
        %swap3A_1075 = arith.index_cast %mul3A_1068 : i32 to index
        %swap3A_1076 = tpu.vector_load %arg7[%swap3A_1072, %swap3A_1073, %swap3A_1074, %swap3A_1075] {strides = array<i32>} : memref<2x5x8x512xf32, #tpu.memory_space<vmem>>, vector<1x1x1x16xf32>,
        %swap3A_1077 = vector.shape_cast %swap3A_1076 : vector<1x1x1x16xf32> to vector<16xf32>
        %swap3A_1078 = vector.shape_cast %select_n3A_1066 : vector<16xf32> to vector<1x1x1x16xf32>
        tpu.vector_store %arg7[%swap3A_1072, %swap3A_1073, %swap3A_1074, %swap3A_1075], %swap3A_1078 {strides = array<i32>} : memref<2x5x8x512xf32, #tpu.memory_space<vmem>>, vector<1x1x1x16xf32>,
        %select_n3A_1079 = arith.select %eq3A_1036, %gather3A_144, %gather3A_219 : vector<16xi1>, vector<16xf32>
        %select_n3A_1080 = arith.select %eq3A_1033, %gather3A_69, %select_n3A_1079 : vector<16xi1>, vector<16xf32>
        %mul3A_1081 = arith.constant 16 : i32
        %mul3A_1082 = arith.muli %scan3A_428, %mul3A_1081 : i32
        %swap3A_1083 = arith.constant 0 : i32
        %swap3A_1084 = arith.constant 3 : i32
        %swap3A_1085 = arith.constant 7 : i32
        %swap3A_1086 = arith.index_cast %swap3A_1083 : i32 to index
        %swap3A_1087 = arith.index_cast %swap3A_1084 : i32 to index
        %swap3A_1088 = arith.index_cast %swap3A_1085 : i32 to index
        %swap3A_1089 = arith.index_cast %mul3A_1082 : i32 to index
        %swap3A_1090 = tpu.vector_load %arg7[%swap3A_1086, %swap3A_1087, %swap3A_1088, %swap3A_1089] {strides = array<i32>} : memref<2x5x8x512xf32, #tpu.memory_space<vmem>>, vector<1x1x1x16xf32>,
        %swap3A_1091 = vector.shape_cast %swap3A_1090 : vector<1x1x1x16xf32> to vector<16xf32>
        %swap3A_1092 = vector.shape_cast %select_n3A_1080 : vector<16xf32> to vector<1x1x1x16xf32>
        tpu.vector_store %arg7[%swap3A_1086, %swap3A_1087, %swap3A_1088, %swap3A_1089], %swap3A_1092 {strides = array<i32>} : memref<2x5x8x512xf32, #tpu.memory_space<vmem>>, vector<1x1x1x16xf32>,
        %select_n3A_1093 = arith.select %eq3A_1036, %gather3A_159, %gather3A_234 : vector<16xi1>, vector<16xf32>
        %select_n3A_1094 = arith.select %eq3A_1033, %gather3A_84, %select_n3A_1093 : vector<16xi1>, vector<16xf32>
        %mul3A_1095 = arith.constant 16 : i32
        %mul3A_1096 = arith.muli %scan3A_428, %mul3A_1095 : i32
        %swap3A_1097 = arith.constant 0 : i32
        %swap3A_1098 = arith.constant 4 : i32
        %swap3A_1099 = arith.constant 7 : i32
        %swap3A_1100 = arith.index_cast %swap3A_1097 : i32 to index
        %swap3A_1101 = arith.index_cast %swap3A_1098 : i32 to index
        %swap3A_1102 = arith.index_cast %swap3A_1099 : i32 to index
        %swap3A_1103 = arith.index_cast %mul3A_1096 : i32 to index
        %swap3A_1104 = tpu.vector_load %arg7[%swap3A_1100, %swap3A_1101, %swap3A_1102, %swap3A_1103] {strides = array<i32>} : memref<2x5x8x512xf32, #tpu.memory_space<vmem>>, vector<1x1x1x16xf32>,
        %swap3A_1105 = vector.shape_cast %swap3A_1104 : vector<1x1x1x16xf32> to vector<16xf32>
        %swap3A_1106 = vector.shape_cast %select_n3A_1094 : vector<16xf32> to vector<1x1x1x16xf32>
        tpu.vector_store %arg7[%swap3A_1100, %swap3A_1101, %swap3A_1102, %swap3A_1103], %swap3A_1106 {strides = array<i32>} : memref<2x5x8x512xf32, #tpu.memory_space<vmem>>, vector<1x1x1x16xf32>,
      }
      %scan3A_358 = arith.constant 32 : i32
      %mul3A_359 = arith.constant 8 : i32
      %mul3A_360 = arith.muli %add3A_330, %mul3A_359 : i32
      %dma_start3A_361 = arith.constant 0 : i32
      %dma_start3A_362 = arith.constant 0 : i32
      %dma_start3A_363 = arith.constant 0 : i32
      %dma_start3A_364 = arith.constant 0 : i32
      %dma_start3A_365 = tpu.memref_slice %arg7[%dma_start3A_361, %dma_start3A_362, %dma_start3A_363, %dma_start3A_364] : memref<2x5x8x512xf32, #tpu.memory_space<vmem>> -> memref<1x5x8x512xf32, #tpu.memory_space<vmem>>
      %dma_start3A_366 = tpu.memref_squeeze %dma_start3A_365 : memref<1x5x8x512xf32, #tpu.memory_space<vmem>> -> memref<5x8x512xf32, #tpu.memory_space<vmem>>
      %dma_start3A_367 = arith.constant 0 : i32
      %dma_start3A_368 = tpu.memref_slice %arg4[%dma_start3A_367, %mul3A_360, %mul3A_2] : memref<5x200x16384xf32, #tpu.memory_space<hbm>> -> memref<5x8x512xf32, #tpu.memory_space<hbm>>
      %dma_start3A_369 = arith.constant 0 : i32
      %dma_start3A_370 = tpu.memref_slice %arg4[%dma_start3A_369, %mul3A_360, %mul3A_2] : memref<5x200x16384xf32, #tpu.memory_space<hbm>> -> memref<5x8x512xf32, #tpu.memory_space<hbm>>
      %dma_start3A_371 = arith.constant 0 : i32
      %dma_start3A_372 = arith.constant 0 : i32
      %dma_start3A_373 = arith.constant 0 : i32
      %dma_start3A_374 = tpu.memref_slice %arg7[%dma_start3A_361, %dma_start3A_371, %dma_start3A_372, %dma_start3A_373] : memref<2x5x8x512xf32, #tpu.memory_space<vmem>> -> memref<1x5x8x512xf32, #tpu.memory_space<vmem>>
      %dma_start3A_375 = tpu.memref_squeeze %dma_start3A_374 : memref<1x5x8x512xf32, #tpu.memory_space<vmem>> -> memref<5x8x512xf32, #tpu.memory_space<vmem>>
      tpu.enqueue_dma source(%dma_start3A_375 : memref<5x8x512xf32, #tpu.memory_space<vmem>>) target(%dma_start3A_370 : memref<5x8x512xf32, #tpu.memory_space<hbm>>) target_semaphore(%arg10 : memref<!tpu.dma_semaphore, #tpu.memory_space<semaphore_mem>>)
      %mul3A_376 = arith.constant 2 : i32
      %mul3A_377 = arith.muli %mul3A_376, %scan3A_326 : i32
      %add3A_378 = arith.constant 1 : i32
      %add3A_379 = arith.addi %mul3A_377, %add3A_378 : i32
      %add3A_380 = arith.constant 1 : i32
      %add3A_381 = arith.addi %add3A_379, %add3A_380 : i32
      %lt3A_382 = arith.constant 25 : i32
      %lt3A_383 = arith.cmpi slt, %add3A_381, %lt3A_382 : i32
      %convert_element_type3A_384 = arith.extui %lt3A_383 : i1 to i32
      %cond3A_385 = arith.constant 0 : i32
      %cond3A_386 = arith.cmpi ne, %convert_element_type3A_384, %cond3A_385 : i32
      scf.if %cond3A_386 {
        %add3A_428 = arith.constant 1 : i32
        %add3A_429 = arith.addi %add3A_379, %add3A_428 : i32
        %mul3A_430 = arith.constant 8 : i32
        %mul3A_431 = arith.muli %add3A_429, %mul3A_430 : i32
        %dma_start3A_432 = arith.constant 0 : i32
        %dma_start3A_433 = arith.constant 0 : i32
        %dma_start3A_434 = arith.constant 0 : i32
        %dma_start3A_435 = tpu.memref_slice %arg6[%dma_start3A_432, %dma_start3A_433, %dma_start3A_434] : memref<2x8x512xi32, #tpu.memory_space<vmem>> -> memref<1x8x512xi32, #tpu.memory_space<vmem>>
        %dma_start3A_436 = tpu.memref_squeeze %dma_start3A_435 : memref<1x8x512xi32, #tpu.memory_space<vmem>> -> memref<8x512xi32, #tpu.memory_space<vmem>>
        %dma_start3A_437 = tpu.memref_slice %arg2[%mul3A_431, %mul3A_2] : memref<200x16384xi32, #tpu.memory_space<hbm>> -> memref<8x512xi32, #tpu.memory_space<hbm>>
        %dma_start3A_438 = arith.constant 0 : i32
        %dma_start3A_439 = arith.constant 0 : i32
        %dma_start3A_440 = tpu.memref_slice %arg6[%dma_start3A_432, %dma_start3A_438, %dma_start3A_439] : memref<2x8x512xi32, #tpu.memory_space<vmem>> -> memref<1x8x512xi32, #tpu.memory_space<vmem>>
        %dma_start3A_441 = tpu.memref_squeeze %dma_start3A_440 : memref<1x8x512xi32, #tpu.memory_space<vmem>> -> memref<8x512xi32, #tpu.memory_space<vmem>>
        %dma_start3A_442 = tpu.memref_slice %arg2[%mul3A_431, %mul3A_2] : memref<200x16384xi32, #tpu.memory_space<hbm>> -> memref<8x512xi32, #tpu.memory_space<hbm>>
        tpu.enqueue_dma source(%dma_start3A_442 : memref<8x512xi32, #tpu.memory_space<hbm>>) target(%dma_start3A_441 : memref<8x512xi32, #tpu.memory_space<vmem>>) target_semaphore(%arg8 : memref<!tpu.dma_semaphore, #tpu.memory_space<semaphore_mem>>)
      } else {
      }
      %mul3A_387 = arith.constant 8 : i32
      %mul3A_388 = arith.muli %add3A_379, %mul3A_387 : i32
      %dma_wait3A_389 = arith.constant 1 : i32
      %dma_wait3A_390 = arith.constant 0 : i32
      %dma_wait3A_391 = arith.constant 0 : i32
      %dma_wait3A_392 = tpu.memref_slice %arg6[%dma_wait3A_389, %dma_wait3A_390, %dma_wait3A_391] : memref<2x8x512xi32, #tpu.memory_space<vmem>> -> memref<1x8x512xi32, #tpu.memory_space<vmem>>
      %dma_wait3A_393 = tpu.memref_squeeze %dma_wait3A_392 : memref<1x8x512xi32, #tpu.memory_space<vmem>> -> memref<8x512xi32, #tpu.memory_space<vmem>>
      %dma_wait3A_394 = tpu.memref_slice %arg2[%mul3A_388, %mul3A_2] : memref<200x16384xi32, #tpu.memory_space<hbm>> -> memref<8x512xi32, #tpu.memory_space<hbm>>
      %dma_wait3A_395 = arith.constant 0 : i32
      %dma_wait3A_396 = arith.constant 0 : i32
      %dma_wait3A_397 = tpu.memref_slice %arg6[%dma_wait3A_389, %dma_wait3A_395, %dma_wait3A_396] : memref<2x8x512xi32, #tpu.memory_space<vmem>> -> memref<1x8x512xi32, #tpu.memory_space<vmem>>
      %dma_wait3A_398 = tpu.memref_squeeze %dma_wait3A_397 : memref<1x8x512xi32, #tpu.memory_space<vmem>> -> memref<8x512xi32, #tpu.memory_space<vmem>>
      %dma_wait3A_399 = tpu.memref_slice %arg2[%mul3A_388, %mul3A_2] : memref<200x16384xi32, #tpu.memory_space<hbm>> -> memref<8x512xi32, #tpu.memory_space<hbm>>
      tpu.wait_dma2 semaphore(%arg9 : memref<!tpu.dma_semaphore, #tpu.memory_space<semaphore_mem>>) src(%dma_wait3A_399 : memref<8x512xi32, #tpu.memory_space<hbm>>) dst(%dma_wait3A_398 : memref<8x512xi32, #tpu.memory_space<vmem>>)
      %ge3A_400 = arith.constant 2 : i32
      %ge3A_401 = arith.cmpi sge, %add3A_379, %ge3A_400 : i32
      %convert_element_type3A_402 = arith.extui %ge3A_401 : i1 to i32
      %cond3A_403 = arith.constant 0 : i32
      %cond3A_404 = arith.cmpi ne, %convert_element_type3A_402, %cond3A_403 : i32
      scf.if %cond3A_404 {
        %sub3A = arith.constant 2 : i32
        %sub3A_428 = arith.subi %add3A_379, %sub3A : i32
        %mul3A_429 = arith.constant 8 : i32
        %mul3A_430 = arith.muli %sub3A_428, %mul3A_429 : i32
        %dma_wait3A_431 = arith.constant 1 : i32
        %dma_wait3A_432 = arith.constant 0 : i32
        %dma_wait3A_433 = arith.constant 0 : i32
        %dma_wait3A_434 = arith.constant 0 : i32
        %dma_wait3A_435 = tpu.memref_slice %arg7[%dma_wait3A_431, %dma_wait3A_432, %dma_wait3A_433, %dma_wait3A_434] : memref<2x5x8x512xf32, #tpu.memory_space<vmem>> -> memref<1x5x8x512xf32, #tpu.memory_space<vmem>>
        %dma_wait3A_436 = tpu.memref_squeeze %dma_wait3A_435 : memref<1x5x8x512xf32, #tpu.memory_space<vmem>> -> memref<5x8x512xf32, #tpu.memory_space<vmem>>
        %dma_wait3A_437 = arith.constant 0 : i32
        %dma_wait3A_438 = tpu.memref_slice %arg4[%dma_wait3A_437, %mul3A_430, %mul3A_2] : memref<5x200x16384xf32, #tpu.memory_space<hbm>> -> memref<5x8x512xf32, #tpu.memory_space<hbm>>
        %dma_wait3A_439 = arith.constant 0 : i32
        %dma_wait3A_440 = tpu.memref_slice %arg4[%dma_wait3A_439, %mul3A_430, %mul3A_2] : memref<5x200x16384xf32, #tpu.memory_space<hbm>> -> memref<5x8x512xf32, #tpu.memory_space<hbm>>
        %dma_wait3A_441 = arith.constant 0 : i32
        %dma_wait3A_442 = arith.constant 0 : i32
        %dma_wait3A_443 = arith.constant 0 : i32
        %dma_wait3A_444 = tpu.memref_slice %arg7[%dma_wait3A_431, %dma_wait3A_441, %dma_wait3A_442, %dma_wait3A_443] : memref<2x5x8x512xf32, #tpu.memory_space<vmem>> -> memref<1x5x8x512xf32, #tpu.memory_space<vmem>>
        %dma_wait3A_445 = tpu.memref_squeeze %dma_wait3A_444 : memref<1x5x8x512xf32, #tpu.memory_space<vmem>> -> memref<5x8x512xf32, #tpu.memory_space<vmem>>
        tpu.wait_dma2 semaphore(%arg11 : memref<!tpu.dma_semaphore, #tpu.memory_space<semaphore_mem>>) src(%dma_wait3A_445 : memref<5x8x512xf32, #tpu.memory_space<vmem>>) dst(%dma_wait3A_440 : memref<5x8x512xf32, #tpu.memory_space<hbm>>)
      } else {
      }
      %scan3A_405 = arith.constant 0 : i32
      %scan3A_406 = arith.constant 0 : i32
      %scan3A_407 = arith.constant 32 : i32
      %scan3A_408 = arith.addi %scan3A_406, %scan3A_407 : i32
      %scan3A_409 = arith.constant 1 : i32
      scf.for %scan3A_428 = %scan3A_406 to %scan3A_408 step %scan3A_409  : i32 {
        %mul3A_429 = arith.constant 16 : i32
        %mul3A_430 = arith.muli %scan3A_428, %mul3A_429 : i32
        %get3A_431 = arith.constant 1 : i32
        %get3A_432 = arith.constant 0 : i32
        %get3A_433 = arith.index_cast %get3A_431 : i32 to index
        %get3A_434 = arith.index_cast %get3A_432 : i32 to index
        %get3A_435 = arith.index_cast %mul3A_430 : i32 to index
        %get3A_436 = tpu.vector_load %arg6[%get3A_433, %get3A_434, %get3A_435] {strides = array<i32>} : memref<2x8x512xi32, #tpu.memory_space<vmem>>, vector<1x1x16xi32>,
        %get3A_437 = vector.shape_cast %get3A_436 : vector<1x1x16xi32> to vector<16xi32>
        %eq3A = arith.constant 0 : i32
        %eq3A_438 = vector.broadcast %eq3A : i32 to vector<16xi32>
        %eq3A_439 = arith.cmpi eq, %get3A_437, %eq3A_438 : vector<16xi32>
        %eq3A_440 = arith.constant 1 : i32
        %eq3A_441 = vector.broadcast %eq3A_440 : i32 to vector<16xi32>
        %eq3A_442 = arith.cmpi eq, %get3A_437, %eq3A_441 : vector<16xi32>
        %select_n3A_443 = arith.select %eq3A_442, %gather3A_99, %gather3A_174 : vector<16xi1>, vector<16xf32>
        %select_n3A_444 = arith.select %eq3A_439, %gather3A_24, %select_n3A_443 : vector<16xi1>, vector<16xf32>
        %mul3A_445 = arith.constant 16 : i32
        %mul3A_446 = arith.muli %scan3A_428, %mul3A_445 : i32
        %swap3A = arith.constant 1 : i32
        %swap3A_447 = arith.constant 0 : i32
        %swap3A_448 = arith.constant 0 : i32
        %swap3A_449 = arith.index_cast %swap3A : i32 to index
        %swap3A_450 = arith.index_cast %swap3A_447 : i32 to index
        %swap3A_451 = arith.index_cast %swap3A_448 : i32 to index
        %swap3A_452 = arith.index_cast %mul3A_446 : i32 to index
        %swap3A_453 = tpu.vector_load %arg7[%swap3A_449, %swap3A_450, %swap3A_451, %swap3A_452] {strides = array<i32>} : memref<2x5x8x512xf32, #tpu.memory_space<vmem>>, vector<1x1x1x16xf32>,
        %swap3A_454 = vector.shape_cast %swap3A_453 : vector<1x1x1x16xf32> to vector<16xf32>
        %swap3A_455 = vector.shape_cast %select_n3A_444 : vector<16xf32> to vector<1x1x1x16xf32>
        tpu.vector_store %arg7[%swap3A_449, %swap3A_450, %swap3A_451, %swap3A_452], %swap3A_455 {strides = array<i32>} : memref<2x5x8x512xf32, #tpu.memory_space<vmem>>, vector<1x1x1x16xf32>,
        %select_n3A_456 = arith.select %eq3A_442, %gather3A_114, %gather3A_189 : vector<16xi1>, vector<16xf32>
        %select_n3A_457 = arith.select %eq3A_439, %gather3A_39, %select_n3A_456 : vector<16xi1>, vector<16xf32>
        %mul3A_458 = arith.constant 16 : i32
        %mul3A_459 = arith.muli %scan3A_428, %mul3A_458 : i32
        %swap3A_460 = arith.constant 1 : i32
        %swap3A_461 = arith.constant 1 : i32
        %swap3A_462 = arith.constant 0 : i32
        %swap3A_463 = arith.index_cast %swap3A_460 : i32 to index
        %swap3A_464 = arith.index_cast %swap3A_461 : i32 to index
        %swap3A_465 = arith.index_cast %swap3A_462 : i32 to index
        %swap3A_466 = arith.index_cast %mul3A_459 : i32 to index
        %swap3A_467 = tpu.vector_load %arg7[%swap3A_463, %swap3A_464, %swap3A_465, %swap3A_466] {strides = array<i32>} : memref<2x5x8x512xf32, #tpu.memory_space<vmem>>, vector<1x1x1x16xf32>,
        %swap3A_468 = vector.shape_cast %swap3A_467 : vector<1x1x1x16xf32> to vector<16xf32>
        %swap3A_469 = vector.shape_cast %select_n3A_457 : vector<16xf32> to vector<1x1x1x16xf32>
        tpu.vector_store %arg7[%swap3A_463, %swap3A_464, %swap3A_465, %swap3A_466], %swap3A_469 {strides = array<i32>} : memref<2x5x8x512xf32, #tpu.memory_space<vmem>>, vector<1x1x1x16xf32>,
        %select_n3A_470 = arith.select %eq3A_442, %gather3A_129, %gather3A_204 : vector<16xi1>, vector<16xf32>
        %select_n3A_471 = arith.select %eq3A_439, %gather3A_54, %select_n3A_470 : vector<16xi1>, vector<16xf32>
        %mul3A_472 = arith.constant 16 : i32
        %mul3A_473 = arith.muli %scan3A_428, %mul3A_472 : i32
        %swap3A_474 = arith.constant 1 : i32
        %swap3A_475 = arith.constant 2 : i32
        %swap3A_476 = arith.constant 0 : i32
        %swap3A_477 = arith.index_cast %swap3A_474 : i32 to index
        %swap3A_478 = arith.index_cast %swap3A_475 : i32 to index
        %swap3A_479 = arith.index_cast %swap3A_476 : i32 to index
        %swap3A_480 = arith.index_cast %mul3A_473 : i32 to index
        %swap3A_481 = tpu.vector_load %arg7[%swap3A_477, %swap3A_478, %swap3A_479, %swap3A_480] {strides = array<i32>} : memref<2x5x8x512xf32, #tpu.memory_space<vmem>>, vector<1x1x1x16xf32>,
        %swap3A_482 = vector.shape_cast %swap3A_481 : vector<1x1x1x16xf32> to vector<16xf32>
        %swap3A_483 = vector.shape_cast %select_n3A_471 : vector<16xf32> to vector<1x1x1x16xf32>
        tpu.vector_store %arg7[%swap3A_477, %swap3A_478, %swap3A_479, %swap3A_480], %swap3A_483 {strides = array<i32>} : memref<2x5x8x512xf32, #tpu.memory_space<vmem>>, vector<1x1x1x16xf32>,
        %select_n3A_484 = arith.select %eq3A_442, %gather3A_144, %gather3A_219 : vector<16xi1>, vector<16xf32>
        %select_n3A_485 = arith.select %eq3A_439, %gather3A_69, %select_n3A_484 : vector<16xi1>, vector<16xf32>
        %mul3A_486 = arith.constant 16 : i32
        %mul3A_487 = arith.muli %scan3A_428, %mul3A_486 : i32
        %swap3A_488 = arith.constant 1 : i32
        %swap3A_489 = arith.constant 3 : i32
        %swap3A_490 = arith.constant 0 : i32
        %swap3A_491 = arith.index_cast %swap3A_488 : i32 to index
        %swap3A_492 = arith.index_cast %swap3A_489 : i32 to index
        %swap3A_493 = arith.index_cast %swap3A_490 : i32 to index
        %swap3A_494 = arith.index_cast %mul3A_487 : i32 to index
        %swap3A_495 = tpu.vector_load %arg7[%swap3A_491, %swap3A_492, %swap3A_493, %swap3A_494] {strides = array<i32>} : memref<2x5x8x512xf32, #tpu.memory_space<vmem>>, vector<1x1x1x16xf32>,
        %swap3A_496 = vector.shape_cast %swap3A_495 : vector<1x1x1x16xf32> to vector<16xf32>
        %swap3A_497 = vector.shape_cast %select_n3A_485 : vector<16xf32> to vector<1x1x1x16xf32>
        tpu.vector_store %arg7[%swap3A_491, %swap3A_492, %swap3A_493, %swap3A_494], %swap3A_497 {strides = array<i32>} : memref<2x5x8x512xf32, #tpu.memory_space<vmem>>, vector<1x1x1x16xf32>,
        %select_n3A_498 = arith.select %eq3A_442, %gather3A_159, %gather3A_234 : vector<16xi1>, vector<16xf32>
        %select_n3A_499 = arith.select %eq3A_439, %gather3A_84, %select_n3A_498 : vector<16xi1>, vector<16xf32>
        %mul3A_500 = arith.constant 16 : i32
        %mul3A_501 = arith.muli %scan3A_428, %mul3A_500 : i32
        %swap3A_502 = arith.constant 1 : i32
        %swap3A_503 = arith.constant 4 : i32
        %swap3A_504 = arith.constant 0 : i32
        %swap3A_505 = arith.index_cast %swap3A_502 : i32 to index
        %swap3A_506 = arith.index_cast %swap3A_503 : i32 to index
        %swap3A_507 = arith.index_cast %swap3A_504 : i32 to index
        %swap3A_508 = arith.index_cast %mul3A_501 : i32 to index
        %swap3A_509 = tpu.vector_load %arg7[%swap3A_505, %swap3A_506, %swap3A_507, %swap3A_508] {strides = array<i32>} : memref<2x5x8x512xf32, #tpu.memory_space<vmem>>, vector<1x1x1x16xf32>,
        %swap3A_510 = vector.shape_cast %swap3A_509 : vector<1x1x1x16xf32> to vector<16xf32>
        %swap3A_511 = vector.shape_cast %select_n3A_499 : vector<16xf32> to vector<1x1x1x16xf32>
        tpu.vector_store %arg7[%swap3A_505, %swap3A_506, %swap3A_507, %swap3A_508], %swap3A_511 {strides = array<i32>} : memref<2x5x8x512xf32, #tpu.memory_space<vmem>>, vector<1x1x1x16xf32>,
        %mul3A_512 = arith.constant 16 : i32
        %mul3A_513 = arith.muli %scan3A_428, %mul3A_512 : i32
        %get3A_514 = arith.constant 1 : i32
        %get3A_515 = arith.constant 1 : i32
        %get3A_516 = arith.index_cast %get3A_514 : i32 to index
        %get3A_517 = arith.index_cast %get3A_515 : i32 to index
        %get3A_518 = arith.index_cast %mul3A_513 : i32 to index
        %get3A_519 = tpu.vector_load %arg6[%get3A_516, %get3A_517, %get3A_518] {strides = array<i32>} : memref<2x8x512xi32, #tpu.memory_space<vmem>>, vector<1x1x16xi32>,
        %get3A_520 = vector.shape_cast %get3A_519 : vector<1x1x16xi32> to vector<16xi32>
        %eq3A_521 = arith.constant 0 : i32
        %eq3A_522 = vector.broadcast %eq3A_521 : i32 to vector<16xi32>
        %eq3A_523 = arith.cmpi eq, %get3A_520, %eq3A_522 : vector<16xi32>
        %eq3A_524 = arith.constant 1 : i32
        %eq3A_525 = vector.broadcast %eq3A_524 : i32 to vector<16xi32>
        %eq3A_526 = arith.cmpi eq, %get3A_520, %eq3A_525 : vector<16xi32>
        %select_n3A_527 = arith.select %eq3A_526, %gather3A_99, %gather3A_174 : vector<16xi1>, vector<16xf32>
        %select_n3A_528 = arith.select %eq3A_523, %gather3A_24, %select_n3A_527 : vector<16xi1>, vector<16xf32>
        %mul3A_529 = arith.constant 16 : i32
        %mul3A_530 = arith.muli %scan3A_428, %mul3A_529 : i32
        %swap3A_531 = arith.constant 1 : i32
        %swap3A_532 = arith.constant 0 : i32
        %swap3A_533 = arith.constant 1 : i32
        %swap3A_534 = arith.index_cast %swap3A_531 : i32 to index
        %swap3A_535 = arith.index_cast %swap3A_532 : i32 to index
        %swap3A_536 = arith.index_cast %swap3A_533 : i32 to index
        %swap3A_537 = arith.index_cast %mul3A_530 : i32 to index
        %swap3A_538 = tpu.vector_load %arg7[%swap3A_534, %swap3A_535, %swap3A_536, %swap3A_537] {strides = array<i32>} : memref<2x5x8x512xf32, #tpu.memory_space<vmem>>, vector<1x1x1x16xf32>,
        %swap3A_539 = vector.shape_cast %swap3A_538 : vector<1x1x1x16xf32> to vector<16xf32>
        %swap3A_540 = vector.shape_cast %select_n3A_528 : vector<16xf32> to vector<1x1x1x16xf32>
        tpu.vector_store %arg7[%swap3A_534, %swap3A_535, %swap3A_536, %swap3A_537], %swap3A_540 {strides = array<i32>} : memref<2x5x8x512xf32, #tpu.memory_space<vmem>>, vector<1x1x1x16xf32>,
        %select_n3A_541 = arith.select %eq3A_526, %gather3A_114, %gather3A_189 : vector<16xi1>, vector<16xf32>
        %select_n3A_542 = arith.select %eq3A_523, %gather3A_39, %select_n3A_541 : vector<16xi1>, vector<16xf32>
        %mul3A_543 = arith.constant 16 : i32
        %mul3A_544 = arith.muli %scan3A_428, %mul3A_543 : i32
        %swap3A_545 = arith.constant 1 : i32
        %swap3A_546 = arith.constant 1 : i32
        %swap3A_547 = arith.constant 1 : i32
        %swap3A_548 = arith.index_cast %swap3A_545 : i32 to index
        %swap3A_549 = arith.index_cast %swap3A_546 : i32 to index
        %swap3A_550 = arith.index_cast %swap3A_547 : i32 to index
        %swap3A_551 = arith.index_cast %mul3A_544 : i32 to index
        %swap3A_552 = tpu.vector_load %arg7[%swap3A_548, %swap3A_549, %swap3A_550, %swap3A_551] {strides = array<i32>} : memref<2x5x8x512xf32, #tpu.memory_space<vmem>>, vector<1x1x1x16xf32>,
        %swap3A_553 = vector.shape_cast %swap3A_552 : vector<1x1x1x16xf32> to vector<16xf32>
        %swap3A_554 = vector.shape_cast %select_n3A_542 : vector<16xf32> to vector<1x1x1x16xf32>
        tpu.vector_store %arg7[%swap3A_548, %swap3A_549, %swap3A_550, %swap3A_551], %swap3A_554 {strides = array<i32>} : memref<2x5x8x512xf32, #tpu.memory_space<vmem>>, vector<1x1x1x16xf32>,
        %select_n3A_555 = arith.select %eq3A_526, %gather3A_129, %gather3A_204 : vector<16xi1>, vector<16xf32>
        %select_n3A_556 = arith.select %eq3A_523, %gather3A_54, %select_n3A_555 : vector<16xi1>, vector<16xf32>
        %mul3A_557 = arith.constant 16 : i32
        %mul3A_558 = arith.muli %scan3A_428, %mul3A_557 : i32
        %swap3A_559 = arith.constant 1 : i32
        %swap3A_560 = arith.constant 2 : i32
        %swap3A_561 = arith.constant 1 : i32
        %swap3A_562 = arith.index_cast %swap3A_559 : i32 to index
        %swap3A_563 = arith.index_cast %swap3A_560 : i32 to index
        %swap3A_564 = arith.index_cast %swap3A_561 : i32 to index
        %swap3A_565 = arith.index_cast %mul3A_558 : i32 to index
        %swap3A_566 = tpu.vector_load %arg7[%swap3A_562, %swap3A_563, %swap3A_564, %swap3A_565] {strides = array<i32>} : memref<2x5x8x512xf32, #tpu.memory_space<vmem>>, vector<1x1x1x16xf32>,
        %swap3A_567 = vector.shape_cast %swap3A_566 : vector<1x1x1x16xf32> to vector<16xf32>
        %swap3A_568 = vector.shape_cast %select_n3A_556 : vector<16xf32> to vector<1x1x1x16xf32>
        tpu.vector_store %arg7[%swap3A_562, %swap3A_563, %swap3A_564, %swap3A_565], %swap3A_568 {strides = array<i32>} : memref<2x5x8x512xf32, #tpu.memory_space<vmem>>, vector<1x1x1x16xf32>,
        %select_n3A_569 = arith.select %eq3A_526, %gather3A_144, %gather3A_219 : vector<16xi1>, vector<16xf32>
        %select_n3A_570 = arith.select %eq3A_523, %gather3A_69, %select_n3A_569 : vector<16xi1>, vector<16xf32>
        %mul3A_571 = arith.constant 16 : i32
        %mul3A_572 = arith.muli %scan3A_428, %mul3A_571 : i32
        %swap3A_573 = arith.constant 1 : i32
        %swap3A_574 = arith.constant 3 : i32
        %swap3A_575 = arith.constant 1 : i32
        %swap3A_576 = arith.index_cast %swap3A_573 : i32 to index
        %swap3A_577 = arith.index_cast %swap3A_574 : i32 to index
        %swap3A_578 = arith.index_cast %swap3A_575 : i32 to index
        %swap3A_579 = arith.index_cast %mul3A_572 : i32 to index
        %swap3A_580 = tpu.vector_load %arg7[%swap3A_576, %swap3A_577, %swap3A_578, %swap3A_579] {strides = array<i32>} : memref<2x5x8x512xf32, #tpu.memory_space<vmem>>, vector<1x1x1x16xf32>,
        %swap3A_581 = vector.shape_cast %swap3A_580 : vector<1x1x1x16xf32> to vector<16xf32>
        %swap3A_582 = vector.shape_cast %select_n3A_570 : vector<16xf32> to vector<1x1x1x16xf32>
        tpu.vector_store %arg7[%swap3A_576, %swap3A_577, %swap3A_578, %swap3A_579], %swap3A_582 {strides = array<i32>} : memref<2x5x8x512xf32, #tpu.memory_space<vmem>>, vector<1x1x1x16xf32>,
        %select_n3A_583 = arith.select %eq3A_526, %gather3A_159, %gather3A_234 : vector<16xi1>, vector<16xf32>
        %select_n3A_584 = arith.select %eq3A_523, %gather3A_84, %select_n3A_583 : vector<16xi1>, vector<16xf32>
        %mul3A_585 = arith.constant 16 : i32
        %mul3A_586 = arith.muli %scan3A_428, %mul3A_585 : i32
        %swap3A_587 = arith.constant 1 : i32
        %swap3A_588 = arith.constant 4 : i32
        %swap3A_589 = arith.constant 1 : i32
        %swap3A_590 = arith.index_cast %swap3A_587 : i32 to index
        %swap3A_591 = arith.index_cast %swap3A_588 : i32 to index
        %swap3A_592 = arith.index_cast %swap3A_589 : i32 to index
        %swap3A_593 = arith.index_cast %mul3A_586 : i32 to index
        %swap3A_594 = tpu.vector_load %arg7[%swap3A_590, %swap3A_591, %swap3A_592, %swap3A_593] {strides = array<i32>} : memref<2x5x8x512xf32, #tpu.memory_space<vmem>>, vector<1x1x1x16xf32>,
        %swap3A_595 = vector.shape_cast %swap3A_594 : vector<1x1x1x16xf32> to vector<16xf32>
        %swap3A_596 = vector.shape_cast %select_n3A_584 : vector<16xf32> to vector<1x1x1x16xf32>
        tpu.vector_store %arg7[%swap3A_590, %swap3A_591, %swap3A_592, %swap3A_593], %swap3A_596 {strides = array<i32>} : memref<2x5x8x512xf32, #tpu.memory_space<vmem>>, vector<1x1x1x16xf32>,
        %mul3A_597 = arith.constant 16 : i32
        %mul3A_598 = arith.muli %scan3A_428, %mul3A_597 : i32
        %get3A_599 = arith.constant 1 : i32
        %get3A_600 = arith.constant 2 : i32
        %get3A_601 = arith.index_cast %get3A_599 : i32 to index
        %get3A_602 = arith.index_cast %get3A_600 : i32 to index
        %get3A_603 = arith.index_cast %mul3A_598 : i32 to index
        %get3A_604 = tpu.vector_load %arg6[%get3A_601, %get3A_602, %get3A_603] {strides = array<i32>} : memref<2x8x512xi32, #tpu.memory_space<vmem>>, vector<1x1x16xi32>,
        %get3A_605 = vector.shape_cast %get3A_604 : vector<1x1x16xi32> to vector<16xi32>
        %eq3A_606 = arith.constant 0 : i32
        %eq3A_607 = vector.broadcast %eq3A_606 : i32 to vector<16xi32>
        %eq3A_608 = arith.cmpi eq, %get3A_605, %eq3A_607 : vector<16xi32>
        %eq3A_609 = arith.constant 1 : i32
        %eq3A_610 = vector.broadcast %eq3A_609 : i32 to vector<16xi32>
        %eq3A_611 = arith.cmpi eq, %get3A_605, %eq3A_610 : vector<16xi32>
        %select_n3A_612 = arith.select %eq3A_611, %gather3A_99, %gather3A_174 : vector<16xi1>, vector<16xf32>
        %select_n3A_613 = arith.select %eq3A_608, %gather3A_24, %select_n3A_612 : vector<16xi1>, vector<16xf32>
        %mul3A_614 = arith.constant 16 : i32
        %mul3A_615 = arith.muli %scan3A_428, %mul3A_614 : i32
        %swap3A_616 = arith.constant 1 : i32
        %swap3A_617 = arith.constant 0 : i32
        %swap3A_618 = arith.constant 2 : i32
        %swap3A_619 = arith.index_cast %swap3A_616 : i32 to index
        %swap3A_620 = arith.index_cast %swap3A_617 : i32 to index
        %swap3A_621 = arith.index_cast %swap3A_618 : i32 to index
        %swap3A_622 = arith.index_cast %mul3A_615 : i32 to index
        %swap3A_623 = tpu.vector_load %arg7[%swap3A_619, %swap3A_620, %swap3A_621, %swap3A_622] {strides = array<i32>} : memref<2x5x8x512xf32, #tpu.memory_space<vmem>>, vector<1x1x1x16xf32>,
        %swap3A_624 = vector.shape_cast %swap3A_623 : vector<1x1x1x16xf32> to vector<16xf32>
        %swap3A_625 = vector.shape_cast %select_n3A_613 : vector<16xf32> to vector<1x1x1x16xf32>
        tpu.vector_store %arg7[%swap3A_619, %swap3A_620, %swap3A_621, %swap3A_622], %swap3A_625 {strides = array<i32>} : memref<2x5x8x512xf32, #tpu.memory_space<vmem>>, vector<1x1x1x16xf32>,
        %select_n3A_626 = arith.select %eq3A_611, %gather3A_114, %gather3A_189 : vector<16xi1>, vector<16xf32>
        %select_n3A_627 = arith.select %eq3A_608, %gather3A_39, %select_n3A_626 : vector<16xi1>, vector<16xf32>
        %mul3A_628 = arith.constant 16 : i32
        %mul3A_629 = arith.muli %scan3A_428, %mul3A_628 : i32
        %swap3A_630 = arith.constant 1 : i32
        %swap3A_631 = arith.constant 1 : i32
        %swap3A_632 = arith.constant 2 : i32
        %swap3A_633 = arith.index_cast %swap3A_630 : i32 to index
        %swap3A_634 = arith.index_cast %swap3A_631 : i32 to index
        %swap3A_635 = arith.index_cast %swap3A_632 : i32 to index
        %swap3A_636 = arith.index_cast %mul3A_629 : i32 to index
        %swap3A_637 = tpu.vector_load %arg7[%swap3A_633, %swap3A_634, %swap3A_635, %swap3A_636] {strides = array<i32>} : memref<2x5x8x512xf32, #tpu.memory_space<vmem>>, vector<1x1x1x16xf32>,
        %swap3A_638 = vector.shape_cast %swap3A_637 : vector<1x1x1x16xf32> to vector<16xf32>
        %swap3A_639 = vector.shape_cast %select_n3A_627 : vector<16xf32> to vector<1x1x1x16xf32>
        tpu.vector_store %arg7[%swap3A_633, %swap3A_634, %swap3A_635, %swap3A_636], %swap3A_639 {strides = array<i32>} : memref<2x5x8x512xf32, #tpu.memory_space<vmem>>, vector<1x1x1x16xf32>,
        %select_n3A_640 = arith.select %eq3A_611, %gather3A_129, %gather3A_204 : vector<16xi1>, vector<16xf32>
        %select_n3A_641 = arith.select %eq3A_608, %gather3A_54, %select_n3A_640 : vector<16xi1>, vector<16xf32>
        %mul3A_642 = arith.constant 16 : i32
        %mul3A_643 = arith.muli %scan3A_428, %mul3A_642 : i32
        %swap3A_644 = arith.constant 1 : i32
        %swap3A_645 = arith.constant 2 : i32
        %swap3A_646 = arith.constant 2 : i32
        %swap3A_647 = arith.index_cast %swap3A_644 : i32 to index
        %swap3A_648 = arith.index_cast %swap3A_645 : i32 to index
        %swap3A_649 = arith.index_cast %swap3A_646 : i32 to index
        %swap3A_650 = arith.index_cast %mul3A_643 : i32 to index
        %swap3A_651 = tpu.vector_load %arg7[%swap3A_647, %swap3A_648, %swap3A_649, %swap3A_650] {strides = array<i32>} : memref<2x5x8x512xf32, #tpu.memory_space<vmem>>, vector<1x1x1x16xf32>,
        %swap3A_652 = vector.shape_cast %swap3A_651 : vector<1x1x1x16xf32> to vector<16xf32>
        %swap3A_653 = vector.shape_cast %select_n3A_641 : vector<16xf32> to vector<1x1x1x16xf32>
        tpu.vector_store %arg7[%swap3A_647, %swap3A_648, %swap3A_649, %swap3A_650], %swap3A_653 {strides = array<i32>} : memref<2x5x8x512xf32, #tpu.memory_space<vmem>>, vector<1x1x1x16xf32>,
        %select_n3A_654 = arith.select %eq3A_611, %gather3A_144, %gather3A_219 : vector<16xi1>, vector<16xf32>
        %select_n3A_655 = arith.select %eq3A_608, %gather3A_69, %select_n3A_654 : vector<16xi1>, vector<16xf32>
        %mul3A_656 = arith.constant 16 : i32
        %mul3A_657 = arith.muli %scan3A_428, %mul3A_656 : i32
        %swap3A_658 = arith.constant 1 : i32
        %swap3A_659 = arith.constant 3 : i32
        %swap3A_660 = arith.constant 2 : i32
        %swap3A_661 = arith.index_cast %swap3A_658 : i32 to index
        %swap3A_662 = arith.index_cast %swap3A_659 : i32 to index
        %swap3A_663 = arith.index_cast %swap3A_660 : i32 to index
        %swap3A_664 = arith.index_cast %mul3A_657 : i32 to index
        %swap3A_665 = tpu.vector_load %arg7[%swap3A_661, %swap3A_662, %swap3A_663, %swap3A_664] {strides = array<i32>} : memref<2x5x8x512xf32, #tpu.memory_space<vmem>>, vector<1x1x1x16xf32>,
        %swap3A_666 = vector.shape_cast %swap3A_665 : vector<1x1x1x16xf32> to vector<16xf32>
        %swap3A_667 = vector.shape_cast %select_n3A_655 : vector<16xf32> to vector<1x1x1x16xf32>
        tpu.vector_store %arg7[%swap3A_661, %swap3A_662, %swap3A_663, %swap3A_664], %swap3A_667 {strides = array<i32>} : memref<2x5x8x512xf32, #tpu.memory_space<vmem>>, vector<1x1x1x16xf32>,
        %select_n3A_668 = arith.select %eq3A_611, %gather3A_159, %gather3A_234 : vector<16xi1>, vector<16xf32>
        %select_n3A_669 = arith.select %eq3A_608, %gather3A_84, %select_n3A_668 : vector<16xi1>, vector<16xf32>
        %mul3A_670 = arith.constant 16 : i32
        %mul3A_671 = arith.muli %scan3A_428, %mul3A_670 : i32
        %swap3A_672 = arith.constant 1 : i32
        %swap3A_673 = arith.constant 4 : i32
        %swap3A_674 = arith.constant 2 : i32
        %swap3A_675 = arith.index_cast %swap3A_672 : i32 to index
        %swap3A_676 = arith.index_cast %swap3A_673 : i32 to index
        %swap3A_677 = arith.index_cast %swap3A_674 : i32 to index
        %swap3A_678 = arith.index_cast %mul3A_671 : i32 to index
        %swap3A_679 = tpu.vector_load %arg7[%swap3A_675, %swap3A_676, %swap3A_677, %swap3A_678] {strides = array<i32>} : memref<2x5x8x512xf32, #tpu.memory_space<vmem>>, vector<1x1x1x16xf32>,
        %swap3A_680 = vector.shape_cast %swap3A_679 : vector<1x1x1x16xf32> to vector<16xf32>
        %swap3A_681 = vector.shape_cast %select_n3A_669 : vector<16xf32> to vector<1x1x1x16xf32>
        tpu.vector_store %arg7[%swap3A_675, %swap3A_676, %swap3A_677, %swap3A_678], %swap3A_681 {strides = array<i32>} : memref<2x5x8x512xf32, #tpu.memory_space<vmem>>, vector<1x1x1x16xf32>,
        %mul3A_682 = arith.constant 16 : i32
        %mul3A_683 = arith.muli %scan3A_428, %mul3A_682 : i32
        %get3A_684 = arith.constant 1 : i32
        %get3A_685 = arith.constant 3 : i32
        %get3A_686 = arith.index_cast %get3A_684 : i32 to index
        %get3A_687 = arith.index_cast %get3A_685 : i32 to index
        %get3A_688 = arith.index_cast %mul3A_683 : i32 to index
        %get3A_689 = tpu.vector_load %arg6[%get3A_686, %get3A_687, %get3A_688] {strides = array<i32>} : memref<2x8x512xi32, #tpu.memory_space<vmem>>, vector<1x1x16xi32>,
        %get3A_690 = vector.shape_cast %get3A_689 : vector<1x1x16xi32> to vector<16xi32>
        %eq3A_691 = arith.constant 0 : i32
        %eq3A_692 = vector.broadcast %eq3A_691 : i32 to vector<16xi32>
        %eq3A_693 = arith.cmpi eq, %get3A_690, %eq3A_692 : vector<16xi32>
        %eq3A_694 = arith.constant 1 : i32
        %eq3A_695 = vector.broadcast %eq3A_694 : i32 to vector<16xi32>
        %eq3A_696 = arith.cmpi eq, %get3A_690, %eq3A_695 : vector<16xi32>
        %select_n3A_697 = arith.select %eq3A_696, %gather3A_99, %gather3A_174 : vector<16xi1>, vector<16xf32>
        %select_n3A_698 = arith.select %eq3A_693, %gather3A_24, %select_n3A_697 : vector<16xi1>, vector<16xf32>
        %mul3A_699 = arith.constant 16 : i32
        %mul3A_700 = arith.muli %scan3A_428, %mul3A_699 : i32
        %swap3A_701 = arith.constant 1 : i32
        %swap3A_702 = arith.constant 0 : i32
        %swap3A_703 = arith.constant 3 : i32
        %swap3A_704 = arith.index_cast %swap3A_701 : i32 to index
        %swap3A_705 = arith.index_cast %swap3A_702 : i32 to index
        %swap3A_706 = arith.index_cast %swap3A_703 : i32 to index
        %swap3A_707 = arith.index_cast %mul3A_700 : i32 to index
        %swap3A_708 = tpu.vector_load %arg7[%swap3A_704, %swap3A_705, %swap3A_706, %swap3A_707] {strides = array<i32>} : memref<2x5x8x512xf32, #tpu.memory_space<vmem>>, vector<1x1x1x16xf32>,
        %swap3A_709 = vector.shape_cast %swap3A_708 : vector<1x1x1x16xf32> to vector<16xf32>
        %swap3A_710 = vector.shape_cast %select_n3A_698 : vector<16xf32> to vector<1x1x1x16xf32>
        tpu.vector_store %arg7[%swap3A_704, %swap3A_705, %swap3A_706, %swap3A_707], %swap3A_710 {strides = array<i32>} : memref<2x5x8x512xf32, #tpu.memory_space<vmem>>, vector<1x1x1x16xf32>,
        %select_n3A_711 = arith.select %eq3A_696, %gather3A_114, %gather3A_189 : vector<16xi1>, vector<16xf32>
        %select_n3A_712 = arith.select %eq3A_693, %gather3A_39, %select_n3A_711 : vector<16xi1>, vector<16xf32>
        %mul3A_713 = arith.constant 16 : i32
        %mul3A_714 = arith.muli %scan3A_428, %mul3A_713 : i32
        %swap3A_715 = arith.constant 1 : i32
        %swap3A_716 = arith.constant 1 : i32
        %swap3A_717 = arith.constant 3 : i32
        %swap3A_718 = arith.index_cast %swap3A_715 : i32 to index
        %swap3A_719 = arith.index_cast %swap3A_716 : i32 to index
        %swap3A_720 = arith.index_cast %swap3A_717 : i32 to index
        %swap3A_721 = arith.index_cast %mul3A_714 : i32 to index
        %swap3A_722 = tpu.vector_load %arg7[%swap3A_718, %swap3A_719, %swap3A_720, %swap3A_721] {strides = array<i32>} : memref<2x5x8x512xf32, #tpu.memory_space<vmem>>, vector<1x1x1x16xf32>,
        %swap3A_723 = vector.shape_cast %swap3A_722 : vector<1x1x1x16xf32> to vector<16xf32>
        %swap3A_724 = vector.shape_cast %select_n3A_712 : vector<16xf32> to vector<1x1x1x16xf32>
        tpu.vector_store %arg7[%swap3A_718, %swap3A_719, %swap3A_720, %swap3A_721], %swap3A_724 {strides = array<i32>} : memref<2x5x8x512xf32, #tpu.memory_space<vmem>>, vector<1x1x1x16xf32>,
        %select_n3A_725 = arith.select %eq3A_696, %gather3A_129, %gather3A_204 : vector<16xi1>, vector<16xf32>
        %select_n3A_726 = arith.select %eq3A_693, %gather3A_54, %select_n3A_725 : vector<16xi1>, vector<16xf32>
        %mul3A_727 = arith.constant 16 : i32
        %mul3A_728 = arith.muli %scan3A_428, %mul3A_727 : i32
        %swap3A_729 = arith.constant 1 : i32
        %swap3A_730 = arith.constant 2 : i32
        %swap3A_731 = arith.constant 3 : i32
        %swap3A_732 = arith.index_cast %swap3A_729 : i32 to index
        %swap3A_733 = arith.index_cast %swap3A_730 : i32 to index
        %swap3A_734 = arith.index_cast %swap3A_731 : i32 to index
        %swap3A_735 = arith.index_cast %mul3A_728 : i32 to index
        %swap3A_736 = tpu.vector_load %arg7[%swap3A_732, %swap3A_733, %swap3A_734, %swap3A_735] {strides = array<i32>} : memref<2x5x8x512xf32, #tpu.memory_space<vmem>>, vector<1x1x1x16xf32>,
        %swap3A_737 = vector.shape_cast %swap3A_736 : vector<1x1x1x16xf32> to vector<16xf32>
        %swap3A_738 = vector.shape_cast %select_n3A_726 : vector<16xf32> to vector<1x1x1x16xf32>
        tpu.vector_store %arg7[%swap3A_732, %swap3A_733, %swap3A_734, %swap3A_735], %swap3A_738 {strides = array<i32>} : memref<2x5x8x512xf32, #tpu.memory_space<vmem>>, vector<1x1x1x16xf32>,
        %select_n3A_739 = arith.select %eq3A_696, %gather3A_144, %gather3A_219 : vector<16xi1>, vector<16xf32>
        %select_n3A_740 = arith.select %eq3A_693, %gather3A_69, %select_n3A_739 : vector<16xi1>, vector<16xf32>
        %mul3A_741 = arith.constant 16 : i32
        %mul3A_742 = arith.muli %scan3A_428, %mul3A_741 : i32
        %swap3A_743 = arith.constant 1 : i32
        %swap3A_744 = arith.constant 3 : i32
        %swap3A_745 = arith.constant 3 : i32
        %swap3A_746 = arith.index_cast %swap3A_743 : i32 to index
        %swap3A_747 = arith.index_cast %swap3A_744 : i32 to index
        %swap3A_748 = arith.index_cast %swap3A_745 : i32 to index
        %swap3A_749 = arith.index_cast %mul3A_742 : i32 to index
        %swap3A_750 = tpu.vector_load %arg7[%swap3A_746, %swap3A_747, %swap3A_748, %swap3A_749] {strides = array<i32>} : memref<2x5x8x512xf32, #tpu.memory_space<vmem>>, vector<1x1x1x16xf32>,
        %swap3A_751 = vector.shape_cast %swap3A_750 : vector<1x1x1x16xf32> to vector<16xf32>
        %swap3A_752 = vector.shape_cast %select_n3A_740 : vector<16xf32> to vector<1x1x1x16xf32>
        tpu.vector_store %arg7[%swap3A_746, %swap3A_747, %swap3A_748, %swap3A_749], %swap3A_752 {strides = array<i32>} : memref<2x5x8x512xf32, #tpu.memory_space<vmem>>, vector<1x1x1x16xf32>,
        %select_n3A_753 = arith.select %eq3A_696, %gather3A_159, %gather3A_234 : vector<16xi1>, vector<16xf32>
        %select_n3A_754 = arith.select %eq3A_693, %gather3A_84, %select_n3A_753 : vector<16xi1>, vector<16xf32>
        %mul3A_755 = arith.constant 16 : i32
        %mul3A_756 = arith.muli %scan3A_428, %mul3A_755 : i32
        %swap3A_757 = arith.constant 1 : i32
        %swap3A_758 = arith.constant 4 : i32
        %swap3A_759 = arith.constant 3 : i32
        %swap3A_760 = arith.index_cast %swap3A_757 : i32 to index
        %swap3A_761 = arith.index_cast %swap3A_758 : i32 to index
        %swap3A_762 = arith.index_cast %swap3A_759 : i32 to index
        %swap3A_763 = arith.index_cast %mul3A_756 : i32 to index
        %swap3A_764 = tpu.vector_load %arg7[%swap3A_760, %swap3A_761, %swap3A_762, %swap3A_763] {strides = array<i32>} : memref<2x5x8x512xf32, #tpu.memory_space<vmem>>, vector<1x1x1x16xf32>,
        %swap3A_765 = vector.shape_cast %swap3A_764 : vector<1x1x1x16xf32> to vector<16xf32>
        %swap3A_766 = vector.shape_cast %select_n3A_754 : vector<16xf32> to vector<1x1x1x16xf32>
        tpu.vector_store %arg7[%swap3A_760, %swap3A_761, %swap3A_762, %swap3A_763], %swap3A_766 {strides = array<i32>} : memref<2x5x8x512xf32, #tpu.memory_space<vmem>>, vector<1x1x1x16xf32>,
        %mul3A_767 = arith.constant 16 : i32
        %mul3A_768 = arith.muli %scan3A_428, %mul3A_767 : i32
        %get3A_769 = arith.constant 1 : i32
        %get3A_770 = arith.constant 4 : i32
        %get3A_771 = arith.index_cast %get3A_769 : i32 to index
        %get3A_772 = arith.index_cast %get3A_770 : i32 to index
        %get3A_773 = arith.index_cast %mul3A_768 : i32 to index
        %get3A_774 = tpu.vector_load %arg6[%get3A_771, %get3A_772, %get3A_773] {strides = array<i32>} : memref<2x8x512xi32, #tpu.memory_space<vmem>>, vector<1x1x16xi32>,
        %get3A_775 = vector.shape_cast %get3A_774 : vector<1x1x16xi32> to vector<16xi32>
        %eq3A_776 = arith.constant 0 : i32
        %eq3A_777 = vector.broadcast %eq3A_776 : i32 to vector<16xi32>
        %eq3A_778 = arith.cmpi eq, %get3A_775, %eq3A_777 : vector<16xi32>
        %eq3A_779 = arith.constant 1 : i32
        %eq3A_780 = vector.broadcast %eq3A_779 : i32 to vector<16xi32>
        %eq3A_781 = arith.cmpi eq, %get3A_775, %eq3A_780 : vector<16xi32>
        %select_n3A_782 = arith.select %eq3A_781, %gather3A_99, %gather3A_174 : vector<16xi1>, vector<16xf32>
        %select_n3A_783 = arith.select %eq3A_778, %gather3A_24, %select_n3A_782 : vector<16xi1>, vector<16xf32>
        %mul3A_784 = arith.constant 16 : i32
        %mul3A_785 = arith.muli %scan3A_428, %mul3A_784 : i32
        %swap3A_786 = arith.constant 1 : i32
        %swap3A_787 = arith.constant 0 : i32
        %swap3A_788 = arith.constant 4 : i32
        %swap3A_789 = arith.index_cast %swap3A_786 : i32 to index
        %swap3A_790 = arith.index_cast %swap3A_787 : i32 to index
        %swap3A_791 = arith.index_cast %swap3A_788 : i32 to index
        %swap3A_792 = arith.index_cast %mul3A_785 : i32 to index
        %swap3A_793 = tpu.vector_load %arg7[%swap3A_789, %swap3A_790, %swap3A_791, %swap3A_792] {strides = array<i32>} : memref<2x5x8x512xf32, #tpu.memory_space<vmem>>, vector<1x1x1x16xf32>,
        %swap3A_794 = vector.shape_cast %swap3A_793 : vector<1x1x1x16xf32> to vector<16xf32>
        %swap3A_795 = vector.shape_cast %select_n3A_783 : vector<16xf32> to vector<1x1x1x16xf32>
        tpu.vector_store %arg7[%swap3A_789, %swap3A_790, %swap3A_791, %swap3A_792], %swap3A_795 {strides = array<i32>} : memref<2x5x8x512xf32, #tpu.memory_space<vmem>>, vector<1x1x1x16xf32>,
        %select_n3A_796 = arith.select %eq3A_781, %gather3A_114, %gather3A_189 : vector<16xi1>, vector<16xf32>
        %select_n3A_797 = arith.select %eq3A_778, %gather3A_39, %select_n3A_796 : vector<16xi1>, vector<16xf32>
        %mul3A_798 = arith.constant 16 : i32
        %mul3A_799 = arith.muli %scan3A_428, %mul3A_798 : i32
        %swap3A_800 = arith.constant 1 : i32
        %swap3A_801 = arith.constant 1 : i32
        %swap3A_802 = arith.constant 4 : i32
        %swap3A_803 = arith.index_cast %swap3A_800 : i32 to index
        %swap3A_804 = arith.index_cast %swap3A_801 : i32 to index
        %swap3A_805 = arith.index_cast %swap3A_802 : i32 to index
        %swap3A_806 = arith.index_cast %mul3A_799 : i32 to index
        %swap3A_807 = tpu.vector_load %arg7[%swap3A_803, %swap3A_804, %swap3A_805, %swap3A_806] {strides = array<i32>} : memref<2x5x8x512xf32, #tpu.memory_space<vmem>>, vector<1x1x1x16xf32>,
        %swap3A_808 = vector.shape_cast %swap3A_807 : vector<1x1x1x16xf32> to vector<16xf32>
        %swap3A_809 = vector.shape_cast %select_n3A_797 : vector<16xf32> to vector<1x1x1x16xf32>
        tpu.vector_store %arg7[%swap3A_803, %swap3A_804, %swap3A_805, %swap3A_806], %swap3A_809 {strides = array<i32>} : memref<2x5x8x512xf32, #tpu.memory_space<vmem>>, vector<1x1x1x16xf32>,
        %select_n3A_810 = arith.select %eq3A_781, %gather3A_129, %gather3A_204 : vector<16xi1>, vector<16xf32>
        %select_n3A_811 = arith.select %eq3A_778, %gather3A_54, %select_n3A_810 : vector<16xi1>, vector<16xf32>
        %mul3A_812 = arith.constant 16 : i32
        %mul3A_813 = arith.muli %scan3A_428, %mul3A_812 : i32
        %swap3A_814 = arith.constant 1 : i32
        %swap3A_815 = arith.constant 2 : i32
        %swap3A_816 = arith.constant 4 : i32
        %swap3A_817 = arith.index_cast %swap3A_814 : i32 to index
        %swap3A_818 = arith.index_cast %swap3A_815 : i32 to index
        %swap3A_819 = arith.index_cast %swap3A_816 : i32 to index
        %swap3A_820 = arith.index_cast %mul3A_813 : i32 to index
        %swap3A_821 = tpu.vector_load %arg7[%swap3A_817, %swap3A_818, %swap3A_819, %swap3A_820] {strides = array<i32>} : memref<2x5x8x512xf32, #tpu.memory_space<vmem>>, vector<1x1x1x16xf32>,
        %swap3A_822 = vector.shape_cast %swap3A_821 : vector<1x1x1x16xf32> to vector<16xf32>
        %swap3A_823 = vector.shape_cast %select_n3A_811 : vector<16xf32> to vector<1x1x1x16xf32>
        tpu.vector_store %arg7[%swap3A_817, %swap3A_818, %swap3A_819, %swap3A_820], %swap3A_823 {strides = array<i32>} : memref<2x5x8x512xf32, #tpu.memory_space<vmem>>, vector<1x1x1x16xf32>,
        %select_n3A_824 = arith.select %eq3A_781, %gather3A_144, %gather3A_219 : vector<16xi1>, vector<16xf32>
        %select_n3A_825 = arith.select %eq3A_778, %gather3A_69, %select_n3A_824 : vector<16xi1>, vector<16xf32>
        %mul3A_826 = arith.constant 16 : i32
        %mul3A_827 = arith.muli %scan3A_428, %mul3A_826 : i32
        %swap3A_828 = arith.constant 1 : i32
        %swap3A_829 = arith.constant 3 : i32
        %swap3A_830 = arith.constant 4 : i32
        %swap3A_831 = arith.index_cast %swap3A_828 : i32 to index
        %swap3A_832 = arith.index_cast %swap3A_829 : i32 to index
        %swap3A_833 = arith.index_cast %swap3A_830 : i32 to index
        %swap3A_834 = arith.index_cast %mul3A_827 : i32 to index
        %swap3A_835 = tpu.vector_load %arg7[%swap3A_831, %swap3A_832, %swap3A_833, %swap3A_834] {strides = array<i32>} : memref<2x5x8x512xf32, #tpu.memory_space<vmem>>, vector<1x1x1x16xf32>,
        %swap3A_836 = vector.shape_cast %swap3A_835 : vector<1x1x1x16xf32> to vector<16xf32>
        %swap3A_837 = vector.shape_cast %select_n3A_825 : vector<16xf32> to vector<1x1x1x16xf32>
        tpu.vector_store %arg7[%swap3A_831, %swap3A_832, %swap3A_833, %swap3A_834], %swap3A_837 {strides = array<i32>} : memref<2x5x8x512xf32, #tpu.memory_space<vmem>>, vector<1x1x1x16xf32>,
        %select_n3A_838 = arith.select %eq3A_781, %gather3A_159, %gather3A_234 : vector<16xi1>, vector<16xf32>
        %select_n3A_839 = arith.select %eq3A_778, %gather3A_84, %select_n3A_838 : vector<16xi1>, vector<16xf32>
        %mul3A_840 = arith.constant 16 : i32
        %mul3A_841 = arith.muli %scan3A_428, %mul3A_840 : i32
        %swap3A_842 = arith.constant 1 : i32
        %swap3A_843 = arith.constant 4 : i32
        %swap3A_844 = arith.constant 4 : i32
        %swap3A_845 = arith.index_cast %swap3A_842 : i32 to index
        %swap3A_846 = arith.index_cast %swap3A_843 : i32 to index
        %swap3A_847 = arith.index_cast %swap3A_844 : i32 to index
        %swap3A_848 = arith.index_cast %mul3A_841 : i32 to index
        %swap3A_849 = tpu.vector_load %arg7[%swap3A_845, %swap3A_846, %swap3A_847, %swap3A_848] {strides = array<i32>} : memref<2x5x8x512xf32, #tpu.memory_space<vmem>>, vector<1x1x1x16xf32>,
        %swap3A_850 = vector.shape_cast %swap3A_849 : vector<1x1x1x16xf32> to vector<16xf32>
        %swap3A_851 = vector.shape_cast %select_n3A_839 : vector<16xf32> to vector<1x1x1x16xf32>
        tpu.vector_store %arg7[%swap3A_845, %swap3A_846, %swap3A_847, %swap3A_848], %swap3A_851 {strides = array<i32>} : memref<2x5x8x512xf32, #tpu.memory_space<vmem>>, vector<1x1x1x16xf32>,
        %mul3A_852 = arith.constant 16 : i32
        %mul3A_853 = arith.muli %scan3A_428, %mul3A_852 : i32
        %get3A_854 = arith.constant 1 : i32
        %get3A_855 = arith.constant 5 : i32
        %get3A_856 = arith.index_cast %get3A_854 : i32 to index
        %get3A_857 = arith.index_cast %get3A_855 : i32 to index
        %get3A_858 = arith.index_cast %mul3A_853 : i32 to index
        %get3A_859 = tpu.vector_load %arg6[%get3A_856, %get3A_857, %get3A_858] {strides = array<i32>} : memref<2x8x512xi32, #tpu.memory_space<vmem>>, vector<1x1x16xi32>,
        %get3A_860 = vector.shape_cast %get3A_859 : vector<1x1x16xi32> to vector<16xi32>
        %eq3A_861 = arith.constant 0 : i32
        %eq3A_862 = vector.broadcast %eq3A_861 : i32 to vector<16xi32>
        %eq3A_863 = arith.cmpi eq, %get3A_860, %eq3A_862 : vector<16xi32>
        %eq3A_864 = arith.constant 1 : i32
        %eq3A_865 = vector.broadcast %eq3A_864 : i32 to vector<16xi32>
        %eq3A_866 = arith.cmpi eq, %get3A_860, %eq3A_865 : vector<16xi32>
        %select_n3A_867 = arith.select %eq3A_866, %gather3A_99, %gather3A_174 : vector<16xi1>, vector<16xf32>
        %select_n3A_868 = arith.select %eq3A_863, %gather3A_24, %select_n3A_867 : vector<16xi1>, vector<16xf32>
        %mul3A_869 = arith.constant 16 : i32
        %mul3A_870 = arith.muli %scan3A_428, %mul3A_869 : i32
        %swap3A_871 = arith.constant 1 : i32
        %swap3A_872 = arith.constant 0 : i32
        %swap3A_873 = arith.constant 5 : i32
        %swap3A_874 = arith.index_cast %swap3A_871 : i32 to index
        %swap3A_875 = arith.index_cast %swap3A_872 : i32 to index
        %swap3A_876 = arith.index_cast %swap3A_873 : i32 to index
        %swap3A_877 = arith.index_cast %mul3A_870 : i32 to index
        %swap3A_878 = tpu.vector_load %arg7[%swap3A_874, %swap3A_875, %swap3A_876, %swap3A_877] {strides = array<i32>} : memref<2x5x8x512xf32, #tpu.memory_space<vmem>>, vector<1x1x1x16xf32>,
        %swap3A_879 = vector.shape_cast %swap3A_878 : vector<1x1x1x16xf32> to vector<16xf32>
        %swap3A_880 = vector.shape_cast %select_n3A_868 : vector<16xf32> to vector<1x1x1x16xf32>
        tpu.vector_store %arg7[%swap3A_874, %swap3A_875, %swap3A_876, %swap3A_877], %swap3A_880 {strides = array<i32>} : memref<2x5x8x512xf32, #tpu.memory_space<vmem>>, vector<1x1x1x16xf32>,
        %select_n3A_881 = arith.select %eq3A_866, %gather3A_114, %gather3A_189 : vector<16xi1>, vector<16xf32>
        %select_n3A_882 = arith.select %eq3A_863, %gather3A_39, %select_n3A_881 : vector<16xi1>, vector<16xf32>
        %mul3A_883 = arith.constant 16 : i32
        %mul3A_884 = arith.muli %scan3A_428, %mul3A_883 : i32
        %swap3A_885 = arith.constant 1 : i32
        %swap3A_886 = arith.constant 1 : i32
        %swap3A_887 = arith.constant 5 : i32
        %swap3A_888 = arith.index_cast %swap3A_885 : i32 to index
        %swap3A_889 = arith.index_cast %swap3A_886 : i32 to index
        %swap3A_890 = arith.index_cast %swap3A_887 : i32 to index
        %swap3A_891 = arith.index_cast %mul3A_884 : i32 to index
        %swap3A_892 = tpu.vector_load %arg7[%swap3A_888, %swap3A_889, %swap3A_890, %swap3A_891] {strides = array<i32>} : memref<2x5x8x512xf32, #tpu.memory_space<vmem>>, vector<1x1x1x16xf32>,
        %swap3A_893 = vector.shape_cast %swap3A_892 : vector<1x1x1x16xf32> to vector<16xf32>
        %swap3A_894 = vector.shape_cast %select_n3A_882 : vector<16xf32> to vector<1x1x1x16xf32>
        tpu.vector_store %arg7[%swap3A_888, %swap3A_889, %swap3A_890, %swap3A_891], %swap3A_894 {strides = array<i32>} : memref<2x5x8x512xf32, #tpu.memory_space<vmem>>, vector<1x1x1x16xf32>,
        %select_n3A_895 = arith.select %eq3A_866, %gather3A_129, %gather3A_204 : vector<16xi1>, vector<16xf32>
        %select_n3A_896 = arith.select %eq3A_863, %gather3A_54, %select_n3A_895 : vector<16xi1>, vector<16xf32>
        %mul3A_897 = arith.constant 16 : i32
        %mul3A_898 = arith.muli %scan3A_428, %mul3A_897 : i32
        %swap3A_899 = arith.constant 1 : i32
        %swap3A_900 = arith.constant 2 : i32
        %swap3A_901 = arith.constant 5 : i32
        %swap3A_902 = arith.index_cast %swap3A_899 : i32 to index
        %swap3A_903 = arith.index_cast %swap3A_900 : i32 to index
        %swap3A_904 = arith.index_cast %swap3A_901 : i32 to index
        %swap3A_905 = arith.index_cast %mul3A_898 : i32 to index
        %swap3A_906 = tpu.vector_load %arg7[%swap3A_902, %swap3A_903, %swap3A_904, %swap3A_905] {strides = array<i32>} : memref<2x5x8x512xf32, #tpu.memory_space<vmem>>, vector<1x1x1x16xf32>,
        %swap3A_907 = vector.shape_cast %swap3A_906 : vector<1x1x1x16xf32> to vector<16xf32>
        %swap3A_908 = vector.shape_cast %select_n3A_896 : vector<16xf32> to vector<1x1x1x16xf32>
        tpu.vector_store %arg7[%swap3A_902, %swap3A_903, %swap3A_904, %swap3A_905], %swap3A_908 {strides = array<i32>} : memref<2x5x8x512xf32, #tpu.memory_space<vmem>>, vector<1x1x1x16xf32>,
        %select_n3A_909 = arith.select %eq3A_866, %gather3A_144, %gather3A_219 : vector<16xi1>, vector<16xf32>
        %select_n3A_910 = arith.select %eq3A_863, %gather3A_69, %select_n3A_909 : vector<16xi1>, vector<16xf32>
        %mul3A_911 = arith.constant 16 : i32
        %mul3A_912 = arith.muli %scan3A_428, %mul3A_911 : i32
        %swap3A_913 = arith.constant 1 : i32
        %swap3A_914 = arith.constant 3 : i32
        %swap3A_915 = arith.constant 5 : i32
        %swap3A_916 = arith.index_cast %swap3A_913 : i32 to index
        %swap3A_917 = arith.index_cast %swap3A_914 : i32 to index
        %swap3A_918 = arith.index_cast %swap3A_915 : i32 to index
        %swap3A_919 = arith.index_cast %mul3A_912 : i32 to index
        %swap3A_920 = tpu.vector_load %arg7[%swap3A_916, %swap3A_917, %swap3A_918, %swap3A_919] {strides = array<i32>} : memref<2x5x8x512xf32, #tpu.memory_space<vmem>>, vector<1x1x1x16xf32>,
        %swap3A_921 = vector.shape_cast %swap3A_920 : vector<1x1x1x16xf32> to vector<16xf32>
        %swap3A_922 = vector.shape_cast %select_n3A_910 : vector<16xf32> to vector<1x1x1x16xf32>
        tpu.vector_store %arg7[%swap3A_916, %swap3A_917, %swap3A_918, %swap3A_919], %swap3A_922 {strides = array<i32>} : memref<2x5x8x512xf32, #tpu.memory_space<vmem>>, vector<1x1x1x16xf32>,
        %select_n3A_923 = arith.select %eq3A_866, %gather3A_159, %gather3A_234 : vector<16xi1>, vector<16xf32>
        %select_n3A_924 = arith.select %eq3A_863, %gather3A_84, %select_n3A_923 : vector<16xi1>, vector<16xf32>
        %mul3A_925 = arith.constant 16 : i32
        %mul3A_926 = arith.muli %scan3A_428, %mul3A_925 : i32
        %swap3A_927 = arith.constant 1 : i32
        %swap3A_928 = arith.constant 4 : i32
        %swap3A_929 = arith.constant 5 : i32
        %swap3A_930 = arith.index_cast %swap3A_927 : i32 to index
        %swap3A_931 = arith.index_cast %swap3A_928 : i32 to index
        %swap3A_932 = arith.index_cast %swap3A_929 : i32 to index
        %swap3A_933 = arith.index_cast %mul3A_926 : i32 to index
        %swap3A_934 = tpu.vector_load %arg7[%swap3A_930, %swap3A_931, %swap3A_932, %swap3A_933] {strides = array<i32>} : memref<2x5x8x512xf32, #tpu.memory_space<vmem>>, vector<1x1x1x16xf32>,
        %swap3A_935 = vector.shape_cast %swap3A_934 : vector<1x1x1x16xf32> to vector<16xf32>
        %swap3A_936 = vector.shape_cast %select_n3A_924 : vector<16xf32> to vector<1x1x1x16xf32>
        tpu.vector_store %arg7[%swap3A_930, %swap3A_931, %swap3A_932, %swap3A_933], %swap3A_936 {strides = array<i32>} : memref<2x5x8x512xf32, #tpu.memory_space<vmem>>, vector<1x1x1x16xf32>,
        %mul3A_937 = arith.constant 16 : i32
        %mul3A_938 = arith.muli %scan3A_428, %mul3A_937 : i32
        %get3A_939 = arith.constant 1 : i32
        %get3A_940 = arith.constant 6 : i32
        %get3A_941 = arith.index_cast %get3A_939 : i32 to index
        %get3A_942 = arith.index_cast %get3A_940 : i32 to index
        %get3A_943 = arith.index_cast %mul3A_938 : i32 to index
        %get3A_944 = tpu.vector_load %arg6[%get3A_941, %get3A_942, %get3A_943] {strides = array<i32>} : memref<2x8x512xi32, #tpu.memory_space<vmem>>, vector<1x1x16xi32>,
        %get3A_945 = vector.shape_cast %get3A_944 : vector<1x1x16xi32> to vector<16xi32>
        %eq3A_946 = arith.constant 0 : i32
        %eq3A_947 = vector.broadcast %eq3A_946 : i32 to vector<16xi32>
        %eq3A_948 = arith.cmpi eq, %get3A_945, %eq3A_947 : vector<16xi32>
        %eq3A_949 = arith.constant 1 : i32
        %eq3A_950 = vector.broadcast %eq3A_949 : i32 to vector<16xi32>
        %eq3A_951 = arith.cmpi eq, %get3A_945, %eq3A_950 : vector<16xi32>
        %select_n3A_952 = arith.select %eq3A_951, %gather3A_99, %gather3A_174 : vector<16xi1>, vector<16xf32>
        %select_n3A_953 = arith.select %eq3A_948, %gather3A_24, %select_n3A_952 : vector<16xi1>, vector<16xf32>
        %mul3A_954 = arith.constant 16 : i32
        %mul3A_955 = arith.muli %scan3A_428, %mul3A_954 : i32
        %swap3A_956 = arith.constant 1 : i32
        %swap3A_957 = arith.constant 0 : i32
        %swap3A_958 = arith.constant 6 : i32
        %swap3A_959 = arith.index_cast %swap3A_956 : i32 to index
        %swap3A_960 = arith.index_cast %swap3A_957 : i32 to index
        %swap3A_961 = arith.index_cast %swap3A_958 : i32 to index
        %swap3A_962 = arith.index_cast %mul3A_955 : i32 to index
        %swap3A_963 = tpu.vector_load %arg7[%swap3A_959, %swap3A_960, %swap3A_961, %swap3A_962] {strides = array<i32>} : memref<2x5x8x512xf32, #tpu.memory_space<vmem>>, vector<1x1x1x16xf32>,
        %swap3A_964 = vector.shape_cast %swap3A_963 : vector<1x1x1x16xf32> to vector<16xf32>
        %swap3A_965 = vector.shape_cast %select_n3A_953 : vector<16xf32> to vector<1x1x1x16xf32>
        tpu.vector_store %arg7[%swap3A_959, %swap3A_960, %swap3A_961, %swap3A_962], %swap3A_965 {strides = array<i32>} : memref<2x5x8x512xf32, #tpu.memory_space<vmem>>, vector<1x1x1x16xf32>,
        %select_n3A_966 = arith.select %eq3A_951, %gather3A_114, %gather3A_189 : vector<16xi1>, vector<16xf32>
        %select_n3A_967 = arith.select %eq3A_948, %gather3A_39, %select_n3A_966 : vector<16xi1>, vector<16xf32>
        %mul3A_968 = arith.constant 16 : i32
        %mul3A_969 = arith.muli %scan3A_428, %mul3A_968 : i32
        %swap3A_970 = arith.constant 1 : i32
        %swap3A_971 = arith.constant 1 : i32
        %swap3A_972 = arith.constant 6 : i32
        %swap3A_973 = arith.index_cast %swap3A_970 : i32 to index
        %swap3A_974 = arith.index_cast %swap3A_971 : i32 to index
        %swap3A_975 = arith.index_cast %swap3A_972 : i32 to index
        %swap3A_976 = arith.index_cast %mul3A_969 : i32 to index
        %swap3A_977 = tpu.vector_load %arg7[%swap3A_973, %swap3A_974, %swap3A_975, %swap3A_976] {strides = array<i32>} : memref<2x5x8x512xf32, #tpu.memory_space<vmem>>, vector<1x1x1x16xf32>,
        %swap3A_978 = vector.shape_cast %swap3A_977 : vector<1x1x1x16xf32> to vector<16xf32>
        %swap3A_979 = vector.shape_cast %select_n3A_967 : vector<16xf32> to vector<1x1x1x16xf32>
        tpu.vector_store %arg7[%swap3A_973, %swap3A_974, %swap3A_975, %swap3A_976], %swap3A_979 {strides = array<i32>} : memref<2x5x8x512xf32, #tpu.memory_space<vmem>>, vector<1x1x1x16xf32>,
        %select_n3A_980 = arith.select %eq3A_951, %gather3A_129, %gather3A_204 : vector<16xi1>, vector<16xf32>
        %select_n3A_981 = arith.select %eq3A_948, %gather3A_54, %select_n3A_980 : vector<16xi1>, vector<16xf32>
        %mul3A_982 = arith.constant 16 : i32
        %mul3A_983 = arith.muli %scan3A_428, %mul3A_982 : i32
        %swap3A_984 = arith.constant 1 : i32
        %swap3A_985 = arith.constant 2 : i32
        %swap3A_986 = arith.constant 6 : i32
        %swap3A_987 = arith.index_cast %swap3A_984 : i32 to index
        %swap3A_988 = arith.index_cast %swap3A_985 : i32 to index
        %swap3A_989 = arith.index_cast %swap3A_986 : i32 to index
        %swap3A_990 = arith.index_cast %mul3A_983 : i32 to index
        %swap3A_991 = tpu.vector_load %arg7[%swap3A_987, %swap3A_988, %swap3A_989, %swap3A_990] {strides = array<i32>} : memref<2x5x8x512xf32, #tpu.memory_space<vmem>>, vector<1x1x1x16xf32>,
        %swap3A_992 = vector.shape_cast %swap3A_991 : vector<1x1x1x16xf32> to vector<16xf32>
        %swap3A_993 = vector.shape_cast %select_n3A_981 : vector<16xf32> to vector<1x1x1x16xf32>
        tpu.vector_store %arg7[%swap3A_987, %swap3A_988, %swap3A_989, %swap3A_990], %swap3A_993 {strides = array<i32>} : memref<2x5x8x512xf32, #tpu.memory_space<vmem>>, vector<1x1x1x16xf32>,
        %select_n3A_994 = arith.select %eq3A_951, %gather3A_144, %gather3A_219 : vector<16xi1>, vector<16xf32>
        %select_n3A_995 = arith.select %eq3A_948, %gather3A_69, %select_n3A_994 : vector<16xi1>, vector<16xf32>
        %mul3A_996 = arith.constant 16 : i32
        %mul3A_997 = arith.muli %scan3A_428, %mul3A_996 : i32
        %swap3A_998 = arith.constant 1 : i32
        %swap3A_999 = arith.constant 3 : i32
        %swap3A_1000 = arith.constant 6 : i32
        %swap3A_1001 = arith.index_cast %swap3A_998 : i32 to index
        %swap3A_1002 = arith.index_cast %swap3A_999 : i32 to index
        %swap3A_1003 = arith.index_cast %swap3A_1000 : i32 to index
        %swap3A_1004 = arith.index_cast %mul3A_997 : i32 to index
        %swap3A_1005 = tpu.vector_load %arg7[%swap3A_1001, %swap3A_1002, %swap3A_1003, %swap3A_1004] {strides = array<i32>} : memref<2x5x8x512xf32, #tpu.memory_space<vmem>>, vector<1x1x1x16xf32>,
        %swap3A_1006 = vector.shape_cast %swap3A_1005 : vector<1x1x1x16xf32> to vector<16xf32>
        %swap3A_1007 = vector.shape_cast %select_n3A_995 : vector<16xf32> to vector<1x1x1x16xf32>
        tpu.vector_store %arg7[%swap3A_1001, %swap3A_1002, %swap3A_1003, %swap3A_1004], %swap3A_1007 {strides = array<i32>} : memref<2x5x8x512xf32, #tpu.memory_space<vmem>>, vector<1x1x1x16xf32>,
        %select_n3A_1008 = arith.select %eq3A_951, %gather3A_159, %gather3A_234 : vector<16xi1>, vector<16xf32>
        %select_n3A_1009 = arith.select %eq3A_948, %gather3A_84, %select_n3A_1008 : vector<16xi1>, vector<16xf32>
        %mul3A_1010 = arith.constant 16 : i32
        %mul3A_1011 = arith.muli %scan3A_428, %mul3A_1010 : i32
        %swap3A_1012 = arith.constant 1 : i32
        %swap3A_1013 = arith.constant 4 : i32
        %swap3A_1014 = arith.constant 6 : i32
        %swap3A_1015 = arith.index_cast %swap3A_1012 : i32 to index
        %swap3A_1016 = arith.index_cast %swap3A_1013 : i32 to index
        %swap3A_1017 = arith.index_cast %swap3A_1014 : i32 to index
        %swap3A_1018 = arith.index_cast %mul3A_1011 : i32 to index
        %swap3A_1019 = tpu.vector_load %arg7[%swap3A_1015, %swap3A_1016, %swap3A_1017, %swap3A_1018] {strides = array<i32>} : memref<2x5x8x512xf32, #tpu.memory_space<vmem>>, vector<1x1x1x16xf32>,
        %swap3A_1020 = vector.shape_cast %swap3A_1019 : vector<1x1x1x16xf32> to vector<16xf32>
        %swap3A_1021 = vector.shape_cast %select_n3A_1009 : vector<16xf32> to vector<1x1x1x16xf32>
        tpu.vector_store %arg7[%swap3A_1015, %swap3A_1016, %swap3A_1017, %swap3A_1018], %swap3A_1021 {strides = array<i32>} : memref<2x5x8x512xf32, #tpu.memory_space<vmem>>, vector<1x1x1x16xf32>,
        %mul3A_1022 = arith.constant 16 : i32
        %mul3A_1023 = arith.muli %scan3A_428, %mul3A_1022 : i32
        %get3A_1024 = arith.constant 1 : i32
        %get3A_1025 = arith.constant 7 : i32
        %get3A_1026 = arith.index_cast %get3A_1024 : i32 to index
        %get3A_1027 = arith.index_cast %get3A_1025 : i32 to index
        %get3A_1028 = arith.index_cast %mul3A_1023 : i32 to index
        %get3A_1029 = tpu.vector_load %arg6[%get3A_1026, %get3A_1027, %get3A_1028] {strides = array<i32>} : memref<2x8x512xi32, #tpu.memory_space<vmem>>, vector<1x1x16xi32>,
        %get3A_1030 = vector.shape_cast %get3A_1029 : vector<1x1x16xi32> to vector<16xi32>
        %eq3A_1031 = arith.constant 0 : i32
        %eq3A_1032 = vector.broadcast %eq3A_1031 : i32 to vector<16xi32>
        %eq3A_1033 = arith.cmpi eq, %get3A_1030, %eq3A_1032 : vector<16xi32>
        %eq3A_1034 = arith.constant 1 : i32
        %eq3A_1035 = vector.broadcast %eq3A_1034 : i32 to vector<16xi32>
        %eq3A_1036 = arith.cmpi eq, %get3A_1030, %eq3A_1035 : vector<16xi32>
        %select_n3A_1037 = arith.select %eq3A_1036, %gather3A_99, %gather3A_174 : vector<16xi1>, vector<16xf32>
        %select_n3A_1038 = arith.select %eq3A_1033, %gather3A_24, %select_n3A_1037 : vector<16xi1>, vector<16xf32>
        %mul3A_1039 = arith.constant 16 : i32
        %mul3A_1040 = arith.muli %scan3A_428, %mul3A_1039 : i32
        %swap3A_1041 = arith.constant 1 : i32
        %swap3A_1042 = arith.constant 0 : i32
        %swap3A_1043 = arith.constant 7 : i32
        %swap3A_1044 = arith.index_cast %swap3A_1041 : i32 to index
        %swap3A_1045 = arith.index_cast %swap3A_1042 : i32 to index
        %swap3A_1046 = arith.index_cast %swap3A_1043 : i32 to index
        %swap3A_1047 = arith.index_cast %mul3A_1040 : i32 to index
        %swap3A_1048 = tpu.vector_load %arg7[%swap3A_1044, %swap3A_1045, %swap3A_1046, %swap3A_1047] {strides = array<i32>} : memref<2x5x8x512xf32, #tpu.memory_space<vmem>>, vector<1x1x1x16xf32>,
        %swap3A_1049 = vector.shape_cast %swap3A_1048 : vector<1x1x1x16xf32> to vector<16xf32>
        %swap3A_1050 = vector.shape_cast %select_n3A_1038 : vector<16xf32> to vector<1x1x1x16xf32>
        tpu.vector_store %arg7[%swap3A_1044, %swap3A_1045, %swap3A_1046, %swap3A_1047], %swap3A_1050 {strides = array<i32>} : memref<2x5x8x512xf32, #tpu.memory_space<vmem>>, vector<1x1x1x16xf32>,
        %select_n3A_1051 = arith.select %eq3A_1036, %gather3A_114, %gather3A_189 : vector<16xi1>, vector<16xf32>
        %select_n3A_1052 = arith.select %eq3A_1033, %gather3A_39, %select_n3A_1051 : vector<16xi1>, vector<16xf32>
        %mul3A_1053 = arith.constant 16 : i32
        %mul3A_1054 = arith.muli %scan3A_428, %mul3A_1053 : i32
        %swap3A_1055 = arith.constant 1 : i32
        %swap3A_1056 = arith.constant 1 : i32
        %swap3A_1057 = arith.constant 7 : i32
        %swap3A_1058 = arith.index_cast %swap3A_1055 : i32 to index
        %swap3A_1059 = arith.index_cast %swap3A_1056 : i32 to index
        %swap3A_1060 = arith.index_cast %swap3A_1057 : i32 to index
        %swap3A_1061 = arith.index_cast %mul3A_1054 : i32 to index
        %swap3A_1062 = tpu.vector_load %arg7[%swap3A_1058, %swap3A_1059, %swap3A_1060, %swap3A_1061] {strides = array<i32>} : memref<2x5x8x512xf32, #tpu.memory_space<vmem>>, vector<1x1x1x16xf32>,
        %swap3A_1063 = vector.shape_cast %swap3A_1062 : vector<1x1x1x16xf32> to vector<16xf32>
        %swap3A_1064 = vector.shape_cast %select_n3A_1052 : vector<16xf32> to vector<1x1x1x16xf32>
        tpu.vector_store %arg7[%swap3A_1058, %swap3A_1059, %swap3A_1060, %swap3A_1061], %swap3A_1064 {strides = array<i32>} : memref<2x5x8x512xf32, #tpu.memory_space<vmem>>, vector<1x1x1x16xf32>,
        %select_n3A_1065 = arith.select %eq3A_1036, %gather3A_129, %gather3A_204 : vector<16xi1>, vector<16xf32>
        %select_n3A_1066 = arith.select %eq3A_1033, %gather3A_54, %select_n3A_1065 : vector<16xi1>, vector<16xf32>
        %mul3A_1067 = arith.constant 16 : i32
        %mul3A_1068 = arith.muli %scan3A_428, %mul3A_1067 : i32
        %swap3A_1069 = arith.constant 1 : i32
        %swap3A_1070 = arith.constant 2 : i32
        %swap3A_1071 = arith.constant 7 : i32
        %swap3A_1072 = arith.index_cast %swap3A_1069 : i32 to index
        %swap3A_1073 = arith.index_cast %swap3A_1070 : i32 to index
        %swap3A_1074 = arith.index_cast %swap3A_1071 : i32 to index
        %swap3A_1075 = arith.index_cast %mul3A_1068 : i32 to index
        %swap3A_1076 = tpu.vector_load %arg7[%swap3A_1072, %swap3A_1073, %swap3A_1074, %swap3A_1075] {strides = array<i32>} : memref<2x5x8x512xf32, #tpu.memory_space<vmem>>, vector<1x1x1x16xf32>,
        %swap3A_1077 = vector.shape_cast %swap3A_1076 : vector<1x1x1x16xf32> to vector<16xf32>
        %swap3A_1078 = vector.shape_cast %select_n3A_1066 : vector<16xf32> to vector<1x1x1x16xf32>
        tpu.vector_store %arg7[%swap3A_1072, %swap3A_1073, %swap3A_1074, %swap3A_1075], %swap3A_1078 {strides = array<i32>} : memref<2x5x8x512xf32, #tpu.memory_space<vmem>>, vector<1x1x1x16xf32>,
        %select_n3A_1079 = arith.select %eq3A_1036, %gather3A_144, %gather3A_219 : vector<16xi1>, vector<16xf32>
        %select_n3A_1080 = arith.select %eq3A_1033, %gather3A_69, %select_n3A_1079 : vector<16xi1>, vector<16xf32>
        %mul3A_1081 = arith.constant 16 : i32
        %mul3A_1082 = arith.muli %scan3A_428, %mul3A_1081 : i32
        %swap3A_1083 = arith.constant 1 : i32
        %swap3A_1084 = arith.constant 3 : i32
        %swap3A_1085 = arith.constant 7 : i32
        %swap3A_1086 = arith.index_cast %swap3A_1083 : i32 to index
        %swap3A_1087 = arith.index_cast %swap3A_1084 : i32 to index
        %swap3A_1088 = arith.index_cast %swap3A_1085 : i32 to index
        %swap3A_1089 = arith.index_cast %mul3A_1082 : i32 to index
        %swap3A_1090 = tpu.vector_load %arg7[%swap3A_1086, %swap3A_1087, %swap3A_1088, %swap3A_1089] {strides = array<i32>} : memref<2x5x8x512xf32, #tpu.memory_space<vmem>>, vector<1x1x1x16xf32>,
        %swap3A_1091 = vector.shape_cast %swap3A_1090 : vector<1x1x1x16xf32> to vector<16xf32>
        %swap3A_1092 = vector.shape_cast %select_n3A_1080 : vector<16xf32> to vector<1x1x1x16xf32>
        tpu.vector_store %arg7[%swap3A_1086, %swap3A_1087, %swap3A_1088, %swap3A_1089], %swap3A_1092 {strides = array<i32>} : memref<2x5x8x512xf32, #tpu.memory_space<vmem>>, vector<1x1x1x16xf32>,
        %select_n3A_1093 = arith.select %eq3A_1036, %gather3A_159, %gather3A_234 : vector<16xi1>, vector<16xf32>
        %select_n3A_1094 = arith.select %eq3A_1033, %gather3A_84, %select_n3A_1093 : vector<16xi1>, vector<16xf32>
        %mul3A_1095 = arith.constant 16 : i32
        %mul3A_1096 = arith.muli %scan3A_428, %mul3A_1095 : i32
        %swap3A_1097 = arith.constant 1 : i32
        %swap3A_1098 = arith.constant 4 : i32
        %swap3A_1099 = arith.constant 7 : i32
        %swap3A_1100 = arith.index_cast %swap3A_1097 : i32 to index
        %swap3A_1101 = arith.index_cast %swap3A_1098 : i32 to index
        %swap3A_1102 = arith.index_cast %swap3A_1099 : i32 to index
        %swap3A_1103 = arith.index_cast %mul3A_1096 : i32 to index
        %swap3A_1104 = tpu.vector_load %arg7[%swap3A_1100, %swap3A_1101, %swap3A_1102, %swap3A_1103] {strides = array<i32>} : memref<2x5x8x512xf32, #tpu.memory_space<vmem>>, vector<1x1x1x16xf32>,
        %swap3A_1105 = vector.shape_cast %swap3A_1104 : vector<1x1x1x16xf32> to vector<16xf32>
        %swap3A_1106 = vector.shape_cast %select_n3A_1094 : vector<16xf32> to vector<1x1x1x16xf32>
        tpu.vector_store %arg7[%swap3A_1100, %swap3A_1101, %swap3A_1102, %swap3A_1103], %swap3A_1106 {strides = array<i32>} : memref<2x5x8x512xf32, #tpu.memory_space<vmem>>, vector<1x1x1x16xf32>,
      }
      %scan3A_410 = arith.constant 32 : i32
      %mul3A_411 = arith.constant 8 : i32
      %mul3A_412 = arith.muli %add3A_379, %mul3A_411 : i32
      %dma_start3A_413 = arith.constant 1 : i32
      %dma_start3A_414 = arith.constant 0 : i32
      %dma_start3A_415 = arith.constant 0 : i32
      %dma_start3A_416 = arith.constant 0 : i32
      %dma_start3A_417 = tpu.memref_slice %arg7[%dma_start3A_413, %dma_start3A_414, %dma_start3A_415, %dma_start3A_416] : memref<2x5x8x512xf32, #tpu.memory_space<vmem>> -> memref<1x5x8x512xf32, #tpu.memory_space<vmem>>
      %dma_start3A_418 = tpu.memref_squeeze %dma_start3A_417 : memref<1x5x8x512xf32, #tpu.memory_space<vmem>> -> memref<5x8x512xf32, #tpu.memory_space<vmem>>
      %dma_start3A_419 = arith.constant 0 : i32
      %dma_start3A_420 = tpu.memref_slice %arg4[%dma_start3A_419, %mul3A_412, %mul3A_2] : memref<5x200x16384xf32, #tpu.memory_space<hbm>> -> memref<5x8x512xf32, #tpu.memory_space<hbm>>
      %dma_start3A_421 = arith.constant 0 : i32
      %dma_start3A_422 = tpu.memref_slice %arg4[%dma_start3A_421, %mul3A_412, %mul3A_2] : memref<5x200x16384xf32, #tpu.memory_space<hbm>> -> memref<5x8x512xf32, #tpu.memory_space<hbm>>
      %dma_start3A_423 = arith.constant 0 : i32
      %dma_start3A_424 = arith.constant 0 : i32
      %dma_start3A_425 = arith.constant 0 : i32
      %dma_start3A_426 = tpu.memref_slice %arg7[%dma_start3A_413, %dma_start3A_423, %dma_start3A_424, %dma_start3A_425] : memref<2x5x8x512xf32, #tpu.memory_space<vmem>> -> memref<1x5x8x512xf32, #tpu.memory_space<vmem>>
      %dma_start3A_427 = tpu.memref_squeeze %dma_start3A_426 : memref<1x5x8x512xf32, #tpu.memory_space<vmem>> -> memref<5x8x512xf32, #tpu.memory_space<vmem>>
      tpu.enqueue_dma source(%dma_start3A_427 : memref<5x8x512xf32, #tpu.memory_space<vmem>>) target(%dma_start3A_422 : memref<5x8x512xf32, #tpu.memory_space<hbm>>) target_semaphore(%arg11 : memref<!tpu.dma_semaphore, #tpu.memory_space<semaphore_mem>>)
    }
    %scan3A_239 = arith.constant 12 : i32
    %dma_wait3A = arith.constant 0 : i32
    %dma_wait3A_240 = arith.constant 0 : i32
    %dma_wait3A_241 = arith.constant 0 : i32
    %dma_wait3A_242 = tpu.memref_slice %arg6[%dma_wait3A, %dma_wait3A_240, %dma_wait3A_241] : memref<2x8x512xi32, #tpu.memory_space<vmem>> -> memref<1x8x512xi32, #tpu.memory_space<vmem>>
    %dma_wait3A_243 = tpu.memref_squeeze %dma_wait3A_242 : memref<1x8x512xi32, #tpu.memory_space<vmem>> -> memref<8x512xi32, #tpu.memory_space<vmem>>
    %dma_wait3A_244 = arith.constant 192 : i32
    %dma_wait3A_245 = tpu.memref_slice %arg2[%dma_wait3A_244, %mul3A_2] : memref<200x16384xi32, #tpu.memory_space<hbm>> -> memref<8x512xi32, #tpu.memory_space<hbm>>
    %dma_wait3A_246 = arith.constant 0 : i32
    %dma_wait3A_247 = arith.constant 0 : i32
    %dma_wait3A_248 = tpu.memref_slice %arg6[%dma_wait3A, %dma_wait3A_246, %dma_wait3A_247] : memref<2x8x512xi32, #tpu.memory_space<vmem>> -> memref<1x8x512xi32, #tpu.memory_space<vmem>>
    %dma_wait3A_249 = tpu.memref_squeeze %dma_wait3A_248 : memref<1x8x512xi32, #tpu.memory_space<vmem>> -> memref<8x512xi32, #tpu.memory_space<vmem>>
    %dma_wait3A_250 = arith.constant 192 : i32
    %dma_wait3A_251 = tpu.memref_slice %arg2[%dma_wait3A_250, %mul3A_2] : memref<200x16384xi32, #tpu.memory_space<hbm>> -> memref<8x512xi32, #tpu.memory_space<hbm>>
    tpu.wait_dma2 semaphore(%arg8 : memref<!tpu.dma_semaphore, #tpu.memory_space<semaphore_mem>>) src(%dma_wait3A_251 : memref<8x512xi32, #tpu.memory_space<hbm>>) dst(%dma_wait3A_249 : memref<8x512xi32, #tpu.memory_space<vmem>>)
    %dma_wait3A_252 = arith.constant 0 : i32
    %dma_wait3A_253 = arith.constant 0 : i32
    %dma_wait3A_254 = arith.constant 0 : i32
    %dma_wait3A_255 = arith.constant 0 : i32
    %dma_wait3A_256 = tpu.memref_slice %arg7[%dma_wait3A_252, %dma_wait3A_253, %dma_wait3A_254, %dma_wait3A_255] : memref<2x5x8x512xf32, #tpu.memory_space<vmem>> -> memref<1x5x8x512xf32, #tpu.memory_space<vmem>>
    %dma_wait3A_257 = tpu.memref_squeeze %dma_wait3A_256 : memref<1x5x8x512xf32, #tpu.memory_space<vmem>> -> memref<5x8x512xf32, #tpu.memory_space<vmem>>
    %dma_wait3A_258 = arith.constant 0 : i32
    %dma_wait3A_259 = arith.constant 176 : i32
    %dma_wait3A_260 = tpu.memref_slice %arg4[%dma_wait3A_258, %dma_wait3A_259, %mul3A_2] : memref<5x200x16384xf32, #tpu.memory_space<hbm>> -> memref<5x8x512xf32, #tpu.memory_space<hbm>>
    %dma_wait3A_261 = arith.constant 0 : i32
    %dma_wait3A_262 = arith.constant 176 : i32
    %dma_wait3A_263 = tpu.memref_slice %arg4[%dma_wait3A_261, %dma_wait3A_262, %mul3A_2] : memref<5x200x16384xf32, #tpu.memory_space<hbm>> -> memref<5x8x512xf32, #tpu.memory_space<hbm>>
    %dma_wait3A_264 = arith.constant 0 : i32
    %dma_wait3A_265 = arith.constant 0 : i32
    %dma_wait3A_266 = arith.constant 0 : i32
    %dma_wait3A_267 = tpu.memref_slice %arg7[%dma_wait3A_252, %dma_wait3A_264, %dma_wait3A_265, %dma_wait3A_266] : memref<2x5x8x512xf32, #tpu.memory_space<vmem>> -> memref<1x5x8x512xf32, #tpu.memory_space<vmem>>
    %dma_wait3A_268 = tpu.memref_squeeze %dma_wait3A_267 : memref<1x5x8x512xf32, #tpu.memory_space<vmem>> -> memref<5x8x512xf32, #tpu.memory_space<vmem>>
    tpu.wait_dma2 semaphore(%arg10 : memref<!tpu.dma_semaphore, #tpu.memory_space<semaphore_mem>>) src(%dma_wait3A_268 : memref<5x8x512xf32, #tpu.memory_space<vmem>>) dst(%dma_wait3A_263 : memref<5x8x512xf32, #tpu.memory_space<hbm>>)
    %scan3A_269 = arith.constant 0 : i32
    %scan3A_270 = arith.constant 0 : i32
    %scan3A_271 = arith.constant 32 : i32
    %scan3A_272 = arith.addi %scan3A_270, %scan3A_271 : i32
    %scan3A_273 = arith.constant 1 : i32
    scf.for %scan3A_326 = %scan3A_270 to %scan3A_272 step %scan3A_273  : i32 {
      %mul3A_327 = arith.constant 16 : i32
      %mul3A_328 = arith.muli %scan3A_326, %mul3A_327 : i32
      %get3A_329 = arith.constant 0 : i32
      %get3A_330 = arith.constant 0 : i32
      %get3A_331 = arith.index_cast %get3A_329 : i32 to index
      %get3A_332 = arith.index_cast %get3A_330 : i32 to index
      %get3A_333 = arith.index_cast %mul3A_328 : i32 to index
      %get3A_334 = tpu.vector_load %arg6[%get3A_331, %get3A_332, %get3A_333] {strides = array<i32>} : memref<2x8x512xi32, #tpu.memory_space<vmem>>, vector<1x1x16xi32>,
      %get3A_335 = vector.shape_cast %get3A_334 : vector<1x1x16xi32> to vector<16xi32>
      %eq3A = arith.constant 0 : i32
      %eq3A_336 = vector.broadcast %eq3A : i32 to vector<16xi32>
      %eq3A_337 = arith.cmpi eq, %get3A_335, %eq3A_336 : vector<16xi32>
      %eq3A_338 = arith.constant 1 : i32
      %eq3A_339 = vector.broadcast %eq3A_338 : i32 to vector<16xi32>
      %eq3A_340 = arith.cmpi eq, %get3A_335, %eq3A_339 : vector<16xi32>
      %select_n3A_341 = arith.select %eq3A_340, %gather3A_99, %gather3A_174 : vector<16xi1>, vector<16xf32>
      %select_n3A_342 = arith.select %eq3A_337, %gather3A_24, %select_n3A_341 : vector<16xi1>, vector<16xf32>
      %mul3A_343 = arith.constant 16 : i32
      %mul3A_344 = arith.muli %scan3A_326, %mul3A_343 : i32
      %swap3A = arith.constant 0 : i32
      %swap3A_345 = arith.constant 0 : i32
      %swap3A_346 = arith.constant 0 : i32
      %swap3A_347 = arith.index_cast %swap3A : i32 to index
      %swap3A_348 = arith.index_cast %swap3A_345 : i32 to index
      %swap3A_349 = arith.index_cast %swap3A_346 : i32 to index
      %swap3A_350 = arith.index_cast %mul3A_344 : i32 to index
      %swap3A_351 = tpu.vector_load %arg7[%swap3A_347, %swap3A_348, %swap3A_349, %swap3A_350] {strides = array<i32>} : memref<2x5x8x512xf32, #tpu.memory_space<vmem>>, vector<1x1x1x16xf32>,
      %swap3A_352 = vector.shape_cast %swap3A_351 : vector<1x1x1x16xf32> to vector<16xf32>
      %swap3A_353 = vector.shape_cast %select_n3A_342 : vector<16xf32> to vector<1x1x1x16xf32>
      tpu.vector_store %arg7[%swap3A_347, %swap3A_348, %swap3A_349, %swap3A_350], %swap3A_353 {strides = array<i32>} : memref<2x5x8x512xf32, #tpu.memory_space<vmem>>, vector<1x1x1x16xf32>,
      %select_n3A_354 = arith.select %eq3A_340, %gather3A_114, %gather3A_189 : vector<16xi1>, vector<16xf32>
      %select_n3A_355 = arith.select %eq3A_337, %gather3A_39, %select_n3A_354 : vector<16xi1>, vector<16xf32>
      %mul3A_356 = arith.constant 16 : i32
      %mul3A_357 = arith.muli %scan3A_326, %mul3A_356 : i32
      %swap3A_358 = arith.constant 0 : i32
      %swap3A_359 = arith.constant 1 : i32
      %swap3A_360 = arith.constant 0 : i32
      %swap3A_361 = arith.index_cast %swap3A_358 : i32 to index
      %swap3A_362 = arith.index_cast %swap3A_359 : i32 to index
      %swap3A_363 = arith.index_cast %swap3A_360 : i32 to index
      %swap3A_364 = arith.index_cast %mul3A_357 : i32 to index
      %swap3A_365 = tpu.vector_load %arg7[%swap3A_361, %swap3A_362, %swap3A_363, %swap3A_364] {strides = array<i32>} : memref<2x5x8x512xf32, #tpu.memory_space<vmem>>, vector<1x1x1x16xf32>,
      %swap3A_366 = vector.shape_cast %swap3A_365 : vector<1x1x1x16xf32> to vector<16xf32>
      %swap3A_367 = vector.shape_cast %select_n3A_355 : vector<16xf32> to vector<1x1x1x16xf32>
      tpu.vector_store %arg7[%swap3A_361, %swap3A_362, %swap3A_363, %swap3A_364], %swap3A_367 {strides = array<i32>} : memref<2x5x8x512xf32, #tpu.memory_space<vmem>>, vector<1x1x1x16xf32>,
      %select_n3A_368 = arith.select %eq3A_340, %gather3A_129, %gather3A_204 : vector<16xi1>, vector<16xf32>
      %select_n3A_369 = arith.select %eq3A_337, %gather3A_54, %select_n3A_368 : vector<16xi1>, vector<16xf32>
      %mul3A_370 = arith.constant 16 : i32
      %mul3A_371 = arith.muli %scan3A_326, %mul3A_370 : i32
      %swap3A_372 = arith.constant 0 : i32
      %swap3A_373 = arith.constant 2 : i32
      %swap3A_374 = arith.constant 0 : i32
      %swap3A_375 = arith.index_cast %swap3A_372 : i32 to index
      %swap3A_376 = arith.index_cast %swap3A_373 : i32 to index
      %swap3A_377 = arith.index_cast %swap3A_374 : i32 to index
      %swap3A_378 = arith.index_cast %mul3A_371 : i32 to index
      %swap3A_379 = tpu.vector_load %arg7[%swap3A_375, %swap3A_376, %swap3A_377, %swap3A_378] {strides = array<i32>} : memref<2x5x8x512xf32, #tpu.memory_space<vmem>>, vector<1x1x1x16xf32>,
      %swap3A_380 = vector.shape_cast %swap3A_379 : vector<1x1x1x16xf32> to vector<16xf32>
      %swap3A_381 = vector.shape_cast %select_n3A_369 : vector<16xf32> to vector<1x1x1x16xf32>
      tpu.vector_store %arg7[%swap3A_375, %swap3A_376, %swap3A_377, %swap3A_378], %swap3A_381 {strides = array<i32>} : memref<2x5x8x512xf32, #tpu.memory_space<vmem>>, vector<1x1x1x16xf32>,
      %select_n3A_382 = arith.select %eq3A_340, %gather3A_144, %gather3A_219 : vector<16xi1>, vector<16xf32>
      %select_n3A_383 = arith.select %eq3A_337, %gather3A_69, %select_n3A_382 : vector<16xi1>, vector<16xf32>
      %mul3A_384 = arith.constant 16 : i32
      %mul3A_385 = arith.muli %scan3A_326, %mul3A_384 : i32
      %swap3A_386 = arith.constant 0 : i32
      %swap3A_387 = arith.constant 3 : i32
      %swap3A_388 = arith.constant 0 : i32
      %swap3A_389 = arith.index_cast %swap3A_386 : i32 to index
      %swap3A_390 = arith.index_cast %swap3A_387 : i32 to index
      %swap3A_391 = arith.index_cast %swap3A_388 : i32 to index
      %swap3A_392 = arith.index_cast %mul3A_385 : i32 to index
      %swap3A_393 = tpu.vector_load %arg7[%swap3A_389, %swap3A_390, %swap3A_391, %swap3A_392] {strides = array<i32>} : memref<2x5x8x512xf32, #tpu.memory_space<vmem>>, vector<1x1x1x16xf32>,
      %swap3A_394 = vector.shape_cast %swap3A_393 : vector<1x1x1x16xf32> to vector<16xf32>
      %swap3A_395 = vector.shape_cast %select_n3A_383 : vector<16xf32> to vector<1x1x1x16xf32>
      tpu.vector_store %arg7[%swap3A_389, %swap3A_390, %swap3A_391, %swap3A_392], %swap3A_395 {strides = array<i32>} : memref<2x5x8x512xf32, #tpu.memory_space<vmem>>, vector<1x1x1x16xf32>,
      %select_n3A_396 = arith.select %eq3A_340, %gather3A_159, %gather3A_234 : vector<16xi1>, vector<16xf32>
      %select_n3A_397 = arith.select %eq3A_337, %gather3A_84, %select_n3A_396 : vector<16xi1>, vector<16xf32>
      %mul3A_398 = arith.constant 16 : i32
      %mul3A_399 = arith.muli %scan3A_326, %mul3A_398 : i32
      %swap3A_400 = arith.constant 0 : i32
      %swap3A_401 = arith.constant 4 : i32
      %swap3A_402 = arith.constant 0 : i32
      %swap3A_403 = arith.index_cast %swap3A_400 : i32 to index
      %swap3A_404 = arith.index_cast %swap3A_401 : i32 to index
      %swap3A_405 = arith.index_cast %swap3A_402 : i32 to index
      %swap3A_406 = arith.index_cast %mul3A_399 : i32 to index
      %swap3A_407 = tpu.vector_load %arg7[%swap3A_403, %swap3A_404, %swap3A_405, %swap3A_406] {strides = array<i32>} : memref<2x5x8x512xf32, #tpu.memory_space<vmem>>, vector<1x1x1x16xf32>,
      %swap3A_408 = vector.shape_cast %swap3A_407 : vector<1x1x1x16xf32> to vector<16xf32>
      %swap3A_409 = vector.shape_cast %select_n3A_397 : vector<16xf32> to vector<1x1x1x16xf32>
      tpu.vector_store %arg7[%swap3A_403, %swap3A_404, %swap3A_405, %swap3A_406], %swap3A_409 {strides = array<i32>} : memref<2x5x8x512xf32, #tpu.memory_space<vmem>>, vector<1x1x1x16xf32>,
      %mul3A_410 = arith.constant 16 : i32
      %mul3A_411 = arith.muli %scan3A_326, %mul3A_410 : i32
      %get3A_412 = arith.constant 0 : i32
      %get3A_413 = arith.constant 1 : i32
      %get3A_414 = arith.index_cast %get3A_412 : i32 to index
      %get3A_415 = arith.index_cast %get3A_413 : i32 to index
      %get3A_416 = arith.index_cast %mul3A_411 : i32 to index
      %get3A_417 = tpu.vector_load %arg6[%get3A_414, %get3A_415, %get3A_416] {strides = array<i32>} : memref<2x8x512xi32, #tpu.memory_space<vmem>>, vector<1x1x16xi32>,
      %get3A_418 = vector.shape_cast %get3A_417 : vector<1x1x16xi32> to vector<16xi32>
      %eq3A_419 = arith.constant 0 : i32
      %eq3A_420 = vector.broadcast %eq3A_419 : i32 to vector<16xi32>
      %eq3A_421 = arith.cmpi eq, %get3A_418, %eq3A_420 : vector<16xi32>
      %eq3A_422 = arith.constant 1 : i32
      %eq3A_423 = vector.broadcast %eq3A_422 : i32 to vector<16xi32>
      %eq3A_424 = arith.cmpi eq, %get3A_418, %eq3A_423 : vector<16xi32>
      %select_n3A_425 = arith.select %eq3A_424, %gather3A_99, %gather3A_174 : vector<16xi1>, vector<16xf32>
      %select_n3A_426 = arith.select %eq3A_421, %gather3A_24, %select_n3A_425 : vector<16xi1>, vector<16xf32>
      %mul3A_427 = arith.constant 16 : i32
      %mul3A_428 = arith.muli %scan3A_326, %mul3A_427 : i32
      %swap3A_429 = arith.constant 0 : i32
      %swap3A_430 = arith.constant 0 : i32
      %swap3A_431 = arith.constant 1 : i32
      %swap3A_432 = arith.index_cast %swap3A_429 : i32 to index
      %swap3A_433 = arith.index_cast %swap3A_430 : i32 to index
      %swap3A_434 = arith.index_cast %swap3A_431 : i32 to index
      %swap3A_435 = arith.index_cast %mul3A_428 : i32 to index
      %swap3A_436 = tpu.vector_load %arg7[%swap3A_432, %swap3A_433, %swap3A_434, %swap3A_435] {strides = array<i32>} : memref<2x5x8x512xf32, #tpu.memory_space<vmem>>, vector<1x1x1x16xf32>,
      %swap3A_437 = vector.shape_cast %swap3A_436 : vector<1x1x1x16xf32> to vector<16xf32>
      %swap3A_438 = vector.shape_cast %select_n3A_426 : vector<16xf32> to vector<1x1x1x16xf32>
      tpu.vector_store %arg7[%swap3A_432, %swap3A_433, %swap3A_434, %swap3A_435], %swap3A_438 {strides = array<i32>} : memref<2x5x8x512xf32, #tpu.memory_space<vmem>>, vector<1x1x1x16xf32>,
      %select_n3A_439 = arith.select %eq3A_424, %gather3A_114, %gather3A_189 : vector<16xi1>, vector<16xf32>
      %select_n3A_440 = arith.select %eq3A_421, %gather3A_39, %select_n3A_439 : vector<16xi1>, vector<16xf32>
      %mul3A_441 = arith.constant 16 : i32
      %mul3A_442 = arith.muli %scan3A_326, %mul3A_441 : i32
      %swap3A_443 = arith.constant 0 : i32
      %swap3A_444 = arith.constant 1 : i32
      %swap3A_445 = arith.constant 1 : i32
      %swap3A_446 = arith.index_cast %swap3A_443 : i32 to index
      %swap3A_447 = arith.index_cast %swap3A_444 : i32 to index
      %swap3A_448 = arith.index_cast %swap3A_445 : i32 to index
      %swap3A_449 = arith.index_cast %mul3A_442 : i32 to index
      %swap3A_450 = tpu.vector_load %arg7[%swap3A_446, %swap3A_447, %swap3A_448, %swap3A_449] {strides = array<i32>} : memref<2x5x8x512xf32, #tpu.memory_space<vmem>>, vector<1x1x1x16xf32>,
      %swap3A_451 = vector.shape_cast %swap3A_450 : vector<1x1x1x16xf32> to vector<16xf32>
      %swap3A_452 = vector.shape_cast %select_n3A_440 : vector<16xf32> to vector<1x1x1x16xf32>
      tpu.vector_store %arg7[%swap3A_446, %swap3A_447, %swap3A_448, %swap3A_449], %swap3A_452 {strides = array<i32>} : memref<2x5x8x512xf32, #tpu.memory_space<vmem>>, vector<1x1x1x16xf32>,
      %select_n3A_453 = arith.select %eq3A_424, %gather3A_129, %gather3A_204 : vector<16xi1>, vector<16xf32>
      %select_n3A_454 = arith.select %eq3A_421, %gather3A_54, %select_n3A_453 : vector<16xi1>, vector<16xf32>
      %mul3A_455 = arith.constant 16 : i32
      %mul3A_456 = arith.muli %scan3A_326, %mul3A_455 : i32
      %swap3A_457 = arith.constant 0 : i32
      %swap3A_458 = arith.constant 2 : i32
      %swap3A_459 = arith.constant 1 : i32
      %swap3A_460 = arith.index_cast %swap3A_457 : i32 to index
      %swap3A_461 = arith.index_cast %swap3A_458 : i32 to index
      %swap3A_462 = arith.index_cast %swap3A_459 : i32 to index
      %swap3A_463 = arith.index_cast %mul3A_456 : i32 to index
      %swap3A_464 = tpu.vector_load %arg7[%swap3A_460, %swap3A_461, %swap3A_462, %swap3A_463] {strides = array<i32>} : memref<2x5x8x512xf32, #tpu.memory_space<vmem>>, vector<1x1x1x16xf32>,
      %swap3A_465 = vector.shape_cast %swap3A_464 : vector<1x1x1x16xf32> to vector<16xf32>
      %swap3A_466 = vector.shape_cast %select_n3A_454 : vector<16xf32> to vector<1x1x1x16xf32>
      tpu.vector_store %arg7[%swap3A_460, %swap3A_461, %swap3A_462, %swap3A_463], %swap3A_466 {strides = array<i32>} : memref<2x5x8x512xf32, #tpu.memory_space<vmem>>, vector<1x1x1x16xf32>,
      %select_n3A_467 = arith.select %eq3A_424, %gather3A_144, %gather3A_219 : vector<16xi1>, vector<16xf32>
      %select_n3A_468 = arith.select %eq3A_421, %gather3A_69, %select_n3A_467 : vector<16xi1>, vector<16xf32>
      %mul3A_469 = arith.constant 16 : i32
      %mul3A_470 = arith.muli %scan3A_326, %mul3A_469 : i32
      %swap3A_471 = arith.constant 0 : i32
      %swap3A_472 = arith.constant 3 : i32
      %swap3A_473 = arith.constant 1 : i32
      %swap3A_474 = arith.index_cast %swap3A_471 : i32 to index
      %swap3A_475 = arith.index_cast %swap3A_472 : i32 to index
      %swap3A_476 = arith.index_cast %swap3A_473 : i32 to index
      %swap3A_477 = arith.index_cast %mul3A_470 : i32 to index
      %swap3A_478 = tpu.vector_load %arg7[%swap3A_474, %swap3A_475, %swap3A_476, %swap3A_477] {strides = array<i32>} : memref<2x5x8x512xf32, #tpu.memory_space<vmem>>, vector<1x1x1x16xf32>,
      %swap3A_479 = vector.shape_cast %swap3A_478 : vector<1x1x1x16xf32> to vector<16xf32>
      %swap3A_480 = vector.shape_cast %select_n3A_468 : vector<16xf32> to vector<1x1x1x16xf32>
      tpu.vector_store %arg7[%swap3A_474, %swap3A_475, %swap3A_476, %swap3A_477], %swap3A_480 {strides = array<i32>} : memref<2x5x8x512xf32, #tpu.memory_space<vmem>>, vector<1x1x1x16xf32>,
      %select_n3A_481 = arith.select %eq3A_424, %gather3A_159, %gather3A_234 : vector<16xi1>, vector<16xf32>
      %select_n3A_482 = arith.select %eq3A_421, %gather3A_84, %select_n3A_481 : vector<16xi1>, vector<16xf32>
      %mul3A_483 = arith.constant 16 : i32
      %mul3A_484 = arith.muli %scan3A_326, %mul3A_483 : i32
      %swap3A_485 = arith.constant 0 : i32
      %swap3A_486 = arith.constant 4 : i32
      %swap3A_487 = arith.constant 1 : i32
      %swap3A_488 = arith.index_cast %swap3A_485 : i32 to index
      %swap3A_489 = arith.index_cast %swap3A_486 : i32 to index
      %swap3A_490 = arith.index_cast %swap3A_487 : i32 to index
      %swap3A_491 = arith.index_cast %mul3A_484 : i32 to index
      %swap3A_492 = tpu.vector_load %arg7[%swap3A_488, %swap3A_489, %swap3A_490, %swap3A_491] {strides = array<i32>} : memref<2x5x8x512xf32, #tpu.memory_space<vmem>>, vector<1x1x1x16xf32>,
      %swap3A_493 = vector.shape_cast %swap3A_492 : vector<1x1x1x16xf32> to vector<16xf32>
      %swap3A_494 = vector.shape_cast %select_n3A_482 : vector<16xf32> to vector<1x1x1x16xf32>
      tpu.vector_store %arg7[%swap3A_488, %swap3A_489, %swap3A_490, %swap3A_491], %swap3A_494 {strides = array<i32>} : memref<2x5x8x512xf32, #tpu.memory_space<vmem>>, vector<1x1x1x16xf32>,
      %mul3A_495 = arith.constant 16 : i32
      %mul3A_496 = arith.muli %scan3A_326, %mul3A_495 : i32
      %get3A_497 = arith.constant 0 : i32
      %get3A_498 = arith.constant 2 : i32
      %get3A_499 = arith.index_cast %get3A_497 : i32 to index
      %get3A_500 = arith.index_cast %get3A_498 : i32 to index
      %get3A_501 = arith.index_cast %mul3A_496 : i32 to index
      %get3A_502 = tpu.vector_load %arg6[%get3A_499, %get3A_500, %get3A_501] {strides = array<i32>} : memref<2x8x512xi32, #tpu.memory_space<vmem>>, vector<1x1x16xi32>,
      %get3A_503 = vector.shape_cast %get3A_502 : vector<1x1x16xi32> to vector<16xi32>
      %eq3A_504 = arith.constant 0 : i32
      %eq3A_505 = vector.broadcast %eq3A_504 : i32 to vector<16xi32>
      %eq3A_506 = arith.cmpi eq, %get3A_503, %eq3A_505 : vector<16xi32>
      %eq3A_507 = arith.constant 1 : i32
      %eq3A_508 = vector.broadcast %eq3A_507 : i32 to vector<16xi32>
      %eq3A_509 = arith.cmpi eq, %get3A_503, %eq3A_508 : vector<16xi32>
      %select_n3A_510 = arith.select %eq3A_509, %gather3A_99, %gather3A_174 : vector<16xi1>, vector<16xf32>
      %select_n3A_511 = arith.select %eq3A_506, %gather3A_24, %select_n3A_510 : vector<16xi1>, vector<16xf32>
      %mul3A_512 = arith.constant 16 : i32
      %mul3A_513 = arith.muli %scan3A_326, %mul3A_512 : i32
      %swap3A_514 = arith.constant 0 : i32
      %swap3A_515 = arith.constant 0 : i32
      %swap3A_516 = arith.constant 2 : i32
      %swap3A_517 = arith.index_cast %swap3A_514 : i32 to index
      %swap3A_518 = arith.index_cast %swap3A_515 : i32 to index
      %swap3A_519 = arith.index_cast %swap3A_516 : i32 to index
      %swap3A_520 = arith.index_cast %mul3A_513 : i32 to index
      %swap3A_521 = tpu.vector_load %arg7[%swap3A_517, %swap3A_518, %swap3A_519, %swap3A_520] {strides = array<i32>} : memref<2x5x8x512xf32, #tpu.memory_space<vmem>>, vector<1x1x1x16xf32>,
      %swap3A_522 = vector.shape_cast %swap3A_521 : vector<1x1x1x16xf32> to vector<16xf32>
      %swap3A_523 = vector.shape_cast %select_n3A_511 : vector<16xf32> to vector<1x1x1x16xf32>
      tpu.vector_store %arg7[%swap3A_517, %swap3A_518, %swap3A_519, %swap3A_520], %swap3A_523 {strides = array<i32>} : memref<2x5x8x512xf32, #tpu.memory_space<vmem>>, vector<1x1x1x16xf32>,
      %select_n3A_524 = arith.select %eq3A_509, %gather3A_114, %gather3A_189 : vector<16xi1>, vector<16xf32>
      %select_n3A_525 = arith.select %eq3A_506, %gather3A_39, %select_n3A_524 : vector<16xi1>, vector<16xf32>
      %mul3A_526 = arith.constant 16 : i32
      %mul3A_527 = arith.muli %scan3A_326, %mul3A_526 : i32
      %swap3A_528 = arith.constant 0 : i32
      %swap3A_529 = arith.constant 1 : i32
      %swap3A_530 = arith.constant 2 : i32
      %swap3A_531 = arith.index_cast %swap3A_528 : i32 to index
      %swap3A_532 = arith.index_cast %swap3A_529 : i32 to index
      %swap3A_533 = arith.index_cast %swap3A_530 : i32 to index
      %swap3A_534 = arith.index_cast %mul3A_527 : i32 to index
      %swap3A_535 = tpu.vector_load %arg7[%swap3A_531, %swap3A_532, %swap3A_533, %swap3A_534] {strides = array<i32>} : memref<2x5x8x512xf32, #tpu.memory_space<vmem>>, vector<1x1x1x16xf32>,
      %swap3A_536 = vector.shape_cast %swap3A_535 : vector<1x1x1x16xf32> to vector<16xf32>
      %swap3A_537 = vector.shape_cast %select_n3A_525 : vector<16xf32> to vector<1x1x1x16xf32>
      tpu.vector_store %arg7[%swap3A_531, %swap3A_532, %swap3A_533, %swap3A_534], %swap3A_537 {strides = array<i32>} : memref<2x5x8x512xf32, #tpu.memory_space<vmem>>, vector<1x1x1x16xf32>,
      %select_n3A_538 = arith.select %eq3A_509, %gather3A_129, %gather3A_204 : vector<16xi1>, vector<16xf32>
      %select_n3A_539 = arith.select %eq3A_506, %gather3A_54, %select_n3A_538 : vector<16xi1>, vector<16xf32>
      %mul3A_540 = arith.constant 16 : i32
      %mul3A_541 = arith.muli %scan3A_326, %mul3A_540 : i32
      %swap3A_542 = arith.constant 0 : i32
      %swap3A_543 = arith.constant 2 : i32
      %swap3A_544 = arith.constant 2 : i32
      %swap3A_545 = arith.index_cast %swap3A_542 : i32 to index
      %swap3A_546 = arith.index_cast %swap3A_543 : i32 to index
      %swap3A_547 = arith.index_cast %swap3A_544 : i32 to index
      %swap3A_548 = arith.index_cast %mul3A_541 : i32 to index
      %swap3A_549 = tpu.vector_load %arg7[%swap3A_545, %swap3A_546, %swap3A_547, %swap3A_548] {strides = array<i32>} : memref<2x5x8x512xf32, #tpu.memory_space<vmem>>, vector<1x1x1x16xf32>,
      %swap3A_550 = vector.shape_cast %swap3A_549 : vector<1x1x1x16xf32> to vector<16xf32>
      %swap3A_551 = vector.shape_cast %select_n3A_539 : vector<16xf32> to vector<1x1x1x16xf32>
      tpu.vector_store %arg7[%swap3A_545, %swap3A_546, %swap3A_547, %swap3A_548], %swap3A_551 {strides = array<i32>} : memref<2x5x8x512xf32, #tpu.memory_space<vmem>>, vector<1x1x1x16xf32>,
      %select_n3A_552 = arith.select %eq3A_509, %gather3A_144, %gather3A_219 : vector<16xi1>, vector<16xf32>
      %select_n3A_553 = arith.select %eq3A_506, %gather3A_69, %select_n3A_552 : vector<16xi1>, vector<16xf32>
      %mul3A_554 = arith.constant 16 : i32
      %mul3A_555 = arith.muli %scan3A_326, %mul3A_554 : i32
      %swap3A_556 = arith.constant 0 : i32
      %swap3A_557 = arith.constant 3 : i32
      %swap3A_558 = arith.constant 2 : i32
      %swap3A_559 = arith.index_cast %swap3A_556 : i32 to index
      %swap3A_560 = arith.index_cast %swap3A_557 : i32 to index
      %swap3A_561 = arith.index_cast %swap3A_558 : i32 to index
      %swap3A_562 = arith.index_cast %mul3A_555 : i32 to index
      %swap3A_563 = tpu.vector_load %arg7[%swap3A_559, %swap3A_560, %swap3A_561, %swap3A_562] {strides = array<i32>} : memref<2x5x8x512xf32, #tpu.memory_space<vmem>>, vector<1x1x1x16xf32>,
      %swap3A_564 = vector.shape_cast %swap3A_563 : vector<1x1x1x16xf32> to vector<16xf32>
      %swap3A_565 = vector.shape_cast %select_n3A_553 : vector<16xf32> to vector<1x1x1x16xf32>
      tpu.vector_store %arg7[%swap3A_559, %swap3A_560, %swap3A_561, %swap3A_562], %swap3A_565 {strides = array<i32>} : memref<2x5x8x512xf32, #tpu.memory_space<vmem>>, vector<1x1x1x16xf32>,
      %select_n3A_566 = arith.select %eq3A_509, %gather3A_159, %gather3A_234 : vector<16xi1>, vector<16xf32>
      %select_n3A_567 = arith.select %eq3A_506, %gather3A_84, %select_n3A_566 : vector<16xi1>, vector<16xf32>
      %mul3A_568 = arith.constant 16 : i32
      %mul3A_569 = arith.muli %scan3A_326, %mul3A_568 : i32
      %swap3A_570 = arith.constant 0 : i32
      %swap3A_571 = arith.constant 4 : i32
      %swap3A_572 = arith.constant 2 : i32
      %swap3A_573 = arith.index_cast %swap3A_570 : i32 to index
      %swap3A_574 = arith.index_cast %swap3A_571 : i32 to index
      %swap3A_575 = arith.index_cast %swap3A_572 : i32 to index
      %swap3A_576 = arith.index_cast %mul3A_569 : i32 to index
      %swap3A_577 = tpu.vector_load %arg7[%swap3A_573, %swap3A_574, %swap3A_575, %swap3A_576] {strides = array<i32>} : memref<2x5x8x512xf32, #tpu.memory_space<vmem>>, vector<1x1x1x16xf32>,
      %swap3A_578 = vector.shape_cast %swap3A_577 : vector<1x1x1x16xf32> to vector<16xf32>
      %swap3A_579 = vector.shape_cast %select_n3A_567 : vector<16xf32> to vector<1x1x1x16xf32>
      tpu.vector_store %arg7[%swap3A_573, %swap3A_574, %swap3A_575, %swap3A_576], %swap3A_579 {strides = array<i32>} : memref<2x5x8x512xf32, #tpu.memory_space<vmem>>, vector<1x1x1x16xf32>,
      %mul3A_580 = arith.constant 16 : i32
      %mul3A_581 = arith.muli %scan3A_326, %mul3A_580 : i32
      %get3A_582 = arith.constant 0 : i32
      %get3A_583 = arith.constant 3 : i32
      %get3A_584 = arith.index_cast %get3A_582 : i32 to index
      %get3A_585 = arith.index_cast %get3A_583 : i32 to index
      %get3A_586 = arith.index_cast %mul3A_581 : i32 to index
      %get3A_587 = tpu.vector_load %arg6[%get3A_584, %get3A_585, %get3A_586] {strides = array<i32>} : memref<2x8x512xi32, #tpu.memory_space<vmem>>, vector<1x1x16xi32>,
      %get3A_588 = vector.shape_cast %get3A_587 : vector<1x1x16xi32> to vector<16xi32>
      %eq3A_589 = arith.constant 0 : i32
      %eq3A_590 = vector.broadcast %eq3A_589 : i32 to vector<16xi32>
      %eq3A_591 = arith.cmpi eq, %get3A_588, %eq3A_590 : vector<16xi32>
      %eq3A_592 = arith.constant 1 : i32
      %eq3A_593 = vector.broadcast %eq3A_592 : i32 to vector<16xi32>
      %eq3A_594 = arith.cmpi eq, %get3A_588, %eq3A_593 : vector<16xi32>
      %select_n3A_595 = arith.select %eq3A_594, %gather3A_99, %gather3A_174 : vector<16xi1>, vector<16xf32>
      %select_n3A_596 = arith.select %eq3A_591, %gather3A_24, %select_n3A_595 : vector<16xi1>, vector<16xf32>
      %mul3A_597 = arith.constant 16 : i32
      %mul3A_598 = arith.muli %scan3A_326, %mul3A_597 : i32
      %swap3A_599 = arith.constant 0 : i32
      %swap3A_600 = arith.constant 0 : i32
      %swap3A_601 = arith.constant 3 : i32
      %swap3A_602 = arith.index_cast %swap3A_599 : i32 to index
      %swap3A_603 = arith.index_cast %swap3A_600 : i32 to index
      %swap3A_604 = arith.index_cast %swap3A_601 : i32 to index
      %swap3A_605 = arith.index_cast %mul3A_598 : i32 to index
      %swap3A_606 = tpu.vector_load %arg7[%swap3A_602, %swap3A_603, %swap3A_604, %swap3A_605] {strides = array<i32>} : memref<2x5x8x512xf32, #tpu.memory_space<vmem>>, vector<1x1x1x16xf32>,
      %swap3A_607 = vector.shape_cast %swap3A_606 : vector<1x1x1x16xf32> to vector<16xf32>
      %swap3A_608 = vector.shape_cast %select_n3A_596 : vector<16xf32> to vector<1x1x1x16xf32>
      tpu.vector_store %arg7[%swap3A_602, %swap3A_603, %swap3A_604, %swap3A_605], %swap3A_608 {strides = array<i32>} : memref<2x5x8x512xf32, #tpu.memory_space<vmem>>, vector<1x1x1x16xf32>,
      %select_n3A_609 = arith.select %eq3A_594, %gather3A_114, %gather3A_189 : vector<16xi1>, vector<16xf32>
      %select_n3A_610 = arith.select %eq3A_591, %gather3A_39, %select_n3A_609 : vector<16xi1>, vector<16xf32>
      %mul3A_611 = arith.constant 16 : i32
      %mul3A_612 = arith.muli %scan3A_326, %mul3A_611 : i32
      %swap3A_613 = arith.constant 0 : i32
      %swap3A_614 = arith.constant 1 : i32
      %swap3A_615 = arith.constant 3 : i32
      %swap3A_616 = arith.index_cast %swap3A_613 : i32 to index
      %swap3A_617 = arith.index_cast %swap3A_614 : i32 to index
      %swap3A_618 = arith.index_cast %swap3A_615 : i32 to index
      %swap3A_619 = arith.index_cast %mul3A_612 : i32 to index
      %swap3A_620 = tpu.vector_load %arg7[%swap3A_616, %swap3A_617, %swap3A_618, %swap3A_619] {strides = array<i32>} : memref<2x5x8x512xf32, #tpu.memory_space<vmem>>, vector<1x1x1x16xf32>,
      %swap3A_621 = vector.shape_cast %swap3A_620 : vector<1x1x1x16xf32> to vector<16xf32>
      %swap3A_622 = vector.shape_cast %select_n3A_610 : vector<16xf32> to vector<1x1x1x16xf32>
      tpu.vector_store %arg7[%swap3A_616, %swap3A_617, %swap3A_618, %swap3A_619], %swap3A_622 {strides = array<i32>} : memref<2x5x8x512xf32, #tpu.memory_space<vmem>>, vector<1x1x1x16xf32>,
      %select_n3A_623 = arith.select %eq3A_594, %gather3A_129, %gather3A_204 : vector<16xi1>, vector<16xf32>
      %select_n3A_624 = arith.select %eq3A_591, %gather3A_54, %select_n3A_623 : vector<16xi1>, vector<16xf32>
      %mul3A_625 = arith.constant 16 : i32
      %mul3A_626 = arith.muli %scan3A_326, %mul3A_625 : i32
      %swap3A_627 = arith.constant 0 : i32
      %swap3A_628 = arith.constant 2 : i32
      %swap3A_629 = arith.constant 3 : i32
      %swap3A_630 = arith.index_cast %swap3A_627 : i32 to index
      %swap3A_631 = arith.index_cast %swap3A_628 : i32 to index
      %swap3A_632 = arith.index_cast %swap3A_629 : i32 to index
      %swap3A_633 = arith.index_cast %mul3A_626 : i32 to index
      %swap3A_634 = tpu.vector_load %arg7[%swap3A_630, %swap3A_631, %swap3A_632, %swap3A_633] {strides = array<i32>} : memref<2x5x8x512xf32, #tpu.memory_space<vmem>>, vector<1x1x1x16xf32>,
      %swap3A_635 = vector.shape_cast %swap3A_634 : vector<1x1x1x16xf32> to vector<16xf32>
      %swap3A_636 = vector.shape_cast %select_n3A_624 : vector<16xf32> to vector<1x1x1x16xf32>
      tpu.vector_store %arg7[%swap3A_630, %swap3A_631, %swap3A_632, %swap3A_633], %swap3A_636 {strides = array<i32>} : memref<2x5x8x512xf32, #tpu.memory_space<vmem>>, vector<1x1x1x16xf32>,
      %select_n3A_637 = arith.select %eq3A_594, %gather3A_144, %gather3A_219 : vector<16xi1>, vector<16xf32>
      %select_n3A_638 = arith.select %eq3A_591, %gather3A_69, %select_n3A_637 : vector<16xi1>, vector<16xf32>
      %mul3A_639 = arith.constant 16 : i32
      %mul3A_640 = arith.muli %scan3A_326, %mul3A_639 : i32
      %swap3A_641 = arith.constant 0 : i32
      %swap3A_642 = arith.constant 3 : i32
      %swap3A_643 = arith.constant 3 : i32
      %swap3A_644 = arith.index_cast %swap3A_641 : i32 to index
      %swap3A_645 = arith.index_cast %swap3A_642 : i32 to index
      %swap3A_646 = arith.index_cast %swap3A_643 : i32 to index
      %swap3A_647 = arith.index_cast %mul3A_640 : i32 to index
      %swap3A_648 = tpu.vector_load %arg7[%swap3A_644, %swap3A_645, %swap3A_646, %swap3A_647] {strides = array<i32>} : memref<2x5x8x512xf32, #tpu.memory_space<vmem>>, vector<1x1x1x16xf32>,
      %swap3A_649 = vector.shape_cast %swap3A_648 : vector<1x1x1x16xf32> to vector<16xf32>
      %swap3A_650 = vector.shape_cast %select_n3A_638 : vector<16xf32> to vector<1x1x1x16xf32>
      tpu.vector_store %arg7[%swap3A_644, %swap3A_645, %swap3A_646, %swap3A_647], %swap3A_650 {strides = array<i32>} : memref<2x5x8x512xf32, #tpu.memory_space<vmem>>, vector<1x1x1x16xf32>,
      %select_n3A_651 = arith.select %eq3A_594, %gather3A_159, %gather3A_234 : vector<16xi1>, vector<16xf32>
      %select_n3A_652 = arith.select %eq3A_591, %gather3A_84, %select_n3A_651 : vector<16xi1>, vector<16xf32>
      %mul3A_653 = arith.constant 16 : i32
      %mul3A_654 = arith.muli %scan3A_326, %mul3A_653 : i32
      %swap3A_655 = arith.constant 0 : i32
      %swap3A_656 = arith.constant 4 : i32
      %swap3A_657 = arith.constant 3 : i32
      %swap3A_658 = arith.index_cast %swap3A_655 : i32 to index
      %swap3A_659 = arith.index_cast %swap3A_656 : i32 to index
      %swap3A_660 = arith.index_cast %swap3A_657 : i32 to index
      %swap3A_661 = arith.index_cast %mul3A_654 : i32 to index
      %swap3A_662 = tpu.vector_load %arg7[%swap3A_658, %swap3A_659, %swap3A_660, %swap3A_661] {strides = array<i32>} : memref<2x5x8x512xf32, #tpu.memory_space<vmem>>, vector<1x1x1x16xf32>,
      %swap3A_663 = vector.shape_cast %swap3A_662 : vector<1x1x1x16xf32> to vector<16xf32>
      %swap3A_664 = vector.shape_cast %select_n3A_652 : vector<16xf32> to vector<1x1x1x16xf32>
      tpu.vector_store %arg7[%swap3A_658, %swap3A_659, %swap3A_660, %swap3A_661], %swap3A_664 {strides = array<i32>} : memref<2x5x8x512xf32, #tpu.memory_space<vmem>>, vector<1x1x1x16xf32>,
      %mul3A_665 = arith.constant 16 : i32
      %mul3A_666 = arith.muli %scan3A_326, %mul3A_665 : i32
      %get3A_667 = arith.constant 0 : i32
      %get3A_668 = arith.constant 4 : i32
      %get3A_669 = arith.index_cast %get3A_667 : i32 to index
      %get3A_670 = arith.index_cast %get3A_668 : i32 to index
      %get3A_671 = arith.index_cast %mul3A_666 : i32 to index
      %get3A_672 = tpu.vector_load %arg6[%get3A_669, %get3A_670, %get3A_671] {strides = array<i32>} : memref<2x8x512xi32, #tpu.memory_space<vmem>>, vector<1x1x16xi32>,
      %get3A_673 = vector.shape_cast %get3A_672 : vector<1x1x16xi32> to vector<16xi32>
      %eq3A_674 = arith.constant 0 : i32
      %eq3A_675 = vector.broadcast %eq3A_674 : i32 to vector<16xi32>
      %eq3A_676 = arith.cmpi eq, %get3A_673, %eq3A_675 : vector<16xi32>
      %eq3A_677 = arith.constant 1 : i32
      %eq3A_678 = vector.broadcast %eq3A_677 : i32 to vector<16xi32>
      %eq3A_679 = arith.cmpi eq, %get3A_673, %eq3A_678 : vector<16xi32>
      %select_n3A_680 = arith.select %eq3A_679, %gather3A_99, %gather3A_174 : vector<16xi1>, vector<16xf32>
      %select_n3A_681 = arith.select %eq3A_676, %gather3A_24, %select_n3A_680 : vector<16xi1>, vector<16xf32>
      %mul3A_682 = arith.constant 16 : i32
      %mul3A_683 = arith.muli %scan3A_326, %mul3A_682 : i32
      %swap3A_684 = arith.constant 0 : i32
      %swap3A_685 = arith.constant 0 : i32
      %swap3A_686 = arith.constant 4 : i32
      %swap3A_687 = arith.index_cast %swap3A_684 : i32 to index
      %swap3A_688 = arith.index_cast %swap3A_685 : i32 to index
      %swap3A_689 = arith.index_cast %swap3A_686 : i32 to index
      %swap3A_690 = arith.index_cast %mul3A_683 : i32 to index
      %swap3A_691 = tpu.vector_load %arg7[%swap3A_687, %swap3A_688, %swap3A_689, %swap3A_690] {strides = array<i32>} : memref<2x5x8x512xf32, #tpu.memory_space<vmem>>, vector<1x1x1x16xf32>,
      %swap3A_692 = vector.shape_cast %swap3A_691 : vector<1x1x1x16xf32> to vector<16xf32>
      %swap3A_693 = vector.shape_cast %select_n3A_681 : vector<16xf32> to vector<1x1x1x16xf32>
      tpu.vector_store %arg7[%swap3A_687, %swap3A_688, %swap3A_689, %swap3A_690], %swap3A_693 {strides = array<i32>} : memref<2x5x8x512xf32, #tpu.memory_space<vmem>>, vector<1x1x1x16xf32>,
      %select_n3A_694 = arith.select %eq3A_679, %gather3A_114, %gather3A_189 : vector<16xi1>, vector<16xf32>
      %select_n3A_695 = arith.select %eq3A_676, %gather3A_39, %select_n3A_694 : vector<16xi1>, vector<16xf32>
      %mul3A_696 = arith.constant 16 : i32
      %mul3A_697 = arith.muli %scan3A_326, %mul3A_696 : i32
      %swap3A_698 = arith.constant 0 : i32
      %swap3A_699 = arith.constant 1 : i32
      %swap3A_700 = arith.constant 4 : i32
      %swap3A_701 = arith.index_cast %swap3A_698 : i32 to index
      %swap3A_702 = arith.index_cast %swap3A_699 : i32 to index
      %swap3A_703 = arith.index_cast %swap3A_700 : i32 to index
      %swap3A_704 = arith.index_cast %mul3A_697 : i32 to index
      %swap3A_705 = tpu.vector_load %arg7[%swap3A_701, %swap3A_702, %swap3A_703, %swap3A_704] {strides = array<i32>} : memref<2x5x8x512xf32, #tpu.memory_space<vmem>>, vector<1x1x1x16xf32>,
      %swap3A_706 = vector.shape_cast %swap3A_705 : vector<1x1x1x16xf32> to vector<16xf32>
      %swap3A_707 = vector.shape_cast %select_n3A_695 : vector<16xf32> to vector<1x1x1x16xf32>
      tpu.vector_store %arg7[%swap3A_701, %swap3A_702, %swap3A_703, %swap3A_704], %swap3A_707 {strides = array<i32>} : memref<2x5x8x512xf32, #tpu.memory_space<vmem>>, vector<1x1x1x16xf32>,
      %select_n3A_708 = arith.select %eq3A_679, %gather3A_129, %gather3A_204 : vector<16xi1>, vector<16xf32>
      %select_n3A_709 = arith.select %eq3A_676, %gather3A_54, %select_n3A_708 : vector<16xi1>, vector<16xf32>
      %mul3A_710 = arith.constant 16 : i32
      %mul3A_711 = arith.muli %scan3A_326, %mul3A_710 : i32
      %swap3A_712 = arith.constant 0 : i32
      %swap3A_713 = arith.constant 2 : i32
      %swap3A_714 = arith.constant 4 : i32
      %swap3A_715 = arith.index_cast %swap3A_712 : i32 to index
      %swap3A_716 = arith.index_cast %swap3A_713 : i32 to index
      %swap3A_717 = arith.index_cast %swap3A_714 : i32 to index
      %swap3A_718 = arith.index_cast %mul3A_711 : i32 to index
      %swap3A_719 = tpu.vector_load %arg7[%swap3A_715, %swap3A_716, %swap3A_717, %swap3A_718] {strides = array<i32>} : memref<2x5x8x512xf32, #tpu.memory_space<vmem>>, vector<1x1x1x16xf32>,
      %swap3A_720 = vector.shape_cast %swap3A_719 : vector<1x1x1x16xf32> to vector<16xf32>
      %swap3A_721 = vector.shape_cast %select_n3A_709 : vector<16xf32> to vector<1x1x1x16xf32>
      tpu.vector_store %arg7[%swap3A_715, %swap3A_716, %swap3A_717, %swap3A_718], %swap3A_721 {strides = array<i32>} : memref<2x5x8x512xf32, #tpu.memory_space<vmem>>, vector<1x1x1x16xf32>,
      %select_n3A_722 = arith.select %eq3A_679, %gather3A_144, %gather3A_219 : vector<16xi1>, vector<16xf32>
      %select_n3A_723 = arith.select %eq3A_676, %gather3A_69, %select_n3A_722 : vector<16xi1>, vector<16xf32>
      %mul3A_724 = arith.constant 16 : i32
      %mul3A_725 = arith.muli %scan3A_326, %mul3A_724 : i32
      %swap3A_726 = arith.constant 0 : i32
      %swap3A_727 = arith.constant 3 : i32
      %swap3A_728 = arith.constant 4 : i32
      %swap3A_729 = arith.index_cast %swap3A_726 : i32 to index
      %swap3A_730 = arith.index_cast %swap3A_727 : i32 to index
      %swap3A_731 = arith.index_cast %swap3A_728 : i32 to index
      %swap3A_732 = arith.index_cast %mul3A_725 : i32 to index
      %swap3A_733 = tpu.vector_load %arg7[%swap3A_729, %swap3A_730, %swap3A_731, %swap3A_732] {strides = array<i32>} : memref<2x5x8x512xf32, #tpu.memory_space<vmem>>, vector<1x1x1x16xf32>,
      %swap3A_734 = vector.shape_cast %swap3A_733 : vector<1x1x1x16xf32> to vector<16xf32>
      %swap3A_735 = vector.shape_cast %select_n3A_723 : vector<16xf32> to vector<1x1x1x16xf32>
      tpu.vector_store %arg7[%swap3A_729, %swap3A_730, %swap3A_731, %swap3A_732], %swap3A_735 {strides = array<i32>} : memref<2x5x8x512xf32, #tpu.memory_space<vmem>>, vector<1x1x1x16xf32>,
      %select_n3A_736 = arith.select %eq3A_679, %gather3A_159, %gather3A_234 : vector<16xi1>, vector<16xf32>
      %select_n3A_737 = arith.select %eq3A_676, %gather3A_84, %select_n3A_736 : vector<16xi1>, vector<16xf32>
      %mul3A_738 = arith.constant 16 : i32
      %mul3A_739 = arith.muli %scan3A_326, %mul3A_738 : i32
      %swap3A_740 = arith.constant 0 : i32
      %swap3A_741 = arith.constant 4 : i32
      %swap3A_742 = arith.constant 4 : i32
      %swap3A_743 = arith.index_cast %swap3A_740 : i32 to index
      %swap3A_744 = arith.index_cast %swap3A_741 : i32 to index
      %swap3A_745 = arith.index_cast %swap3A_742 : i32 to index
      %swap3A_746 = arith.index_cast %mul3A_739 : i32 to index
      %swap3A_747 = tpu.vector_load %arg7[%swap3A_743, %swap3A_744, %swap3A_745, %swap3A_746] {strides = array<i32>} : memref<2x5x8x512xf32, #tpu.memory_space<vmem>>, vector<1x1x1x16xf32>,
      %swap3A_748 = vector.shape_cast %swap3A_747 : vector<1x1x1x16xf32> to vector<16xf32>
      %swap3A_749 = vector.shape_cast %select_n3A_737 : vector<16xf32> to vector<1x1x1x16xf32>
      tpu.vector_store %arg7[%swap3A_743, %swap3A_744, %swap3A_745, %swap3A_746], %swap3A_749 {strides = array<i32>} : memref<2x5x8x512xf32, #tpu.memory_space<vmem>>, vector<1x1x1x16xf32>,
      %mul3A_750 = arith.constant 16 : i32
      %mul3A_751 = arith.muli %scan3A_326, %mul3A_750 : i32
      %get3A_752 = arith.constant 0 : i32
      %get3A_753 = arith.constant 5 : i32
      %get3A_754 = arith.index_cast %get3A_752 : i32 to index
      %get3A_755 = arith.index_cast %get3A_753 : i32 to index
      %get3A_756 = arith.index_cast %mul3A_751 : i32 to index
      %get3A_757 = tpu.vector_load %arg6[%get3A_754, %get3A_755, %get3A_756] {strides = array<i32>} : memref<2x8x512xi32, #tpu.memory_space<vmem>>, vector<1x1x16xi32>,
      %get3A_758 = vector.shape_cast %get3A_757 : vector<1x1x16xi32> to vector<16xi32>
      %eq3A_759 = arith.constant 0 : i32
      %eq3A_760 = vector.broadcast %eq3A_759 : i32 to vector<16xi32>
      %eq3A_761 = arith.cmpi eq, %get3A_758, %eq3A_760 : vector<16xi32>
      %eq3A_762 = arith.constant 1 : i32
      %eq3A_763 = vector.broadcast %eq3A_762 : i32 to vector<16xi32>
      %eq3A_764 = arith.cmpi eq, %get3A_758, %eq3A_763 : vector<16xi32>
      %select_n3A_765 = arith.select %eq3A_764, %gather3A_99, %gather3A_174 : vector<16xi1>, vector<16xf32>
      %select_n3A_766 = arith.select %eq3A_761, %gather3A_24, %select_n3A_765 : vector<16xi1>, vector<16xf32>
      %mul3A_767 = arith.constant 16 : i32
      %mul3A_768 = arith.muli %scan3A_326, %mul3A_767 : i32
      %swap3A_769 = arith.constant 0 : i32
      %swap3A_770 = arith.constant 0 : i32
      %swap3A_771 = arith.constant 5 : i32
      %swap3A_772 = arith.index_cast %swap3A_769 : i32 to index
      %swap3A_773 = arith.index_cast %swap3A_770 : i32 to index
      %swap3A_774 = arith.index_cast %swap3A_771 : i32 to index
      %swap3A_775 = arith.index_cast %mul3A_768 : i32 to index
      %swap3A_776 = tpu.vector_load %arg7[%swap3A_772, %swap3A_773, %swap3A_774, %swap3A_775] {strides = array<i32>} : memref<2x5x8x512xf32, #tpu.memory_space<vmem>>, vector<1x1x1x16xf32>,
      %swap3A_777 = vector.shape_cast %swap3A_776 : vector<1x1x1x16xf32> to vector<16xf32>
      %swap3A_778 = vector.shape_cast %select_n3A_766 : vector<16xf32> to vector<1x1x1x16xf32>
      tpu.vector_store %arg7[%swap3A_772, %swap3A_773, %swap3A_774, %swap3A_775], %swap3A_778 {strides = array<i32>} : memref<2x5x8x512xf32, #tpu.memory_space<vmem>>, vector<1x1x1x16xf32>,
      %select_n3A_779 = arith.select %eq3A_764, %gather3A_114, %gather3A_189 : vector<16xi1>, vector<16xf32>
      %select_n3A_780 = arith.select %eq3A_761, %gather3A_39, %select_n3A_779 : vector<16xi1>, vector<16xf32>
      %mul3A_781 = arith.constant 16 : i32
      %mul3A_782 = arith.muli %scan3A_326, %mul3A_781 : i32
      %swap3A_783 = arith.constant 0 : i32
      %swap3A_784 = arith.constant 1 : i32
      %swap3A_785 = arith.constant 5 : i32
      %swap3A_786 = arith.index_cast %swap3A_783 : i32 to index
      %swap3A_787 = arith.index_cast %swap3A_784 : i32 to index
      %swap3A_788 = arith.index_cast %swap3A_785 : i32 to index
      %swap3A_789 = arith.index_cast %mul3A_782 : i32 to index
      %swap3A_790 = tpu.vector_load %arg7[%swap3A_786, %swap3A_787, %swap3A_788, %swap3A_789] {strides = array<i32>} : memref<2x5x8x512xf32, #tpu.memory_space<vmem>>, vector<1x1x1x16xf32>,
      %swap3A_791 = vector.shape_cast %swap3A_790 : vector<1x1x1x16xf32> to vector<16xf32>
      %swap3A_792 = vector.shape_cast %select_n3A_780 : vector<16xf32> to vector<1x1x1x16xf32>
      tpu.vector_store %arg7[%swap3A_786, %swap3A_787, %swap3A_788, %swap3A_789], %swap3A_792 {strides = array<i32>} : memref<2x5x8x512xf32, #tpu.memory_space<vmem>>, vector<1x1x1x16xf32>,
      %select_n3A_793 = arith.select %eq3A_764, %gather3A_129, %gather3A_204 : vector<16xi1>, vector<16xf32>
      %select_n3A_794 = arith.select %eq3A_761, %gather3A_54, %select_n3A_793 : vector<16xi1>, vector<16xf32>
      %mul3A_795 = arith.constant 16 : i32
      %mul3A_796 = arith.muli %scan3A_326, %mul3A_795 : i32
      %swap3A_797 = arith.constant 0 : i32
      %swap3A_798 = arith.constant 2 : i32
      %swap3A_799 = arith.constant 5 : i32
      %swap3A_800 = arith.index_cast %swap3A_797 : i32 to index
      %swap3A_801 = arith.index_cast %swap3A_798 : i32 to index
      %swap3A_802 = arith.index_cast %swap3A_799 : i32 to index
      %swap3A_803 = arith.index_cast %mul3A_796 : i32 to index
      %swap3A_804 = tpu.vector_load %arg7[%swap3A_800, %swap3A_801, %swap3A_802, %swap3A_803] {strides = array<i32>} : memref<2x5x8x512xf32, #tpu.memory_space<vmem>>, vector<1x1x1x16xf32>,
      %swap3A_805 = vector.shape_cast %swap3A_804 : vector<1x1x1x16xf32> to vector<16xf32>
      %swap3A_806 = vector.shape_cast %select_n3A_794 : vector<16xf32> to vector<1x1x1x16xf32>
      tpu.vector_store %arg7[%swap3A_800, %swap3A_801, %swap3A_802, %swap3A_803], %swap3A_806 {strides = array<i32>} : memref<2x5x8x512xf32, #tpu.memory_space<vmem>>, vector<1x1x1x16xf32>,
      %select_n3A_807 = arith.select %eq3A_764, %gather3A_144, %gather3A_219 : vector<16xi1>, vector<16xf32>
      %select_n3A_808 = arith.select %eq3A_761, %gather3A_69, %select_n3A_807 : vector<16xi1>, vector<16xf32>
      %mul3A_809 = arith.constant 16 : i32
      %mul3A_810 = arith.muli %scan3A_326, %mul3A_809 : i32
      %swap3A_811 = arith.constant 0 : i32
      %swap3A_812 = arith.constant 3 : i32
      %swap3A_813 = arith.constant 5 : i32
      %swap3A_814 = arith.index_cast %swap3A_811 : i32 to index
      %swap3A_815 = arith.index_cast %swap3A_812 : i32 to index
      %swap3A_816 = arith.index_cast %swap3A_813 : i32 to index
      %swap3A_817 = arith.index_cast %mul3A_810 : i32 to index
      %swap3A_818 = tpu.vector_load %arg7[%swap3A_814, %swap3A_815, %swap3A_816, %swap3A_817] {strides = array<i32>} : memref<2x5x8x512xf32, #tpu.memory_space<vmem>>, vector<1x1x1x16xf32>,
      %swap3A_819 = vector.shape_cast %swap3A_818 : vector<1x1x1x16xf32> to vector<16xf32>
      %swap3A_820 = vector.shape_cast %select_n3A_808 : vector<16xf32> to vector<1x1x1x16xf32>
      tpu.vector_store %arg7[%swap3A_814, %swap3A_815, %swap3A_816, %swap3A_817], %swap3A_820 {strides = array<i32>} : memref<2x5x8x512xf32, #tpu.memory_space<vmem>>, vector<1x1x1x16xf32>,
      %select_n3A_821 = arith.select %eq3A_764, %gather3A_159, %gather3A_234 : vector<16xi1>, vector<16xf32>
      %select_n3A_822 = arith.select %eq3A_761, %gather3A_84, %select_n3A_821 : vector<16xi1>, vector<16xf32>
      %mul3A_823 = arith.constant 16 : i32
      %mul3A_824 = arith.muli %scan3A_326, %mul3A_823 : i32
      %swap3A_825 = arith.constant 0 : i32
      %swap3A_826 = arith.constant 4 : i32
      %swap3A_827 = arith.constant 5 : i32
      %swap3A_828 = arith.index_cast %swap3A_825 : i32 to index
      %swap3A_829 = arith.index_cast %swap3A_826 : i32 to index
      %swap3A_830 = arith.index_cast %swap3A_827 : i32 to index
      %swap3A_831 = arith.index_cast %mul3A_824 : i32 to index
      %swap3A_832 = tpu.vector_load %arg7[%swap3A_828, %swap3A_829, %swap3A_830, %swap3A_831] {strides = array<i32>} : memref<2x5x8x512xf32, #tpu.memory_space<vmem>>, vector<1x1x1x16xf32>,
      %swap3A_833 = vector.shape_cast %swap3A_832 : vector<1x1x1x16xf32> to vector<16xf32>
      %swap3A_834 = vector.shape_cast %select_n3A_822 : vector<16xf32> to vector<1x1x1x16xf32>
      tpu.vector_store %arg7[%swap3A_828, %swap3A_829, %swap3A_830, %swap3A_831], %swap3A_834 {strides = array<i32>} : memref<2x5x8x512xf32, #tpu.memory_space<vmem>>, vector<1x1x1x16xf32>,
      %mul3A_835 = arith.constant 16 : i32
      %mul3A_836 = arith.muli %scan3A_326, %mul3A_835 : i32
      %get3A_837 = arith.constant 0 : i32
      %get3A_838 = arith.constant 6 : i32
      %get3A_839 = arith.index_cast %get3A_837 : i32 to index
      %get3A_840 = arith.index_cast %get3A_838 : i32 to index
      %get3A_841 = arith.index_cast %mul3A_836 : i32 to index
      %get3A_842 = tpu.vector_load %arg6[%get3A_839, %get3A_840, %get3A_841] {strides = array<i32>} : memref<2x8x512xi32, #tpu.memory_space<vmem>>, vector<1x1x16xi32>,
      %get3A_843 = vector.shape_cast %get3A_842 : vector<1x1x16xi32> to vector<16xi32>
      %eq3A_844 = arith.constant 0 : i32
      %eq3A_845 = vector.broadcast %eq3A_844 : i32 to vector<16xi32>
      %eq3A_846 = arith.cmpi eq, %get3A_843, %eq3A_845 : vector<16xi32>
      %eq3A_847 = arith.constant 1 : i32
      %eq3A_848 = vector.broadcast %eq3A_847 : i32 to vector<16xi32>
      %eq3A_849 = arith.cmpi eq, %get3A_843, %eq3A_848 : vector<16xi32>
      %select_n3A_850 = arith.select %eq3A_849, %gather3A_99, %gather3A_174 : vector<16xi1>, vector<16xf32>
      %select_n3A_851 = arith.select %eq3A_846, %gather3A_24, %select_n3A_850 : vector<16xi1>, vector<16xf32>
      %mul3A_852 = arith.constant 16 : i32
      %mul3A_853 = arith.muli %scan3A_326, %mul3A_852 : i32
      %swap3A_854 = arith.constant 0 : i32
      %swap3A_855 = arith.constant 0 : i32
      %swap3A_856 = arith.constant 6 : i32
      %swap3A_857 = arith.index_cast %swap3A_854 : i32 to index
      %swap3A_858 = arith.index_cast %swap3A_855 : i32 to index
      %swap3A_859 = arith.index_cast %swap3A_856 : i32 to index
      %swap3A_860 = arith.index_cast %mul3A_853 : i32 to index
      %swap3A_861 = tpu.vector_load %arg7[%swap3A_857, %swap3A_858, %swap3A_859, %swap3A_860] {strides = array<i32>} : memref<2x5x8x512xf32, #tpu.memory_space<vmem>>, vector<1x1x1x16xf32>,
      %swap3A_862 = vector.shape_cast %swap3A_861 : vector<1x1x1x16xf32> to vector<16xf32>
      %swap3A_863 = vector.shape_cast %select_n3A_851 : vector<16xf32> to vector<1x1x1x16xf32>
      tpu.vector_store %arg7[%swap3A_857, %swap3A_858, %swap3A_859, %swap3A_860], %swap3A_863 {strides = array<i32>} : memref<2x5x8x512xf32, #tpu.memory_space<vmem>>, vector<1x1x1x16xf32>,
      %select_n3A_864 = arith.select %eq3A_849, %gather3A_114, %gather3A_189 : vector<16xi1>, vector<16xf32>
      %select_n3A_865 = arith.select %eq3A_846, %gather3A_39, %select_n3A_864 : vector<16xi1>, vector<16xf32>
      %mul3A_866 = arith.constant 16 : i32
      %mul3A_867 = arith.muli %scan3A_326, %mul3A_866 : i32
      %swap3A_868 = arith.constant 0 : i32
      %swap3A_869 = arith.constant 1 : i32
      %swap3A_870 = arith.constant 6 : i32
      %swap3A_871 = arith.index_cast %swap3A_868 : i32 to index
      %swap3A_872 = arith.index_cast %swap3A_869 : i32 to index
      %swap3A_873 = arith.index_cast %swap3A_870 : i32 to index
      %swap3A_874 = arith.index_cast %mul3A_867 : i32 to index
      %swap3A_875 = tpu.vector_load %arg7[%swap3A_871, %swap3A_872, %swap3A_873, %swap3A_874] {strides = array<i32>} : memref<2x5x8x512xf32, #tpu.memory_space<vmem>>, vector<1x1x1x16xf32>,
      %swap3A_876 = vector.shape_cast %swap3A_875 : vector<1x1x1x16xf32> to vector<16xf32>
      %swap3A_877 = vector.shape_cast %select_n3A_865 : vector<16xf32> to vector<1x1x1x16xf32>
      tpu.vector_store %arg7[%swap3A_871, %swap3A_872, %swap3A_873, %swap3A_874], %swap3A_877 {strides = array<i32>} : memref<2x5x8x512xf32, #tpu.memory_space<vmem>>, vector<1x1x1x16xf32>,
      %select_n3A_878 = arith.select %eq3A_849, %gather3A_129, %gather3A_204 : vector<16xi1>, vector<16xf32>
      %select_n3A_879 = arith.select %eq3A_846, %gather3A_54, %select_n3A_878 : vector<16xi1>, vector<16xf32>
      %mul3A_880 = arith.constant 16 : i32
      %mul3A_881 = arith.muli %scan3A_326, %mul3A_880 : i32
      %swap3A_882 = arith.constant 0 : i32
      %swap3A_883 = arith.constant 2 : i32
      %swap3A_884 = arith.constant 6 : i32
      %swap3A_885 = arith.index_cast %swap3A_882 : i32 to index
      %swap3A_886 = arith.index_cast %swap3A_883 : i32 to index
      %swap3A_887 = arith.index_cast %swap3A_884 : i32 to index
      %swap3A_888 = arith.index_cast %mul3A_881 : i32 to index
      %swap3A_889 = tpu.vector_load %arg7[%swap3A_885, %swap3A_886, %swap3A_887, %swap3A_888] {strides = array<i32>} : memref<2x5x8x512xf32, #tpu.memory_space<vmem>>, vector<1x1x1x16xf32>,
      %swap3A_890 = vector.shape_cast %swap3A_889 : vector<1x1x1x16xf32> to vector<16xf32>
      %swap3A_891 = vector.shape_cast %select_n3A_879 : vector<16xf32> to vector<1x1x1x16xf32>
      tpu.vector_store %arg7[%swap3A_885, %swap3A_886, %swap3A_887, %swap3A_888], %swap3A_891 {strides = array<i32>} : memref<2x5x8x512xf32, #tpu.memory_space<vmem>>, vector<1x1x1x16xf32>,
      %select_n3A_892 = arith.select %eq3A_849, %gather3A_144, %gather3A_219 : vector<16xi1>, vector<16xf32>
      %select_n3A_893 = arith.select %eq3A_846, %gather3A_69, %select_n3A_892 : vector<16xi1>, vector<16xf32>
      %mul3A_894 = arith.constant 16 : i32
      %mul3A_895 = arith.muli %scan3A_326, %mul3A_894 : i32
      %swap3A_896 = arith.constant 0 : i32
      %swap3A_897 = arith.constant 3 : i32
      %swap3A_898 = arith.constant 6 : i32
      %swap3A_899 = arith.index_cast %swap3A_896 : i32 to index
      %swap3A_900 = arith.index_cast %swap3A_897 : i32 to index
      %swap3A_901 = arith.index_cast %swap3A_898 : i32 to index
      %swap3A_902 = arith.index_cast %mul3A_895 : i32 to index
      %swap3A_903 = tpu.vector_load %arg7[%swap3A_899, %swap3A_900, %swap3A_901, %swap3A_902] {strides = array<i32>} : memref<2x5x8x512xf32, #tpu.memory_space<vmem>>, vector<1x1x1x16xf32>,
      %swap3A_904 = vector.shape_cast %swap3A_903 : vector<1x1x1x16xf32> to vector<16xf32>
      %swap3A_905 = vector.shape_cast %select_n3A_893 : vector<16xf32> to vector<1x1x1x16xf32>
      tpu.vector_store %arg7[%swap3A_899, %swap3A_900, %swap3A_901, %swap3A_902], %swap3A_905 {strides = array<i32>} : memref<2x5x8x512xf32, #tpu.memory_space<vmem>>, vector<1x1x1x16xf32>,
      %select_n3A_906 = arith.select %eq3A_849, %gather3A_159, %gather3A_234 : vector<16xi1>, vector<16xf32>
      %select_n3A_907 = arith.select %eq3A_846, %gather3A_84, %select_n3A_906 : vector<16xi1>, vector<16xf32>
      %mul3A_908 = arith.constant 16 : i32
      %mul3A_909 = arith.muli %scan3A_326, %mul3A_908 : i32
      %swap3A_910 = arith.constant 0 : i32
      %swap3A_911 = arith.constant 4 : i32
      %swap3A_912 = arith.constant 6 : i32
      %swap3A_913 = arith.index_cast %swap3A_910 : i32 to index
      %swap3A_914 = arith.index_cast %swap3A_911 : i32 to index
      %swap3A_915 = arith.index_cast %swap3A_912 : i32 to index
      %swap3A_916 = arith.index_cast %mul3A_909 : i32 to index
      %swap3A_917 = tpu.vector_load %arg7[%swap3A_913, %swap3A_914, %swap3A_915, %swap3A_916] {strides = array<i32>} : memref<2x5x8x512xf32, #tpu.memory_space<vmem>>, vector<1x1x1x16xf32>,
      %swap3A_918 = vector.shape_cast %swap3A_917 : vector<1x1x1x16xf32> to vector<16xf32>
      %swap3A_919 = vector.shape_cast %select_n3A_907 : vector<16xf32> to vector<1x1x1x16xf32>
      tpu.vector_store %arg7[%swap3A_913, %swap3A_914, %swap3A_915, %swap3A_916], %swap3A_919 {strides = array<i32>} : memref<2x5x8x512xf32, #tpu.memory_space<vmem>>, vector<1x1x1x16xf32>,
      %mul3A_920 = arith.constant 16 : i32
      %mul3A_921 = arith.muli %scan3A_326, %mul3A_920 : i32
      %get3A_922 = arith.constant 0 : i32
      %get3A_923 = arith.constant 7 : i32
      %get3A_924 = arith.index_cast %get3A_922 : i32 to index
      %get3A_925 = arith.index_cast %get3A_923 : i32 to index
      %get3A_926 = arith.index_cast %mul3A_921 : i32 to index
      %get3A_927 = tpu.vector_load %arg6[%get3A_924, %get3A_925, %get3A_926] {strides = array<i32>} : memref<2x8x512xi32, #tpu.memory_space<vmem>>, vector<1x1x16xi32>,
      %get3A_928 = vector.shape_cast %get3A_927 : vector<1x1x16xi32> to vector<16xi32>
      %eq3A_929 = arith.constant 0 : i32
      %eq3A_930 = vector.broadcast %eq3A_929 : i32 to vector<16xi32>
      %eq3A_931 = arith.cmpi eq, %get3A_928, %eq3A_930 : vector<16xi32>
      %eq3A_932 = arith.constant 1 : i32
      %eq3A_933 = vector.broadcast %eq3A_932 : i32 to vector<16xi32>
      %eq3A_934 = arith.cmpi eq, %get3A_928, %eq3A_933 : vector<16xi32>
      %select_n3A_935 = arith.select %eq3A_934, %gather3A_99, %gather3A_174 : vector<16xi1>, vector<16xf32>
      %select_n3A_936 = arith.select %eq3A_931, %gather3A_24, %select_n3A_935 : vector<16xi1>, vector<16xf32>
      %mul3A_937 = arith.constant 16 : i32
      %mul3A_938 = arith.muli %scan3A_326, %mul3A_937 : i32
      %swap3A_939 = arith.constant 0 : i32
      %swap3A_940 = arith.constant 0 : i32
      %swap3A_941 = arith.constant 7 : i32
      %swap3A_942 = arith.index_cast %swap3A_939 : i32 to index
      %swap3A_943 = arith.index_cast %swap3A_940 : i32 to index
      %swap3A_944 = arith.index_cast %swap3A_941 : i32 to index
      %swap3A_945 = arith.index_cast %mul3A_938 : i32 to index
      %swap3A_946 = tpu.vector_load %arg7[%swap3A_942, %swap3A_943, %swap3A_944, %swap3A_945] {strides = array<i32>} : memref<2x5x8x512xf32, #tpu.memory_space<vmem>>, vector<1x1x1x16xf32>,
      %swap3A_947 = vector.shape_cast %swap3A_946 : vector<1x1x1x16xf32> to vector<16xf32>
      %swap3A_948 = vector.shape_cast %select_n3A_936 : vector<16xf32> to vector<1x1x1x16xf32>
      tpu.vector_store %arg7[%swap3A_942, %swap3A_943, %swap3A_944, %swap3A_945], %swap3A_948 {strides = array<i32>} : memref<2x5x8x512xf32, #tpu.memory_space<vmem>>, vector<1x1x1x16xf32>,
      %select_n3A_949 = arith.select %eq3A_934, %gather3A_114, %gather3A_189 : vector<16xi1>, vector<16xf32>
      %select_n3A_950 = arith.select %eq3A_931, %gather3A_39, %select_n3A_949 : vector<16xi1>, vector<16xf32>
      %mul3A_951 = arith.constant 16 : i32
      %mul3A_952 = arith.muli %scan3A_326, %mul3A_951 : i32
      %swap3A_953 = arith.constant 0 : i32
      %swap3A_954 = arith.constant 1 : i32
      %swap3A_955 = arith.constant 7 : i32
      %swap3A_956 = arith.index_cast %swap3A_953 : i32 to index
      %swap3A_957 = arith.index_cast %swap3A_954 : i32 to index
      %swap3A_958 = arith.index_cast %swap3A_955 : i32 to index
      %swap3A_959 = arith.index_cast %mul3A_952 : i32 to index
      %swap3A_960 = tpu.vector_load %arg7[%swap3A_956, %swap3A_957, %swap3A_958, %swap3A_959] {strides = array<i32>} : memref<2x5x8x512xf32, #tpu.memory_space<vmem>>, vector<1x1x1x16xf32>,
      %swap3A_961 = vector.shape_cast %swap3A_960 : vector<1x1x1x16xf32> to vector<16xf32>
      %swap3A_962 = vector.shape_cast %select_n3A_950 : vector<16xf32> to vector<1x1x1x16xf32>
      tpu.vector_store %arg7[%swap3A_956, %swap3A_957, %swap3A_958, %swap3A_959], %swap3A_962 {strides = array<i32>} : memref<2x5x8x512xf32, #tpu.memory_space<vmem>>, vector<1x1x1x16xf32>,
      %select_n3A_963 = arith.select %eq3A_934, %gather3A_129, %gather3A_204 : vector<16xi1>, vector<16xf32>
      %select_n3A_964 = arith.select %eq3A_931, %gather3A_54, %select_n3A_963 : vector<16xi1>, vector<16xf32>
      %mul3A_965 = arith.constant 16 : i32
      %mul3A_966 = arith.muli %scan3A_326, %mul3A_965 : i32
      %swap3A_967 = arith.constant 0 : i32
      %swap3A_968 = arith.constant 2 : i32
      %swap3A_969 = arith.constant 7 : i32
      %swap3A_970 = arith.index_cast %swap3A_967 : i32 to index
      %swap3A_971 = arith.index_cast %swap3A_968 : i32 to index
      %swap3A_972 = arith.index_cast %swap3A_969 : i32 to index
      %swap3A_973 = arith.index_cast %mul3A_966 : i32 to index
      %swap3A_974 = tpu.vector_load %arg7[%swap3A_970, %swap3A_971, %swap3A_972, %swap3A_973] {strides = array<i32>} : memref<2x5x8x512xf32, #tpu.memory_space<vmem>>, vector<1x1x1x16xf32>,
      %swap3A_975 = vector.shape_cast %swap3A_974 : vector<1x1x1x16xf32> to vector<16xf32>
      %swap3A_976 = vector.shape_cast %select_n3A_964 : vector<16xf32> to vector<1x1x1x16xf32>
      tpu.vector_store %arg7[%swap3A_970, %swap3A_971, %swap3A_972, %swap3A_973], %swap3A_976 {strides = array<i32>} : memref<2x5x8x512xf32, #tpu.memory_space<vmem>>, vector<1x1x1x16xf32>,
      %select_n3A_977 = arith.select %eq3A_934, %gather3A_144, %gather3A_219 : vector<16xi1>, vector<16xf32>
      %select_n3A_978 = arith.select %eq3A_931, %gather3A_69, %select_n3A_977 : vector<16xi1>, vector<16xf32>
      %mul3A_979 = arith.constant 16 : i32
      %mul3A_980 = arith.muli %scan3A_326, %mul3A_979 : i32
      %swap3A_981 = arith.constant 0 : i32
      %swap3A_982 = arith.constant 3 : i32
      %swap3A_983 = arith.constant 7 : i32
      %swap3A_984 = arith.index_cast %swap3A_981 : i32 to index
      %swap3A_985 = arith.index_cast %swap3A_982 : i32 to index
      %swap3A_986 = arith.index_cast %swap3A_983 : i32 to index
      %swap3A_987 = arith.index_cast %mul3A_980 : i32 to index
      %swap3A_988 = tpu.vector_load %arg7[%swap3A_984, %swap3A_985, %swap3A_986, %swap3A_987] {strides = array<i32>} : memref<2x5x8x512xf32, #tpu.memory_space<vmem>>, vector<1x1x1x16xf32>,
      %swap3A_989 = vector.shape_cast %swap3A_988 : vector<1x1x1x16xf32> to vector<16xf32>
      %swap3A_990 = vector.shape_cast %select_n3A_978 : vector<16xf32> to vector<1x1x1x16xf32>
      tpu.vector_store %arg7[%swap3A_984, %swap3A_985, %swap3A_986, %swap3A_987], %swap3A_990 {strides = array<i32>} : memref<2x5x8x512xf32, #tpu.memory_space<vmem>>, vector<1x1x1x16xf32>,
      %select_n3A_991 = arith.select %eq3A_934, %gather3A_159, %gather3A_234 : vector<16xi1>, vector<16xf32>
      %select_n3A_992 = arith.select %eq3A_931, %gather3A_84, %select_n3A_991 : vector<16xi1>, vector<16xf32>
      %mul3A_993 = arith.constant 16 : i32
      %mul3A_994 = arith.muli %scan3A_326, %mul3A_993 : i32
      %swap3A_995 = arith.constant 0 : i32
      %swap3A_996 = arith.constant 4 : i32
      %swap3A_997 = arith.constant 7 : i32
      %swap3A_998 = arith.index_cast %swap3A_995 : i32 to index
      %swap3A_999 = arith.index_cast %swap3A_996 : i32 to index
      %swap3A_1000 = arith.index_cast %swap3A_997 : i32 to index
      %swap3A_1001 = arith.index_cast %mul3A_994 : i32 to index
      %swap3A_1002 = tpu.vector_load %arg7[%swap3A_998, %swap3A_999, %swap3A_1000, %swap3A_1001] {strides = array<i32>} : memref<2x5x8x512xf32, #tpu.memory_space<vmem>>, vector<1x1x1x16xf32>,
      %swap3A_1003 = vector.shape_cast %swap3A_1002 : vector<1x1x1x16xf32> to vector<16xf32>
      %swap3A_1004 = vector.shape_cast %select_n3A_992 : vector<16xf32> to vector<1x1x1x16xf32>
      tpu.vector_store %arg7[%swap3A_998, %swap3A_999, %swap3A_1000, %swap3A_1001], %swap3A_1004 {strides = array<i32>} : memref<2x5x8x512xf32, #tpu.memory_space<vmem>>, vector<1x1x1x16xf32>,
    }
    %scan3A_274 = arith.constant 32 : i32
    %dma_start3A_275 = arith.constant 0 : i32
    %dma_start3A_276 = arith.constant 0 : i32
    %dma_start3A_277 = arith.constant 0 : i32
    %dma_start3A_278 = arith.constant 0 : i32
    %dma_start3A_279 = tpu.memref_slice %arg7[%dma_start3A_275, %dma_start3A_276, %dma_start3A_277, %dma_start3A_278] : memref<2x5x8x512xf32, #tpu.memory_space<vmem>> -> memref<1x5x8x512xf32, #tpu.memory_space<vmem>>
    %dma_start3A_280 = tpu.memref_squeeze %dma_start3A_279 : memref<1x5x8x512xf32, #tpu.memory_space<vmem>> -> memref<5x8x512xf32, #tpu.memory_space<vmem>>
    %dma_start3A_281 = arith.constant 0 : i32
    %dma_start3A_282 = arith.constant 192 : i32
    %dma_start3A_283 = tpu.memref_slice %arg4[%dma_start3A_281, %dma_start3A_282, %mul3A_2] : memref<5x200x16384xf32, #tpu.memory_space<hbm>> -> memref<5x8x512xf32, #tpu.memory_space<hbm>>
    %dma_start3A_284 = arith.constant 0 : i32
    %dma_start3A_285 = arith.constant 192 : i32
    %dma_start3A_286 = tpu.memref_slice %arg4[%dma_start3A_284, %dma_start3A_285, %mul3A_2] : memref<5x200x16384xf32, #tpu.memory_space<hbm>> -> memref<5x8x512xf32, #tpu.memory_space<hbm>>
    %dma_start3A_287 = arith.constant 0 : i32
    %dma_start3A_288 = arith.constant 0 : i32
    %dma_start3A_289 = arith.constant 0 : i32
    %dma_start3A_290 = tpu.memref_slice %arg7[%dma_start3A_275, %dma_start3A_287, %dma_start3A_288, %dma_start3A_289] : memref<2x5x8x512xf32, #tpu.memory_space<vmem>> -> memref<1x5x8x512xf32, #tpu.memory_space<vmem>>
    %dma_start3A_291 = tpu.memref_squeeze %dma_start3A_290 : memref<1x5x8x512xf32, #tpu.memory_space<vmem>> -> memref<5x8x512xf32, #tpu.memory_space<vmem>>
    tpu.enqueue_dma source(%dma_start3A_291 : memref<5x8x512xf32, #tpu.memory_space<vmem>>) target(%dma_start3A_286 : memref<5x8x512xf32, #tpu.memory_space<hbm>>) target_semaphore(%arg10 : memref<!tpu.dma_semaphore, #tpu.memory_space<semaphore_mem>>)
    %dma_wait3A_292 = arith.constant 1 : i32
    %dma_wait3A_293 = arith.constant 0 : i32
    %dma_wait3A_294 = arith.constant 0 : i32
    %dma_wait3A_295 = arith.constant 0 : i32
    %dma_wait3A_296 = tpu.memref_slice %arg7[%dma_wait3A_292, %dma_wait3A_293, %dma_wait3A_294, %dma_wait3A_295] : memref<2x5x8x512xf32, #tpu.memory_space<vmem>> -> memref<1x5x8x512xf32, #tpu.memory_space<vmem>>
    %dma_wait3A_297 = tpu.memref_squeeze %dma_wait3A_296 : memref<1x5x8x512xf32, #tpu.memory_space<vmem>> -> memref<5x8x512xf32, #tpu.memory_space<vmem>>
    %dma_wait3A_298 = arith.constant 0 : i32
    %dma_wait3A_299 = arith.constant 184 : i32
    %dma_wait3A_300 = tpu.memref_slice %arg4[%dma_wait3A_298, %dma_wait3A_299, %mul3A_2] : memref<5x200x16384xf32, #tpu.memory_space<hbm>> -> memref<5x8x512xf32, #tpu.memory_space<hbm>>
    %dma_wait3A_301 = arith.constant 0 : i32
    %dma_wait3A_302 = arith.constant 184 : i32
    %dma_wait3A_303 = tpu.memref_slice %arg4[%dma_wait3A_301, %dma_wait3A_302, %mul3A_2] : memref<5x200x16384xf32, #tpu.memory_space<hbm>> -> memref<5x8x512xf32, #tpu.memory_space<hbm>>
    %dma_wait3A_304 = arith.constant 0 : i32
    %dma_wait3A_305 = arith.constant 0 : i32
    %dma_wait3A_306 = arith.constant 0 : i32
    %dma_wait3A_307 = tpu.memref_slice %arg7[%dma_wait3A_292, %dma_wait3A_304, %dma_wait3A_305, %dma_wait3A_306] : memref<2x5x8x512xf32, #tpu.memory_space<vmem>> -> memref<1x5x8x512xf32, #tpu.memory_space<vmem>>
    %dma_wait3A_308 = tpu.memref_squeeze %dma_wait3A_307 : memref<1x5x8x512xf32, #tpu.memory_space<vmem>> -> memref<5x8x512xf32, #tpu.memory_space<vmem>>
    tpu.wait_dma2 semaphore(%arg11 : memref<!tpu.dma_semaphore, #tpu.memory_space<semaphore_mem>>) src(%dma_wait3A_308 : memref<5x8x512xf32, #tpu.memory_space<vmem>>) dst(%dma_wait3A_303 : memref<5x8x512xf32, #tpu.memory_space<hbm>>)
    %dma_wait3A_309 = arith.constant 0 : i32
    %dma_wait3A_310 = arith.constant 0 : i32
    %dma_wait3A_311 = arith.constant 0 : i32
    %dma_wait3A_312 = arith.constant 0 : i32
    %dma_wait3A_313 = tpu.memref_slice %arg7[%dma_wait3A_309, %dma_wait3A_310, %dma_wait3A_311, %dma_wait3A_312] : memref<2x5x8x512xf32, #tpu.memory_space<vmem>> -> memref<1x5x8x512xf32, #tpu.memory_space<vmem>>
    %dma_wait3A_314 = tpu.memref_squeeze %dma_wait3A_313 : memref<1x5x8x512xf32, #tpu.memory_space<vmem>> -> memref<5x8x512xf32, #tpu.memory_space<vmem>>
    %dma_wait3A_315 = arith.constant 0 : i32
    %dma_wait3A_316 = arith.constant 192 : i32
    %dma_wait3A_317 = tpu.memref_slice %arg4[%dma_wait3A_315, %dma_wait3A_316, %mul3A_2] : memref<5x200x16384xf32, #tpu.memory_space<hbm>> -> memref<5x8x512xf32, #tpu.memory_space<hbm>>
    %dma_wait3A_318 = arith.constant 0 : i32
    %dma_wait3A_319 = arith.constant 192 : i32
    %dma_wait3A_320 = tpu.memref_slice %arg4[%dma_wait3A_318, %dma_wait3A_319, %mul3A_2] : memref<5x200x16384xf32, #tpu.memory_space<hbm>> -> memref<5x8x512xf32, #tpu.memory_space<hbm>>
    %dma_wait3A_321 = arith.constant 0 : i32
    %dma_wait3A_322 = arith.constant 0 : i32
    %dma_wait3A_323 = arith.constant 0 : i32
    %dma_wait3A_324 = tpu.memref_slice %arg7[%dma_wait3A_309, %dma_wait3A_321, %dma_wait3A_322, %dma_wait3A_323] : memref<2x5x8x512xf32, #tpu.memory_space<vmem>> -> memref<1x5x8x512xf32, #tpu.memory_space<vmem>>
    %dma_wait3A_325 = tpu.memref_squeeze %dma_wait3A_324 : memref<1x5x8x512xf32, #tpu.memory_space<vmem>> -> memref<5x8x512xf32, #tpu.memory_space<vmem>>
    tpu.wait_dma2 semaphore(%arg10 : memref<!tpu.dma_semaphore, #tpu.memory_space<semaphore_mem>>) src(%dma_wait3A_325 : memref<5x8x512xf32, #tpu.memory_space<vmem>>) dst(%dma_wait3A_320 : memref<5x8x512xf32, #tpu.memory_space<hbm>>)
    return
  }
}

</mosaic_0001>

<sc_bundles>
// kernel: kernel.3.cloned.1.call-start
scs
__scs_entry_jumppad:
0x0: {  	(pc) =	sbr.rel $0x88, $3  }
0x1: {  	(tag) =	ssettag $0x0;
	lr =	simm.s32 $0x1  }
0x2: {  	[smem:$0x3F9F] =	sst lr;
	_ =	strace $0xD0000000  }
0x3: {  	_ = 	snop  }
0x4: {  	_ = 	snop  }
0x5: {  	_ = 	snop  }
0x6: {  	_ = 	snop  }
0x7: {  	_ = 	snop  }
__scs_overlays_trampoline_lowered:
0x8: {  	[smem:$0x3FAE] =	sst s0  }
0x9: {  	[smem:$0x3FAF] =	sst s1  }
0xa: {  	[smem:$0x3FB0] =	sst s2  }
0xb: {  	[smem:$0x3FB1] =	sst s3  }
0xc: {  	[smem:$0x3FB2] =	sst s4  }
0xd: {  	[smem:$0x3FB3] =	sst s5  }
0xe: {  	[smem:$0x3FB4] =	sst s6  }
0xf: {  	[smem:$0x3FB5] =	sst s7  }
0x10: {  	[smem:$0x3FB6] =	sst s8  }
0x11: {  	[smem:$0x3FB7] =	sst s9;
	s0 =	simm.s32 @!p0 $0x0  }
0x12: {  	s1 =	sld [smem:$0x3F9D];
	s0 =	simm.s32 @p0 $0x1  }
0x13: {  	[smem:$0x3FB8] =	sst s0;
	s0 =	simm.s32 @!p1 $0x0  }
0x14: {  	s2 =	sld [smem:$0x3F9C];
	s0 =	simm.s32 @p1 $0x1  }
0x15: {  	[smem:$0x3FB9] =	sst s0;
	s0 =	simm.s32 @!p2 $0x0  }
0x16: {  	s3 =	sld [smem:$0x3FDB];
	s0 =	simm.s32 @p2 $0x1  }
0x17: {  	s4 =	simm.s32 $0x1BF5;
	[smem:$0x3FBB] =	sst s0  }
0x18: {  	s0 =	sld [smem:$0x3F9E];
	_ =	swait.ge [sflag:s4], $0x0  }
0x19: {  	s7 =	sld [smem:$0x3F9F]  }
0x1a: {  	s8 =	sadd.s32 $0xFFFFE003, lr  }
0x1b: {  	s9 =	sadd.s32 $0xFFFFFEF7, lr;
	s5 =	simm.s32 $0xFFFFFFFF;
	p2 =	slt.u32 s8, $0xFFFFF086  }
0x1c: {  	p1 =	slt.u32 s9, $0xF7A;
	s5 =	simm.s32 @!p2 $0x0  }
0x1d: {  	s5 =	simm.s32 @p1 $0x1;
	p0 =	seq.s32 s7, s2  }
0x1e: {  	s7 =	smul.u32 @!p0 $0xF7A, s2;
	p2 =	seq.s32 @!p0 s5, $0x0  }
0x1f: {  	s9 =	smul.u32 $0xF7A, s1;
	s8 =	simm.s32 @!p0 $0x1BF5;
	p2 =	por !p2, p0  }
0x20: {  	[sflag:s8] =	ssyncset.s32 @!p0 $0xFFFFF086;
	s6 =	sadd.s32 @!p0 s3, s7;
	s7 =	simm.s32 @!p0 $0x108  }
0x21: {  	s3 =	sadd.s32 s3, s9;
	s6 =	sadd.s32 @!p0 $0x88, s6;
	s7 =	simm.s32 @p2 $0x1082  }
0x22: {  	[simem:s7], [sflag:s8] =	dma.local @!p0 [hbm:s6], $0xF7A  }
0x23: {  	s9 =	sor.u32 $0xD0000000, s2;
	s6 =	simm.s32 $0x108;
	_ =	swait.ge @!p0 [sflag:s8], $0x0  }
0x24: {  	s3 =	sadd.s32 $0x88, s3;
	s6 =	simm.s32 @!p1 $0x1082;
	[sflag:s4] =	ssyncset.s32 $0xFFFFF086  }
0x25: {  	[simem:s6], [sflag:s4] =	dma.local [hbm:s3], $0xF7A  }
0x26: {  	[smem:$0x3F9F] =	sst s1;
	(tag) =	ssettag s2;
	_ =	strace s9  }
0x27: {  	s1 =	sld [smem:$0x3FAF]  }
0x28: {  	s2 =	sld [smem:$0x3FB0]  }
0x29: {  	s4 =	sld [smem:$0x3FB2]  }
0x2a: {  	p0 =	seq.s32 s5, $0x0;
	s5 =	sld [smem:$0x3FB3]  }
0x2b: {  	s6 =	sld [smem:$0x3FB4]  }
0x2c: {  	s7 =	sld [smem:$0x3FB5]  }
0x2d: {  	s3 =	simm.s32 $0x108;
	s8 =	sld [smem:$0x3FB6]  }
0x2e: {  	s3 =	simm.s32 @!p0 $0x1082;
	s9 =	sld [smem:$0x3FB7]  }
0x2f: {  	lr =	sadd.s32 s0, s3;
	s0 =	sld [smem:$0x3FAE]  }
0x30: {  	s3 =	sld [smem:$0x3FB1]  }
0x31: {  	[smem:$0x3FBA] =	sst s10  }
0x32: {  	s10 =	sld [smem:$0x3FB8];
	_ =	sdelay $0x3  }
0x33: {  	p0 =	seq.s32 s10, $0x1;
	s10 =	sld [smem:$0x3FBA];
	_ =	sdelay $0x3  }
0x34: {  	[smem:$0x3FBA] =	sst s10  }
0x35: {  	s10 =	sld [smem:$0x3FB9];
	_ =	sdelay $0x3  }
0x36: {  	p1 =	seq.s32 s10, $0x1;
	s10 =	sld [smem:$0x3FBA];
	_ =	sdelay $0x3  }
0x37: {  	[smem:$0x3FBA] =	sst s10  }
0x38: {  	s10 =	sld [smem:$0x3FBB]  }
0x39: {  	_ = 	snop;
	(pc) =	sbr.ind lr, $3  }
0x3a: {  	_ = 	snop  }
0x3b: {  	_ = 	snop  }
0x3c: {  	p2 =	seq.s32 s10, $0x1;
	s10 =	sld [smem:$0x3FBA]  }
0x3d: {  	_ =	shalt  }
0x3e: {  	_ =	shalt  }
0x3f: {  	_ =	shalt  }
0x40: {  	_ =	shalt  }
0x41: {  	_ =	shalt  }
0x42: {  	_ =	shalt  }
0x43: {  	_ =	shalt  }
0x44: {  	_ =	shalt  }
0x45: {  	_ =	shalt  }
0x46: {  	_ =	shalt  }
0x47: {  	_ =	shalt  }
0x48: {  	_ =	shalt  }
0x49: {  	_ =	shalt  }
0x4a: {  	_ =	shalt  }
0x4b: {  	_ =	shalt  }
0x4c: {  	_ =	shalt  }
0x4d: {  	_ =	shalt  }
0x4e: {  	_ =	shalt  }
0x4f: {  	_ =	shalt  }
0x50: {  	_ =	shalt  }
0x51: {  	_ =	shalt  }
0x52: {  	_ =	shalt  }
0x53: {  	_ =	shalt  }
0x54: {  	_ =	shalt  }
0x55: {  	_ =	shalt  }
0x56: {  	_ =	shalt  }
0x57: {  	_ =	shalt  }
0x58: {  	_ =	shalt  }
0x59: {  	_ =	shalt  }
0x5a: {  	_ =	shalt  }
0x5b: {  	_ =	shalt  }
0x5c: {  	_ =	shalt  }
0x5d: {  	_ =	shalt  }
0x5e: {  	_ =	shalt  }
0x5f: {  	_ =	shalt  }
0x60: {  	_ =	shalt  }
0x61: {  	_ =	shalt  }
0x62: {  	_ =	shalt  }
0x63: {  	_ =	shalt  }
0x64: {  	_ =	shalt  }
0x65: {  	_ =	shalt  }
0x66: {  	_ =	shalt  }
0x67: {  	_ =	shalt  }
0x68: {  	_ =	shalt  }
0x69: {  	_ =	shalt  }
0x6a: {  	_ =	shalt  }
0x6b: {  	_ =	shalt  }
0x6c: {  	_ =	shalt  }
0x6d: {  	_ =	shalt  }
0x6e: {  	_ =	shalt  }
0x6f: {  	_ =	shalt  }
0x70: {  	_ =	shalt  }
0x71: {  	_ =	shalt  }
0x72: {  	_ =	shalt  }
0x73: {  	_ =	shalt  }
0x74: {  	_ =	shalt  }
0x75: {  	_ =	shalt  }
0x76: {  	_ =	shalt  }
0x77: {  	_ =	shalt  }
0x78: {  	_ =	shalt  }
0x79: {  	_ =	shalt  }
0x7a: {  	_ =	shalt  }
0x7b: {  	_ =	shalt  }
0x7c: {  	_ =	shalt  }
0x7d: {  	_ =	shalt  }
0x7e: {  	_ =	shalt  }
0x7f: {  	_ =	shalt  }
0x80: {  	_ =	shalt  }
0x81: {  	_ =	shalt  }
0x82: {  	_ =	shalt  }
0x83: {  	_ =	shalt  }
0x84: {  	_ =	shalt  }
0x85: {  	_ =	shalt  }
0x86: {  	_ =	shalt  }
0x87: {  	_ =	shalt  }
.Lfunc_end0:
.L_simem_size_0:
called_computation_lowered:
.L_overlay_start_0:
0x88: {  	s2 =	sld [smem:$0x3FD9]  }
0x89: {  	s3 =	sld [smem:$0x3FFE];
	_ =	sdelay $0x1  }
0x8a: {  	s1 =	srdreg.scid  }
0x8b: {  	s0 =	sand.u32 $0x1, s1  }
0x8c: {  	s17 =	sshll.u32 s0, $0xA;
	s2 =	sadd.s32 s3, s2  }
0x8d: {  	s2 =	sadd.s32 s2, s17  }
0x8e: {  	[smem:$0x3FC6] =	sst s2  }
0x8f: {  	_ = 	snop  }
0x90: {  	s2 =	sld [smem:$0x3FC9]  }
0x91: {  	s18 =	sld [smem:$0x3FD0];
	(tm) =	ssettm $0x1  }
0x92: {  	s4 =	sld [smem:$0x3FFB];
	_ =	sdelay $0x3  }
0x93: {  	_ =	strace s4  }
0x94: {  	s4 =	sld [smem:$0x3FFC];
	_ =	sdelay $0x3  }
0x95: {  	_ =	strace s4  }
0x96: {  	s4 =	sld [smem:$0x3FFD];
	_ =	sdelay $0x3  }
0x97: {  	_ =	strace s4  }
0x98: {  	_ =	strace $0x8FFFFFFF  }
0x99: {  	s19 =	sld [smem:$0x3FDB];
	_ =	sdelay $0x1  }
0x9a: {  	s5 =	simm.s32 $_scs_section_size  }
0x9b: {  	s6 =	simm.s32 $_size__tile_overlayer_lowered;
	s7 =	simm.s32 $_tile_overlayer_lowered  }
0x9c: {  	s22 =	simm.s32 $0x1BFF;
	s21 =	sshll.u32 s7, $0x1;
	s4 =	sadd.s32 s5, s19  }
0x9d: {  	s8 =	simm.s32 $0x0;
	s20 =	sshll.u32 s6, $0x1;
	s6 =	sadd.s32 s21, s4  }
0x9e: {  	[timem:s8], [sflag:s22] =	dma.local [hbm:s6], s20  }
0x9f: {  	_ =	swait.ge [sflag:s22], s20  }
0xa0: {  	s5 =	ssub.s32 $0x0, s20;
	[sflag:s22] =	ssyncset.done $0x0  }
0xa1: {  	[sflag:s22] =	ssyncadd.s32 s5;
	_ =	sdelay $0x1  }
0xa2: {  	s23 =	simm.s32 $0x1B8B  }
0xa3: {  	_ =	swait.ge [sflag:s23], $0x1  }
0xa4: {  	[sflag:s23] =	ssyncset.done $0x0  }
0xa5: {  	s25 =	simm.s32 $0x1B8E;
	s24 =	sld [smem:$0x3FFE];
	[sflag:s23] =	ssyncadd.s32 $0xFFFFFFFF  }
0xa6: {  	s26 =	simm.s32 $execute0_lowered;
	[smem:$0x3FD2] =	sst s25  }
0xa7: {  	s6 =	sshll.u32 s26, $0x1;
	_ =	strace $0x80000046;
	[dreg:$0x1] =	wrdreg $0xFFFFFFFF  }
0xa8: {  	s28 =	simm.s32 $_size_execute0_lowered;
	s4 =	sadd.s32 s4, s6;
	[dreg:$0x0] =	wrdreg $0x0  }
0xa9: {  	s6 =	sshll.u32 s28, $0x1;
	[dreg:$0x2] =	wrdreg s4  }
0xaa: {  	[dreg:$0x3] =	wrdreg s6  }
0xab: {  	[dreg:$0x4] =	wrdreg $0xC0  }
0xac: {  	_ =	task [dreg:s8], $0x5FFFF  }
0xad: {  	[dreg:$0x1] =	wrdreg $0xFFFFFFFF  }
0xae: {  	[dreg:$0x0] =	wrdreg $0x60  }
0xaf: {  	[dreg:$0x2] =	wrdreg s2  }
0xb0: {  	[dreg:$0x3] =	wrdreg s24  }
0xb1: {  	[dreg:$0x4] =	wrdreg s18  }
0xb2: {  	[dreg:$0x5] =	wrdreg $0x9  }
0xb3: {  	_ =	task.clear_ibuf [dreg:s8], $0x6FFFF;
	_ =	strace $0x90000046  }
0xb4: {  	s29 =	simm.s32 $0x9;
	_ =	strace $0x80000048  }
0xb5: {  	_ =	swait.ge [sflag:s29], $0x1  }
0xb6: {  	[sflag:s29] =	ssyncadd.s32 $0xFFFFFFFF  }
0xb7: {  	_ =	strace $0x90000048  }
0xb8: {  	_ =	sfence  }
0xb9: {  	s30 =	sld [smem:$0x0];
	_ =	sdelay $0x2  }
0xba: {  	s31 =	sshll.u32 s1, $0xD;
	s1 =	sshrl.u32 s1, $0x2  }
0xbb: {  	s3 =	sand.u32 $0x4000, s31;
	s1 =	sadd.s32 s1, s30  }
0xbc: {  	s0 =	sor.u32 s3, s0;
	s1 =	sshll.u32 s1, $0x11  }
0xbd: {  	s0 =	sor.u32 s1, s0  }
0xbe: {  	s0 =	sadd.s32 $0x8F2B, s0  }
0xbf: {  	[sflag:s0] =	ssyncadd.remote.s32 $0x1  }
0xc0: {  	_ =	sfence.sel $0xFFFF  }
0xc1: {  	[dreg:$0x0] =	wrdreg $0xFFFFFFFF;
	(pc) =	sbr.abs _section_cstart, $3  }
0xc2: {  	[dreg:$0x1] =	wrdreg $0xFFFFFFFF  }
0xc3: {  	_ =	task.clear_ibuf [dreg:s8], $0x2FFFF;
	_ =	strace $0x9FFFFFFF  }
0xc4: {  	(tm) =	ssettm $0x7FFFFFFF  }
0xc5: {  	_ =	shalt  }
tec
execute0_lowered:
.L_overlay_start_1:
0x0: {  	(tag) =	ssettag $0x1  }
0x1: {  	s1 =	rddreg [dreg:$0x0]  }
0x2: {  	s0 =	rddreg [dreg:$0x1]  }
0x3: {  	s3 =	rddreg [dreg:$0x2];
	s2 =	srdreg.scid  }
0x4: {  	s4 =	simm.s32 $0x0;
	s5 =	stileid.u32;
	s11 =	simm.s32 $0x80  }
0x5: {  	s12 =	simm.s32 $0x5;
	s13 =	simm.s32 $0x1080;
	s14 =	simm.s32 $0x1  }
0x6: {  	s15 =	simm.s32 $0x1000;
	s16 =	simm.s32 $0x320000;
	s17 =	simm.s32 $0x2080  }
0x7: {  	s18 =	simm.s32 $0x2;
	s19 =	simm.s32 $0x7080;
	s20 =	simm.s32 $0x3  }
0x8: {  	s21 =	simm.s32 $0x4;
	s22 =	simm.s32 $0x0;
	s2 =	sand.u32 $0x1, s2  }
0x9: {  	[smem:$0x7FF] =	sst s4;
	s5 =	sshll.u32 s5, $0xD;
	s6 =	sshll.u32 s2, $0xC  }
0xa: {  	s0 =	sadd.s32 $0x400, s0;
	_ =	strace $0x80000047;
	s5 =	sor.u32 s6, s5  }
0xb: {  	s2 =	ssub.s32 $0x2, s2;
	[dreg:$0x4] =	wrdreg s0;
	s6 =	sshrl.u32 s5, $0x3  }
0xc: {  	s29 =	sshrl.u32 s2, $0x1;
	s30 =	sadd.s32 s1, s6;
	s31 =	sadd.s32 s6, s3  }
0xd: {  	s0 =	ssub.s32 s2, s29;
	[dreg:$0x5] =	wrdreg s30;
	s2 =	sadd.s32 $0x60000, s31  }
0xe: {  	s8 =	sor.u32 $0x40000, s5;
	s10 =	smax.u32 s0, $0x1;
	[dreg:$0x6] =	wrdreg s2  }
.LBB2_1:
0xf: {  	s0 =	rddreg [dreg:$0x5]  }
0x10: {  	[tilespmem:s11], [sflag:$0x1] =	stream.linear.gather [hbm4b:s0+s4], $0x1000, $0x38;
	[tilespmem:$0xC080] =	vst v63  }
0x11: {  	s31 =	rddreg [dreg:$0x4]  }
0x12: {  	[tilespmem:s4], [sflag:$0x5] =	stream.linear.gather [hbm4b:s31+s4], $0x80, $0x38;
	[tilespmem:$0xC080] =	vst v63  }
0x13: {  	_ =	swait.ge [sflag:s12], $0x80  }
0x14: {  	[sflag:s12] =	ssyncset.done $0x0  }
0x15: {  	[sflag:s12] =	ssyncadd.s32 $0xFFFFFF80  }
0x16: {  	v7 =	vld [tilespmem:$0x0];
	_ =	sdelay $0x2  }
0x17: {  	v12 =	vld [tilespmem:$0x10]  }
0x18: {  	v0 =	vimm.s32 $0x0;
	v1 =	vimm.s32 $0x1  }
0x19: {  	v2 =	vimm.s32 $0x2;
	v3 =	vimm.s32 $0x3;
	v17 =	vld [tilespmem:$0x20];
	v8 =	vperm.xlane v7, v0  }
0x1a: {  	v4 =	vimm.s32 $0x4;
	v9 =	vperm.xlane v7, v1;
	v28 =	vperm.xlane v7, v2  }
0x1b: {  	v6 =	vperm.xlane v7, v3;
	v46 =	vperm.xlane v7, v4  }
0x1c: {  	v14 =	vperm.xlane v12, v0;
	v15 =	vperm.xlane v12, v1  }
0x1d: {  	v10 =	vperm.xlane v12, v2;
	v11 =	vperm.xlane v12, v3  }
0x1e: {  	v13 =	vperm.xlane v12, v4;
	v18 =	vperm.xlane v17, v0;
	[tilespmem:$0x1FFD0] =	vst v28  }
0x1f: {  	v19 =	vperm.xlane v17, v1;
	v12 =	vperm.xlane v17, v2;
	[tilespmem:$0x1FFE0] =	vst v6  }
0x20: {  	s23 =	simm.s32 $0x0;
	v16 =	vperm.xlane v17, v3;
	v17 =	vperm.xlane v17, v4;
	[tilespmem:$0x1FFF0] =	vst v46  }
.LBB2_2:
0x21: {  	s25 =	sshll.u32 s23, $0x12  }
0x22: {  	s0 =	sor.u32 s5, s25  }
0x23: {  	s26 =	sshrl.u32 s0, $0x3  }
0x24: {  	s24 =	sor.u32 $0x4000, s26  }
0x25: {  	s9 =	sadd.s32 s1, s24  }
0x26: {  	[tilespmem:s13], [sflag:$0x2] =	stream.linear.gather [hbm4b:s9+s4], $0x1000, $0x38;
	[tilespmem:$0xC080] =	vst v63  }
0x27: {  	_ =	swait.ge [sflag:s14], $0x1000  }
0x28: {  	p0 =	seq.s32 s23, $0x0;
	[sflag:s14] =	ssyncset.done $0x0  }
0x29: {  	s0 =	simm.s32 @!p0 $0x3;
	[sflag:s14] =	ssyncadd.s32 $0xFFFFF000  }
0x2a: {  	s30 =	simm.s32 $0x0;
	_ =	swait.ge @!p0 [sflag:s0], $0x5000  }
0x2b: {  	s2 =	sand.u32 $0x70, s30;
	s6 =	sand.u32 $0xC00, s30;
	[sflag:s0] =	ssyncset.done @!p0 $0x0  }
0x2c: {  	s28 =	sor.u32 s2, s6;
	[sflag:s0] =	ssyncadd.s32 @!p0 $0xFFFFB000  }
0x2d: {  	v20 =	vld [tilespmem:s28+$0x100]  }
0x2e: {  	v21 =	vld [tilespmem:s28+$0x180];
	_ =	sdelay $0x3  }
0x2f: {  	vm0 =	veq.s32 v20, $0x1  }
0x30: {  	vm1 =	veq.s32 v20, $0x0;
	vm2 =	veq.s32 v21, $0x0;
	v20 =	vsel vm0, v15, v19  }
0x31: {  	vm3 =	veq.s32 v21, $0x1;
	v21 =	vsel vm0, v14, v18;
	v20 =	vsel vm1, v9, v20  }
0x32: {  	v22 =	vsel vm3, v14, v18;
	v24 =	vsel vm1, v8, v21;
	[tilespmem:s28+$0x3100] =	vst v20  }
0x33: {  	v23 =	vsel vm0, v11, v16;
	v25 =	vsel vm2, v8, v22;
	v22 =	vsel vm3, v15, v19;
	[tilespmem:s28+$0x2100] =	vst v24  }
0x34: {  	v23 =	vsel vm1, v6, v23;
	v20 =	vsel vm0, v13, v17;
	v24 =	vsel vm0, v10, v12;
	[tilespmem:s28+$0x2180] =	vst v25  }
0x35: {  	v21 =	vld [tilespmem:s28+$0x80];
	v26 =	vsel vm2, v9, v22;
	[tilespmem:s28+$0x5100] =	vst v23;
	v23 =	vsel vm3, v10, v12;
	v25 =	vsel vm3, v13, v17  }
0x36: {  	v20 =	vsel vm1, v46, v20;
	v22 =	vsel vm1, v28, v24;
	v24 =	vsel vm3, v11, v16  }
0x37: {  	s31 =	simm.s32 $0x10;
	s29 =	sor.u32 s30, s30;
	s0 =	sor.u32 s6, s30;
	[tilespmem:s28+$0x3180] =	vst v26;
	v23 =	vsel vm2, v28, v23;
	v25 =	vsel vm2, v46, v25;
	v24 =	vsel vm2, v6, v24  }
.LBB2_3:
0x38: {  	p1 =	sne.s32 s31, $0x1F0  }
0x39: {  	[tilespmem:s28+$0x6180] =	vst v25;
	s30 =	sadd.s32 $0x80, s30;
	s6 =	smov.u32 s31;
	s31 =	sadd.s32 $0x10, s31  }
0x3a: {  	s2 =	sor.u32 s30, s6;
	vm0 =	veq.s32 v21, $0x0;
	vm1 =	veq.s32 v21, $0x1;
	[tilespmem:s28+$0x5180] =	vst v24  }
0x3b: {  	v21 =	vsel vm1, v14, v18;
	v24 =	vsel vm1, v15, v19;
	v25 =	vsel vm1, v13, v17;
	[tilespmem:s28+$0x4100] =	vst v22  }
0x3c: {  	v26 =	vsel vm1, v11, v16;
	v22 =	vsel vm0, v9, v24;
	v24 =	vsel vm1, v10, v12;
	[tilespmem:s28+$0x4180] =	vst v23  }
0x3d: {  	v21 =	vsel vm0, v8, v21;
	v23 =	vsel vm0, v6, v26;
	v25 =	vsel vm0, v46, v25;
	[tilespmem:s28+$0x6100] =	vst v20  }
0x3e: {  	v20 =	vsel vm0, v28, v24;
	[tilespmem:s28+$0x3080] =	vst v22  }
0x3f: {  	[tilespmem:s28+$0x6080] =	vst v25  }
0x40: {  	[tilespmem:s28+$0x5080] =	vst v23  }
0x41: {  	[tilespmem:s28+$0x4080] =	vst v20  }
0x42: {  	s0 =	sor.u32 $0x180, s0;
	[tilespmem:s28+$0x2080] =	vst v21  }
0x43: {  	v20 =	vld [tilespmem:s0+$0x80];
	_ =	sdelay $0x4  }
0x44: {  	vm0 =	veq.s32 v20, $0x1  }
0x45: {  	vm1 =	veq.s32 v20, $0x0;
	v20 =	vsel vm0, v14, v18;
	v21 =	vsel vm0, v15, v19  }
0x46: {  	v22 =	vsel vm0, v11, v16;
	v20 =	vsel vm1, v8, v20;
	v21 =	vsel vm1, v9, v21  }
0x47: {  	v23 =	vsel vm0, v13, v17;
	v22 =	vsel vm1, v6, v22;
	[tilespmem:s0+$0x2080] =	vst v20;
	v20 =	vsel vm0, v10, v12  }
0x48: {  	[tilespmem:s28+$0x3200] =	vst v21;
	v20 =	vsel vm1, v28, v20;
	v21 =	vsel vm1, v46, v23;
	v23 =	vld [tilespmem:s28+$0x280]  }
0x49: {  	[tilespmem:s28+$0x4200] =	vst v20;
	v20 =	vld [tilespmem:s28+$0x300]  }
0x4a: {  	[tilespmem:s28+$0x5200] =	vst v22;
	v22 =	vld [tilespmem:s28+$0x380]  }
0x4b: {  	[tilespmem:s28+$0x6200] =	vst v21;
	_ =	sdelay $0x1  }
0x4c: {  	vm4 =	veq.s32 v23, $0x1  }
0x4d: {  	v21 =	vsel vm4, v14, v18;
	vm0 =	veq.s32 v20, $0x0;
	vm2 =	veq.s32 v20, $0x1  }
0x4e: {  	v20 =	vsel vm2, v14, v18;
	vm1 =	veq.s32 v22, $0x0;
	vm3 =	veq.s32 v22, $0x1  }
0x4f: {  	v22 =	vsel vm2, v10, v12;
	v24 =	vsel vm2, v13, v17;
	v20 =	vsel vm0, v8, v20  }
0x50: {  	s9 =	sand.u32 $0xC00, s30;
	s0 =	sand.u32 $0x70, s6;
	vm5 =	veq.s32 v23, $0x0;
	[tilespmem:s28+$0x2300] =	vst v20;
	v20 =	vsel vm0, v28, v22;
	v22 =	vsel vm0, v46, v24  }
0x51: {  	s7 =	sor.u32 s0, s9;
	s0 =	sor.u32 s9, s6;
	v23 =	vsel vm4, v11, v16;
	v24 =	vsel vm3, v10, v12;
	[tilespmem:s28+$0x4300] =	vst v20;
	v20 =	vsel vm3, v15, v19  }
0x52: {  	v23 =	vsel vm5, v6, v23;
	[tilespmem:s28+$0x6300] =	vst v22;
	v20 =	vsel vm1, v9, v20;
	v22 =	vsel vm1, v28, v24  }
0x53: {  	v21 =	vsel vm5, v8, v21;
	v24 =	vsel vm4, v15, v19;
	[tilespmem:s28+$0x5280] =	vst v23;
	v23 =	vsel vm3, v11, v16  }
0x54: {  	[tilespmem:s28+$0x2280] =	vst v21;
	v21 =	vsel vm5, v9, v24;
	v24 =	vsel vm3, v14, v18;
	v23 =	vsel vm1, v6, v23  }
0x55: {  	v25 =	vsel vm4, v10, v12;
	v26 =	vsel vm4, v13, v17;
	v24 =	vsel vm1, v8, v24;
	[tilespmem:s28+$0x5380] =	vst v23  }
0x56: {  	v23 =	vsel vm5, v46, v26;
	[tilespmem:s28+$0x3280] =	vst v21;
	v21 =	vsel vm5, v28, v25;
	v25 =	vsel vm2, v15, v19  }
0x57: {  	v26 =	vsel vm2, v11, v16;
	v25 =	vsel vm0, v9, v25;
	[tilespmem:s28+$0x3380] =	vst v20;
	v20 =	vsel vm3, v13, v17  }
0x58: {  	[tilespmem:s28+$0x6280] =	vst v23;
	v23 =	vsel vm0, v6, v26;
	v20 =	vsel vm1, v46, v20  }
0x59: {  	[tilespmem:s28+$0x5300] =	vst v23  }
0x5a: {  	[tilespmem:s28+$0x6380] =	vst v20  }
0x5b: {  	[tilespmem:s28+$0x4280] =	vst v21  }
0x5c: {  	[tilespmem:s28+$0x4380] =	vst v22  }
0x5d: {  	s6 =	sor.u32 $0x380, s29;
	s29 =	smov.u32 s2;
	[tilespmem:s28+$0x2380] =	vst v24  }
0x5e: {  	[tilespmem:s28+$0x3300] =	vst v25  }
0x5f: {  	v20 =	vld [tilespmem:s6+$0x80];
	_ =	sdelay $0x4  }
0x60: {  	vm0 =	veq.s32 v20, $0x0;
	vm1 =	veq.s32 v20, $0x1  }
0x61: {  	v20 =	vsel vm1, v14, v18;
	v21 =	vsel vm1, v15, v19;
	v22 =	vsel vm1, v10, v12  }
0x62: {  	v20 =	vsel vm0, v8, v20;
	v21 =	vsel vm0, v9, v21;
	v22 =	vsel vm0, v28, v22  }
0x63: {  	v23 =	vsel vm1, v13, v17;
	[tilespmem:s6+$0x2080] =	vst v20;
	v20 =	vsel vm1, v11, v16  }
0x64: {  	v24 =	vld [tilespmem:s7+$0x180];
	[tilespmem:s28+$0x3400] =	vst v21;
	v20 =	vsel vm0, v6, v20;
	v21 =	vsel vm0, v46, v23  }
0x65: {  	v23 =	vld [tilespmem:s7+$0x100];
	[tilespmem:s28+$0x6400] =	vst v21  }
0x66: {  	[tilespmem:s28+$0x5400] =	vst v20  }
0x67: {  	[tilespmem:s28+$0x4400] =	vst v22;
	s28 =	smov.u32 s7;
	_ =	sdelay $0x1  }
0x68: {  	vm0 =	veq.s32 v24, $0x0  }
0x69: {  	vm3 =	veq.s32 v24, $0x1;
	vm1 =	veq.s32 v23, $0x0;
	vm2 =	veq.s32 v23, $0x1  }
0x6a: {  	v22 =	vsel vm3, v14, v18;
	v20 =	vsel vm2, v14, v18;
	v21 =	vsel vm2, v15, v19  }
0x6b: {  	v23 =	vsel vm2, v11, v16;
	v24 =	vsel vm2, v13, v17;
	v21 =	vsel vm1, v9, v21  }
.Ltmp0:
0x6c: {  	v25 =	vsel vm0, v8, v22;
	v22 =	vsel vm3, v15, v19;
	v20 =	vsel vm1, v8, v20;
	[tilespmem:s28+$0x3100] =	vst v21;
	(pc) =	sbr.rel @p1 .LBB2_3-.Ltmp0, $4  }
0x6d: {  	v26 =	vsel vm2, v10, v12;
	v27 =	vsel vm0, v9, v22;
	v21 =	vld [tilespmem:s28+$0x80];
	[tilespmem:s28+$0x2100] =	vst v20;
	v20 =	vsel vm1, v46, v24  }
0x6e: {  	v22 =	vsel vm1, v28, v26;
	v23 =	vsel vm1, v6, v23;
	v24 =	vsel vm3, v11, v16;
	[tilespmem:s28+$0x2180] =	vst v25  }
0x6f: {  	v24 =	vsel vm0, v6, v24;
	v25 =	vsel vm3, v13, v17;
	[tilespmem:s28+$0x5100] =	vst v23;
	v23 =	vsel vm3, v10, v12  }
0x70: {  	v25 =	vsel vm0, v46, v25;
	[tilespmem:s28+$0x3180] =	vst v27;
	v23 =	vsel vm0, v28, v23  }
0x71: {  	[tilespmem:s28+$0x6180] =	vst v25  }
0x72: {  	[tilespmem:s28+$0x5180] =	vst v24  }
0x73: {  	[tilespmem:s28+$0x4100] =	vst v22;
	vm0 =	veq.s32 v21, $0x1  }
0x74: {  	[tilespmem:s28+$0x4180] =	vst v23;
	vm1 =	veq.s32 v21, $0x0;
	v21 =	vsel vm0, v15, v19  }
0x75: {  	[tilespmem:s28+$0x6100] =	vst v20;
	v22 =	vsel vm0, v13, v17;
	v21 =	vsel vm1, v9, v21  }
0x76: {  	v20 =	vsel vm0, v11, v16;
	v22 =	vsel vm1, v46, v22;
	[tilespmem:s28+$0x3080] =	vst v21  }
0x77: {  	v20 =	vsel vm1, v6, v20;
	v21 =	vsel vm0, v10, v12;
	[tilespmem:s28+$0x6080] =	vst v22  }
0x78: {  	v22 =	vsel vm0, v14, v18;
	[tilespmem:s28+$0x5080] =	vst v20;
	v21 =	vsel vm1, v28, v21  }
0x79: {  	v20 =	vsel vm1, v8, v22;
	[tilespmem:s28+$0x4080] =	vst v21  }
0x7a: {  	s0 =	sor.u32 $0x180, s0;
	[tilespmem:s28+$0x2080] =	vst v20  }
0x7b: {  	v20 =	vld [tilespmem:s0+$0x80];
	_ =	sdelay $0x4  }
0x7c: {  	vm13 =	veq.s32 v20, $0x1  }
0x7d: {  	vm2 =	veq.s32 v20, $0x0;
	v20 =	vsel vm13, v14, v18  }
0x7e: {  	v20 =	vsel vm2, v8, v20  }
0x7f: {  	[tilespmem:s0+$0x2080] =	vst v20;
	v20 =	vsel vm13, v10, v12  }
0x80: {  	v20 =	vsel vm2, v28, v20  }
0x81: {  	v21 =	vsel vm13, v15, v19;
	[tilespmem:s28+$0x4200] =	vst v20;
	v20 =	vld [tilespmem:s28+$0x300]  }
0x82: {  	v21 =	vsel vm2, v9, v21  }
0x83: {  	[tilespmem:s28+$0x3200] =	vst v21;
	v21 =	vld [tilespmem:s28+$0x280]  }
0x84: {  	v22 =	vsel vm13, v11, v16  }
0x85: {  	v22 =	vsel vm2, v6, v22  }
0x86: {  	[tilespmem:s28+$0x5200] =	vst v22;
	v22 =	vsel vm13, v13, v17;
	v23 =	vld [tilespmem:s28+$0x380];
	vm14 =	veq.s32 v20, $0x1  }
0x87: {  	v22 =	vsel vm2, v46, v22;
	vm15 =	veq.s32 v20, $0x0;
	v20 =	vsel vm14, v14, v18  }
0x88: {  	[tilespmem:s28+$0x6200] =	vst v22;
	vm8 =	veq.s32 v21, $0x1;
	v24 =	vsel vm14, v13, v17;
	v20 =	vsel vm15, v8, v20  }
0x89: {  	vm3 =	veq.s32 v21, $0x0;
	v22 =	vsel vm14, v10, v12;
	v21 =	vsel vm15, v46, v24;
	[tilespmem:s28+$0x2300] =	vst v20  }
0x8a: {  	v20 =	vsel vm15, v28, v22;
	v22 =	vsel vm8, v11, v16;
	[tilespmem:s28+$0x6300] =	vst v21  }
0x8b: {  	vm4 =	veq.s32 v23, $0x1;
	[tilespmem:s28+$0x4300] =	vst v20;
	v20 =	vsel vm8, v14, v18;
	v22 =	vsel vm3, v6, v22  }
0x8c: {  	vm5 =	veq.s32 v23, $0x0;
	v21 =	vsel vm4, v11, v16;
	v20 =	vsel vm3, v8, v20;
	[tilespmem:s28+$0x5280] =	vst v22  }
0x8d: {  	v22 =	vsel vm8, v15, v19;
	[tilespmem:s28+$0x2280] =	vst v20;
	v20 =	vsel vm5, v6, v21  }
0x8e: {  	v21 =	vsel vm4, v15, v19;
	v22 =	vsel vm3, v9, v22;
	[tilespmem:s28+$0x5380] =	vst v20  }
0x8f: {  	v20 =	vsel vm5, v9, v21;
	v21 =	vsel vm8, v13, v17;
	[tilespmem:s28+$0x3280] =	vst v22  }
0x90: {  	v22 =	vsel vm14, v11, v16;
	v21 =	vsel vm3, v46, v21;
	[tilespmem:s28+$0x3380] =	vst v20  }
0x91: {  	v20 =	vsel vm4, v13, v17;
	[tilespmem:s28+$0x6280] =	vst v21;
	v21 =	vsel vm15, v6, v22  }
0x92: {  	v22 =	vsel vm8, v10, v12;
	v20 =	vsel vm5, v46, v20;
	[tilespmem:s28+$0x5300] =	vst v21  }
0x93: {  	v21 =	vsel vm4, v10, v12;
	v22 =	vsel vm3, v28, v22;
	[tilespmem:s28+$0x6380] =	vst v20  }
0x94: {  	v20 =	vsel vm5, v28, v21;
	v21 =	vsel vm4, v14, v18;
	[tilespmem:s28+$0x4280] =	vst v22  }
0x95: {  	v22 =	vsel vm14, v15, v19;
	v21 =	vsel vm5, v8, v21;
	[tilespmem:s28+$0x4380] =	vst v20  }
0x96: {  	v20 =	vsel vm15, v9, v22;
	[tilespmem:s28+$0x2380] =	vst v21  }
0x97: {  	s9 =	sor.u32 $0x380, s29;
	[tilespmem:s28+$0x3300] =	vst v20  }
0x98: {  	v20 =	vld [tilespmem:s9+$0x80];
	_ =	sdelay $0x4  }
0x99: {  	vm9 =	veq.s32 v20, $0x1  }
0x9a: {  	vm10 =	veq.s32 v20, $0x0;
	v20 =	vsel vm9, v14, v18  }
0x9b: {  	v21 =	vsel vm9, v15, v19;
	v20 =	vsel vm10, v8, v20  }
0x9c: {  	v22 =	vsel vm9, v11, v16;
	v21 =	vsel vm10, v9, v21;
	[tilespmem:s9+$0x2080] =	vst v20  }
0x9d: {  	v22 =	vsel vm10, v6, v22;
	v20 =	vsel vm9, v13, v17;
	[tilespmem:s28+$0x3400] =	vst v21  }
0x9e: {  	v20 =	vsel vm10, v46, v20;
	v21 =	vsel vm9, v10, v12;
	[tilespmem:s28+$0x5400] =	vst v22  }
0x9f: {  	s30 =	sadd.s32 s8, s25;
	[tilespmem:s28+$0x6400] =	vst v20;
	v20 =	vsel vm10, v28, v21  }
0xa0: {  	s29 =	sadd.s32 s3, s26;
	s0 =	sshrl.u32 s30, $0x3;
	[tilespmem:s28+$0x4400] =	vst v20  }
0xa1: {  	[hbm4b:s29+s15] =	stream.strided.scatter [tilespmem:s17], [sflag:$0x3], $0x5000, s16, s15, $0x38;
	[tilespmem:$0xC080] =	vst v63  }
0xa2: {  	s0 =	sadd.s32 s1, s0  }
0xa3: {  	[tilespmem:s11], [sflag:$0x1] =	stream.linear.gather [hbm4b:s0+s4], $0x1000, $0x38;
	[tilespmem:$0xC080] =	vst v63  }
0xa4: {  	_ =	swait.ge [sflag:s18], $0x1000  }
0xa5: {  	[sflag:s18] =	ssyncset.done $0x0  }
0xa6: {  	s0 =	simm.s32 @!p0 $0x4;
	[sflag:s18] =	ssyncadd.s32 $0xFFFFF000  }
0xa7: {  	s2 =	simm.s32 $0x0;
	_ =	swait.ge @!p0 [sflag:s0], $0x5000  }
0xa8: {  	s6 =	sand.u32 $0x70, s2;
	s2 =	sand.u32 $0xC00, s2;
	[sflag:s0] =	ssyncset.done @!p0 $0x0  }
0xa9: {  	s25 =	sor.u32 s6, s2;
	[sflag:s0] =	ssyncadd.s32 @!p0 $0xFFFFB000  }
0xaa: {  	v20 =	vld [tilespmem:s25+$0x1400]  }
0xab: {  	v21 =	vld [tilespmem:s25+$0x1080]  }
0xac: {  	v22 =	vld [tilespmem:s25+$0x1100]  }
0xad: {  	v23 =	vld [tilespmem:s25+$0x1180]  }
0xae: {  	v24 =	vld [tilespmem:s25+$0x1200]  }
0xaf: {  	v25 =	vld [tilespmem:s25+$0x1280]  }
0xb0: {  	v5 =	vmov v28;
	v28 =	vld [tilespmem:s25+$0x1380];
	_ =	sdelay $0x2  }
0xb1: {  	vm1 =	veq.s32 v20, $0x1;
	vm11 =	veq.s32 v21, $0x1;
	vm0 =	veq.s32 v20, $0x0  }
0xb2: {  	vm12 =	veq.s32 v22, $0x1;
	vm13 =	veq.s32 v23, $0x1;
	vm14 =	veq.s32 v24, $0x1  }
0xb3: {  	vm15 =	veq.s32 v25, $0x1;
	vm9 =	veq.s32 v28, $0x1;
	vm10 =	veq.s32 v21, $0x0  }
0xb4: {  	vm7 =	veq.s32 v24, $0x0;
	v26 =	vsel vm1, v13, v17;
	v27 =	vsel vm11, v14, v18  }
0xb5: {  	v29 =	vsel vm11, v15, v19;
	v30 =	vsel vm11, v10, v12;
	v31 =	vsel vm11, v11, v16  }
0xb6: {  	v32 =	vsel vm11, v13, v17;
	v33 =	vsel vm12, v14, v18;
	v34 =	vsel vm12, v15, v19  }
0xb7: {  	v35 =	vsel vm12, v10, v12;
	v36 =	vsel vm12, v11, v16;
	v37 =	vsel vm12, v13, v17  }
0xb8: {  	v38 =	vsel vm13, v14, v18;
	v39 =	vsel vm13, v15, v19;
	v40 =	vsel vm13, v10, v12  }
0xb9: {  	v41 =	vsel vm13, v11, v16;
	v42 =	vsel vm13, v13, v17;
	v43 =	vsel vm14, v14, v18  }
0xba: {  	v45 =	vsel vm14, v15, v19;
	v47 =	vsel vm14, v11, v16;
	v48 =	vsel vm14, v13, v17  }
0xbb: {  	v49 =	vsel vm15, v14, v18;
	v50 =	vsel vm15, v15, v19;
	v51 =	vsel vm15, v10, v12  }
0xbc: {  	v52 =	vsel vm15, v11, v16;
	v53 =	vsel vm15, v13, v17;
	v59 =	vsel vm9, v14, v18  }
0xbd: {  	v4 =	vld [tilespmem:$0x1FFF0];
	v60 =	vsel vm9, v15, v19;
	v61 =	vsel vm9, v10, v12;
	v62 =	vsel vm9, v11, v16  }
0xbe: {  	v63 =	vsel vm9, v13, v17;
	v1 =	vsel vm1, v14, v18;
	v0 =	vsel vm1, v15, v19  }
0xbf: {  	v21 =	vsel vm1, v10, v12;
	vm11 =	veq.s32 v22, $0x0;
	v2 =	vsel vm1, v11, v16  }
0xc0: {  	vm12 =	veq.s32 v23, $0x0;
	vm13 =	veq.s32 v25, $0x0;
	vm15 =	veq.s32 v28, $0x0  }
0xc1: {  	v26 =	vsel vm0, v46, v26;
	v46 =	vsel vm14, v10, v12;
	[tilespmem:$0x1FFC0] =	vst v0;
	v22 =	vsel vm10, v8, v27  }
0xc2: {  	v23 =	vsel vm10, v4, v32;
	v24 =	vsel vm11, v8, v33;
	v25 =	vsel vm11, v5, v35;
	[tilespmem:s25+$0xB400] =	vst v26  }
0xc3: {  	v44 =	vld [tilespmem:$0x1FFF0];
	v27 =	vsel vm12, v8, v38;
	v3 =	vsel vm12, v9, v39;
	v4 =	vsel vm12, v5, v40;
	[tilespmem:s25+$0x7080] =	vst v22  }
0xc4: {  	v20 =	vld [tilespmem:s25+$0x1300];
	v0 =	vsel vm12, v6, v41;
	v43 =	vsel vm7, v8, v43;
	v40 =	vsel vm7, v6, v47;
	[tilespmem:s25+$0xB080] =	vst v23  }
0xc5: {  	v7 =	vld [tilespmem:$0x1FFF0];
	v38 =	vsel vm13, v8, v49;
	v35 =	vsel vm13, v6, v52;
	v28 =	vsel vm15, v8, v59;
	[tilespmem:s25+$0x7100] =	vst v24  }
0xc6: {  	v21 =	vsel vm0, v5, v21;
	v22 =	vsel vm10, v9, v29;
	v41 =	vsel vm7, v5, v46;
	v46 =	vld [tilespmem:$0x1FFF0];
	[tilespmem:s25+$0x9100] =	vst v25  }
0xc7: {  	v26 =	vsel vm11, v6, v36;
	v36 =	vsel vm13, v5, v51;
	[tilespmem:s25+$0x7180] =	vst v27;
	v27 =	vsel vm15, v9, v60  }
0xc8: {  	v25 =	vsel vm15, v6, v62;
	v23 =	vsel vm0, v8, v1;
	[tilespmem:s25+$0x8080] =	vst v22;
	v22 =	vsel vm10, v6, v31  }
0xc9: {  	[tilespmem:s25+$0xA100] =	vst v26;
	v26 =	vsel vm15, v5, v61;
	vm6 =	veq.s32 v20, $0x1;
	vm14 =	veq.s32 v20, $0x0  }
0xca: {  	v20 =	vsel vm10, v5, v30;
	[tilespmem:s25+$0xA080] =	vst v22;
	v22 =	vsel vm11, v44, v37;
	v44 =	vsel vm12, v7, v42  }
0xcb: {  	[tilespmem:s25+$0x8180] =	vst v3;
	v42 =	vsel vm7, v9, v45;
	v37 =	vsel vm13, v9, v50;
	v24 =	vsel vm15, v46, v63;
	v63 =	vld [tilespmem:$0x1FFC0]  }
0xcc: {  	[tilespmem:s25+$0x9180] =	vst v4;
	v54 =	vsel vm6, v14, v18;
	v55 =	vsel vm6, v15, v19;
	v56 =	vsel vm6, v10, v12  }
0xcd: {  	v57 =	vsel vm6, v11, v16;
	v58 =	vsel vm6, v13, v17;
	[tilespmem:s25+$0x9080] =	vst v20;
	v20 =	vsel vm11, v9, v34  }
0xce: {  	[tilespmem:s25+$0xA180] =	vst v0;
	v33 =	vsel vm14, v8, v54;
	v32 =	vsel vm14, v9, v55;
	v31 =	vsel vm14, v5, v56  }
0xcf: {  	s31 =	simm.s32 $0x10;
	s26 =	simm.s32 $0x80;
	[tilespmem:s25+$0x8100] =	vst v20;
	v30 =	vsel vm14, v6, v57;
	v20 =	vsel vm0, v6, v2;
	v39 =	vsel vm7, v46, v48  }
0xd0: {  	s2 =	sand.u32 $0xC00, s26;
	s28 =	simm.s32 $0x20;
	s0 =	sand.u32 $0x70, s31;
	[tilespmem:s25+$0xB100] =	vst v22;
	v34 =	vsel vm13, v46, v53;
	v29 =	vsel vm14, v46, v58;
	v22 =	vsel vm0, v9, v63  }
.LBB2_5:
0xd1: {  	s0 =	sor.u32 s0, s2;
	[tilespmem:s25+$0xB180] =	vst v44  }
0xd2: {  	v0 =	vld [tilespmem:s0+$0x1400];
	[tilespmem:s25+$0x7200] =	vst v43  }
0xd3: {  	v1 =	vld [tilespmem:s0+$0x1080];
	[tilespmem:s25+$0x8200] =	vst v42  }
0xd4: {  	v2 =	vld [tilespmem:s0+$0x1100];
	[tilespmem:s25+$0x9200] =	vst v41  }
0xd5: {  	v3 =	vld [tilespmem:s0+$0x1180];
	[tilespmem:s25+$0xA200] =	vst v40  }
0xd6: {  	v4 =	vld [tilespmem:s0+$0x1200];
	[tilespmem:s25+$0xB200] =	vst v39  }
0xd7: {  	v39 =	vld [tilespmem:s0+$0x1280];
	vm1 =	veq.s32 v0, $0x1;
	[tilespmem:s25+$0x7280] =	vst v38  }
0xd8: {  	vm0 =	veq.s32 v0, $0x0;
	v38 =	vld [tilespmem:s0+$0x1300];
	v63 =	vsel vm1, v13, v17;
	[tilespmem:s25+$0x8280] =	vst v37  }
0xd9: {  	v40 =	vld [tilespmem:s0+$0x1380];
	v0 =	vsel vm0, v46, v63;
	[tilespmem:s25+$0x9280] =	vst v36  }
0xda: {  	[tilespmem:s0+$0xB400] =	vst v0  }
0xdb: {  	[tilespmem:s25+$0xA280] =	vst v35  }
0xdc: {  	[tilespmem:s25+$0xB280] =	vst v34  }
0xdd: {  	[tilespmem:s25+$0x7300] =	vst v33  }
0xde: {  	vm2 =	veq.s32 v1, $0x1;
	v62 =	vsel vm1, v14, v18;
	[tilespmem:s25+$0x8300] =	vst v32  }
0xdf: {  	v5 =	vsel vm1, v10, v12;
	vm9 =	veq.s32 v1, $0x0;
	v1 =	vsel vm1, v11, v16;
	[tilespmem:s25+$0x9300] =	vst v31  }
0xe0: {  	v37 =	vsel vm2, v14, v18;
	vm5 =	veq.s32 v2, $0x1;
	v36 =	vsel vm2, v15, v19;
	[tilespmem:s25+$0xA300] =	vst v30  }
0xe1: {  	v41 =	vsel vm2, v10, v12;
	v42 =	vsel vm2, v13, v17;
	v63 =	vsel vm1, v15, v19;
	[tilespmem:s25+$0xB300] =	vst v29  }
0xe2: {  	v6 =	vld [tilespmem:$0x1FFD0];
	vm10 =	veq.s32 v2, $0x0;
	vm6 =	veq.s32 v3, $0x1;
	v0 =	vsel vm2, v11, v16;
	[tilespmem:s25+$0x7380] =	vst v28  }
0xe3: {  	v7 =	vld [tilespmem:$0x1FFE0];
	v43 =	vsel vm5, v15, v19;
	v44 =	vsel vm5, v11, v16;
	vm11 =	veq.s32 v3, $0x0;
	[tilespmem:s25+$0x8380] =	vst v27  }
0xe4: {  	v36 =	vsel vm9, v9, v36;
	vm7 =	veq.s32 v4, $0x1;
	v35 =	vsel vm5, v14, v18;
	[tilespmem:s25+$0x9380] =	vst v26  }
0xe5: {  	v34 =	vsel vm5, v10, v12;
	v33 =	vsel vm5, v13, v17;
	v45 =	vsel vm6, v14, v18;
	[tilespmem:s25+$0xA380] =	vst v25  }
0xe6: {  	v32 =	vsel vm6, v15, v19;
	v46 =	vsel vm6, v10, v12;
	v47 =	vsel vm6, v11, v16;
	[tilespmem:s25+$0xB380] =	vst v24  }
0xe7: {  	v31 =	vsel vm6, v13, v17;
	[tilespmem:s25+$0x7400] =	vst v23;
	vm12 =	veq.s32 v4, $0x0;
	v4 =	vsel vm9, v8, v37  }
0xe8: {  	[tilespmem:s25+$0xA400] =	vst v20;
	v37 =	vsel vm9, v6, v41;
	v0 =	vsel vm9, v7, v0;
	v20 =	vsel vm10, v9, v43  }
0xe9: {  	[tilespmem:s25+$0x9400] =	vst v21;
	v21 =	vsel vm10, v7, v44;
	vm4 =	veq.s32 v39, $0x1;
	v48 =	vsel vm7, v14, v18  }
0xea: {  	[tilespmem:s25+$0x8400] =	vst v22;
	s25 =	smov.u32 s0;
	v49 =	vsel vm7, v15, v19;
	v30 =	vsel vm7, v10, v12;
	v50 =	vsel vm7, v11, v16  }
0xeb: {  	v51 =	vsel vm7, v13, v17;
	vm13 =	veq.s32 v39, $0x0;
	v39 =	vsel vm10, v8, v35;
	[tilespmem:s25+$0xA080] =	vst v0  }
0xec: {  	v35 =	vsel vm10, v6, v34;
	v0 =	vsel vm11, v8, v45;
	v23 =	vsel vm11, v9, v32;
	[tilespmem:s25+$0x8100] =	vst v20  }
0xed: {  	v45 =	vsel vm11, v6, v46;
	[tilespmem:s25+$0xA100] =	vst v21;
	v21 =	vsel vm0, v6, v5;
	v20 =	vsel vm0, v7, v1  }
0xee: {  	vm3 =	veq.s32 v38, $0x1;
	v29 =	vsel vm4, v14, v18;
	v52 =	vsel vm4, v15, v19  }
0xef: {  	v53 =	vsel vm4, v10, v12;
	v28 =	vsel vm4, v11, v16;
	v54 =	vsel vm4, v13, v17  }
0xf0: {  	vm14 =	veq.s32 v38, $0x0;
	v43 =	vsel vm12, v8, v48;
	v41 =	vsel vm12, v6, v30  }
0xf1: {  	[tilespmem:s25+$0x8180] =	vst v23;
	v23 =	vsel vm0, v8, v62;
	vm8 =	veq.s32 v40, $0x1;
	v55 =	vsel vm3, v14, v18  }
0xf2: {  	v22 =	vld [tilespmem:$0x1FFF0];
	[tilespmem:s25+$0x8080] =	vst v36;
	v27 =	vsel vm3, v15, v19;
	v56 =	vsel vm3, v10, v12;
	v57 =	vsel vm3, v11, v16  }
0xf3: {  	[tilespmem:s25+$0x9080] =	vst v37;
	v46 =	vld [tilespmem:$0x1FFF0];
	v26 =	vsel vm3, v13, v17;
	vm15 =	veq.s32 v40, $0x0;
	v40 =	vsel vm12, v7, v50  }
0xf4: {  	[tilespmem:s25+$0x9100] =	vst v35;
	v37 =	vsel vm13, v9, v52;
	v36 =	vsel vm13, v6, v53;
	v35 =	vsel vm13, v7, v28  }
0xf5: {  	v38 =	vld [tilespmem:$0x1FFF0];
	v58 =	vsel vm8, v14, v18;
	v59 =	vsel vm8, v15, v19;
	v25 =	vsel vm8, v10, v12  }
0xf6: {  	[tilespmem:s25+$0x7080] =	vst v4;
	v60 =	vsel vm8, v11, v16;
	v61 =	vsel vm8, v13, v17;
	v32 =	vsel vm14, v9, v27  }
0xf7: {  	p0 =	sne.s32 s28, $0x1F0;
	[tilespmem:s25+$0x7100] =	vst v39;
	v30 =	vsel vm14, v7, v57;
	v22 =	vsel vm10, v22, v33;
	v33 =	vsel vm14, v8, v55  }
.Ltmp1:
0xf8: {  	[tilespmem:s25+$0x7180] =	vst v0;
	v28 =	vsel vm15, v8, v58;
	v27 =	vsel vm15, v9, v59;
	v44 =	vsel vm11, v46, v31;
	(pc) =	sbr.rel @p0 .LBB2_5-.Ltmp1, $4  }
0xf9: {  	[tilespmem:s25+$0x9180] =	vst v45;
	v39 =	vsel vm12, v46, v51;
	v34 =	vsel vm13, v46, v54;
	v31 =	vsel vm14, v6, v56  }
0xfa: {  	[tilespmem:s25+$0xB100] =	vst v22;
	v24 =	vsel vm15, v46, v61;
	v22 =	vsel vm0, v9, v63;
	v2 =	vsel vm9, v38, v42  }
0xfb: {  	s26 =	sadd.s32 $0x80, s26;
	v42 =	vsel vm12, v9, v49;
	v38 =	vsel vm13, v8, v29;
	[tilespmem:s25+$0xB080] =	vst v2;
	v2 =	vsel vm11, v7, v47  }
0xfc: {  	s2 =	sand.u32 $0xC00, s26;
	s0 =	sand.u32 $0x70, s28;
	s28 =	sadd.s32 $0x10, s28;
	v29 =	vsel vm14, v46, v26;
	v26 =	vsel vm15, v6, v25;
	v25 =	vsel vm15, v7, v60;
	[tilespmem:s25+$0xA180] =	vst v2  }
0xfd: {  	s0 =	sor.u32 s0, s2;
	[tilespmem:s25+$0xB180] =	vst v44  }
0xfe: {  	v0 =	vld [tilespmem:s0+$0x1400];
	[tilespmem:s25+$0x7200] =	vst v43  }
0xff: {  	v1 =	vld [tilespmem:s0+$0x1080];
	[tilespmem:s25+$0x8200] =	vst v42  }
0x100: {  	v2 =	vld [tilespmem:s0+$0x1100];
	[tilespmem:s25+$0x9200] =	vst v41  }
0x101: {  	v3 =	vld [tilespmem:s0+$0x1180];
	[tilespmem:s25+$0xA200] =	vst v40  }
0x102: {  	v4 =	vld [tilespmem:s0+$0x1200];
	[tilespmem:s25+$0xB200] =	vst v39  }
0x103: {  	v5 =	vld [tilespmem:s0+$0x1280];
	[tilespmem:s25+$0x7280] =	vst v38;
	vm1 =	veq.s32 v0, $0x1  }
0x104: {  	vm0 =	veq.s32 v0, $0x0;
	v38 =	vld [tilespmem:s0+$0x1300];
	[tilespmem:s25+$0x8280] =	vst v37;
	v58 =	vsel vm1, v13, v17  }
0x105: {  	v37 =	vld [tilespmem:s0+$0x1380];
	v0 =	vsel vm0, v46, v58;
	[tilespmem:s25+$0x9280] =	vst v36  }
0x106: {  	[tilespmem:s0+$0xB400] =	vst v0  }
0x107: {  	[tilespmem:s25+$0xA280] =	vst v35  }
0x108: {  	[tilespmem:s25+$0xB280] =	vst v34  }
0x109: {  	[tilespmem:s25+$0x7300] =	vst v33  }
0x10a: {  	[tilespmem:s25+$0x8300] =	vst v32  }
0x10b: {  	[tilespmem:s25+$0x9300] =	vst v31  }
0x10c: {  	[tilespmem:s25+$0xA300] =	vst v30  }
0x10d: {  	[tilespmem:s25+$0xB300] =	vst v29  }
0x10e: {  	[tilespmem:s25+$0x7380] =	vst v28  }
0x10f: {  	[tilespmem:s25+$0x8380] =	vst v27  }
0x110: {  	[tilespmem:s25+$0x9380] =	vst v26  }
0x111: {  	[tilespmem:s25+$0xA380] =	vst v25  }
0x112: {  	[tilespmem:s25+$0xB380] =	vst v24  }
0x113: {  	v6 =	vld [tilespmem:$0x1FFE0];
	[tilespmem:s25+$0x7400] =	vst v23  }
0x114: {  	vm2 =	veq.s32 v1, $0x1;
	[tilespmem:s25+$0x8400] =	vst v22  }
0x115: {  	vm3 =	veq.s32 v1, $0x0;
	v59 =	vsel vm2, v14, v18;
	[tilespmem:s25+$0x9400] =	vst v21  }
0x116: {  	v60 =	vsel vm2, v15, v19;
	v0 =	vsel vm3, v8, v59;
	[tilespmem:s25+$0xA400] =	vst v20  }
0x117: {  	v62 =	vsel vm2, v11, v16;
	v61 =	vsel vm3, v9, v60;
	[tilespmem:s0+$0x7080] =	vst v0  }
0x118: {  	vm4 =	veq.s32 v2, $0x1;
	v63 =	vsel vm2, v13, v17;
	v1 =	vsel vm3, v6, v62;
	v28 =	vld [tilespmem:$0x1FFD0];
	[tilespmem:s0+$0x8080] =	vst v61  }
0x119: {  	vm13 =	veq.s32 v2, $0x0;
	v22 =	vsel vm4, v15, v19;
	v0 =	vsel vm3, v46, v63;
	[tilespmem:s0+$0xA080] =	vst v1  }
0x11a: {  	v62 =	vsel vm1, v11, v16;
	v1 =	vsel vm13, v9, v22;
	[tilespmem:s0+$0xB080] =	vst v0  }
0x11b: {  	v25 =	vsel vm4, v13, v17;
	v63 =	vsel vm0, v6, v62;
	[tilespmem:s0+$0x8100] =	vst v1  }
0x11c: {  	v20 =	vsel vm2, v10, v12;
	v1 =	vsel vm13, v46, v25;
	[tilespmem:s0+$0xA400] =	vst v63  }
0x11d: {  	vm14 =	veq.s32 v3, $0x1;
	v23 =	vsel vm4, v10, v12;
	[tilespmem:s0+$0xB100] =	vst v1;
	v20 =	vsel vm3, v28, v20  }
0x11e: {  	vm15 =	veq.s32 v3, $0x0;
	v33 =	vsel vm14, v10, v12;
	v0 =	vsel vm13, v28, v23;
	[tilespmem:s0+$0x9080] =	vst v20  }
0x11f: {  	v26 =	vsel vm14, v14, v18;
	vm8 =	veq.s32 v4, $0x1;
	v1 =	vsel vm15, v28, v33;
	[tilespmem:s0+$0x9100] =	vst v0  }
0x120: {  	vm9 =	veq.s32 v4, $0x0;
	v36 =	vsel vm8, v14, v18;
	v0 =	vsel vm15, v8, v26;
	[tilespmem:s0+$0x9180] =	vst v1  }
0x121: {  	v20 =	vsel vm4, v14, v18;
	v1 =	vsel vm9, v8, v36;
	[tilespmem:s0+$0x7180] =	vst v0  }
0x122: {  	v34 =	vsel vm14, v11, v16;
	v2 =	vsel vm13, v8, v20;
	[tilespmem:s0+$0x7200] =	vst v1  }
0x123: {  	v41 =	vsel vm8, v11, v16;
	v0 =	vsel vm15, v6, v34;
	[tilespmem:s0+$0x7100] =	vst v2  }
0x124: {  	v24 =	vsel vm4, v11, v16;
	v1 =	vsel vm9, v6, v41;
	[tilespmem:s0+$0xA180] =	vst v0  }
0x125: {  	v39 =	vsel vm8, v15, v19;
	vm10 =	veq.s32 v5, $0x1;
	v2 =	vsel vm13, v6, v24;
	[tilespmem:s0+$0xA200] =	vst v1  }
0x126: {  	vm11 =	veq.s32 v5, $0x0;
	v44 =	vsel vm10, v15, v19;
	v0 =	vsel vm9, v9, v39;
	[tilespmem:s0+$0xA100] =	vst v2  }
0x127: {  	v32 =	vsel vm14, v15, v19;
	v1 =	vsel vm11, v9, v44;
	[tilespmem:s0+$0x8200] =	vst v0  }
0x128: {  	v42 =	vsel vm8, v13, v17;
	v2 =	vsel vm15, v9, v32;
	[tilespmem:s0+$0x8280] =	vst v1  }
0x129: {  	v48 =	vsel vm10, v13, v17;
	v0 =	vsel vm9, v46, v42;
	[tilespmem:s0+$0x8180] =	vst v2  }
0x12a: {  	v35 =	vsel vm14, v13, v17;
	v1 =	vsel vm11, v46, v48;
	[tilespmem:s0+$0xB200] =	vst v0  }
0x12b: {  	v45 =	vsel vm10, v10, v12;
	vm12 =	veq.s32 v38, $0x1;
	v2 =	vsel vm15, v46, v35;
	[tilespmem:s0+$0xB280] =	vst v1  }
0x12c: {  	v51 =	vsel vm12, v10, v12;
	vm13 =	veq.s32 v38, $0x0;
	v0 =	vsel vm11, v28, v45;
	[tilespmem:s0+$0xB180] =	vst v2  }
0x12d: {  	v40 =	vsel vm8, v10, v12;
	v1 =	vsel vm13, v28, v51;
	[tilespmem:s0+$0x9280] =	vst v0  }
0x12e: {  	v49 =	vsel vm12, v14, v18;
	vm14 =	veq.s32 v37, $0x1;
	v2 =	vsel vm9, v28, v40;
	[tilespmem:s0+$0x9300] =	vst v1  }
0x12f: {  	v54 =	vsel vm14, v14, v18;
	vm15 =	veq.s32 v37, $0x0;
	v0 =	vsel vm13, v8, v49;
	[tilespmem:s0+$0x9200] =	vst v2  }
0x130: {  	v43 =	vsel vm10, v14, v18;
	v1 =	vsel vm15, v8, v54;
	[tilespmem:s0+$0x7300] =	vst v0  }
0x131: {  	v52 =	vsel vm12, v11, v16;
	v2 =	vsel vm11, v8, v43;
	[tilespmem:s0+$0x7380] =	vst v1  }
0x132: {  	v57 =	vsel vm14, v11, v16;
	v0 =	vsel vm13, v6, v52;
	[tilespmem:s0+$0x7280] =	vst v2  }
0x133: {  	v47 =	vsel vm10, v11, v16;
	v1 =	vsel vm15, v6, v57;
	[tilespmem:s0+$0xA300] =	vst v0  }
0x134: {  	v55 =	vsel vm14, v15, v19;
	v2 =	vsel vm11, v6, v47;
	[tilespmem:s0+$0xA380] =	vst v1  }
0x135: {  	v60 =	vsel vm1, v15, v19;
	v0 =	vsel vm15, v9, v55;
	[tilespmem:s0+$0xA280] =	vst v2  }
0x136: {  	v50 =	vsel vm12, v15, v19;
	v1 =	vsel vm0, v9, v60;
	[tilespmem:s0+$0x8380] =	vst v0  }
0x137: {  	v58 =	vsel vm14, v13, v17;
	v2 =	vsel vm13, v9, v50;
	[tilespmem:s0+$0x8400] =	vst v1  }
0x138: {  	s23 =	sadd.s32 $0x1, s23;
	v53 =	vsel vm12, v13, v17;
	v0 =	vsel vm15, v46, v58;
	[tilespmem:s0+$0x8300] =	vst v2  }
0x139: {  	p0 =	sne.s32 s23, $0xC;
	v61 =	vsel vm1, v10, v12;
	v2 =	vsel vm13, v46, v53;
	[tilespmem:s0+$0xB380] =	vst v0  }
.Ltmp2:
0x13a: {  	v56 =	vsel vm14, v10, v12;
	v0 =	vsel vm0, v28, v61;
	[tilespmem:s0+$0xB300] =	vst v2;
	(pc) =	sbr.rel @p0 .LBB2_2-.Ltmp2, $4  }
0x13b: {  	v59 =	vsel vm1, v14, v18;
	v2 =	vsel vm15, v28, v56;
	[tilespmem:s0+$0x9400] =	vst v0  }
0x13c: {  	[tilespmem:s0+$0x9380] =	vst v2;
	v2 =	vsel vm0, v8, v59  }
0x13d: {  	s31 =	sadd.s32 s3, s24;
	[tilespmem:s0+$0x7400] =	vst v2  }
0x13e: {  	[hbm4b:s31+s15] =	stream.strided.scatter [tilespmem:s19], [sflag:$0x4], $0x5000, s16, s15, $0x38;
	[tilespmem:$0xC080] =	vst v63  }
0x13f: {  	_ =	swait.ge [sflag:s14], $0x1000  }
0x140: {  	[sflag:s14] =	ssyncset.done $0x0  }
0x141: {  	[sflag:s14] =	ssyncadd.s32 $0xFFFFF000  }
0x142: {  	s25 =	simm.s32 $0x0;
	_ =	swait.ge [sflag:s20], $0x5000  }
0x143: {  	s0 =	sand.u32 $0x70, s25;
	s2 =	sand.u32 $0xC00, s25;
	[sflag:s20] =	ssyncset.done $0x0  }
0x144: {  	s23 =	sor.u32 s0, s2;
	[sflag:s20] =	ssyncadd.s32 $0xFFFFB000  }
0x145: {  	v0 =	vld [tilespmem:s23+$0x100]  }
0x146: {  	v1 =	vld [tilespmem:s23+$0x180];
	_ =	sdelay $0x4  }
0x147: {  	vm0 =	veq.s32 v0, $0x1;
	vm1 =	veq.s32 v0, $0x0;
	vm2 =	veq.s32 v1, $0x0  }
0x148: {  	vm3 =	veq.s32 v1, $0x1;
	v55 =	vsel vm0, v15, v19;
	v56 =	vsel vm0, v14, v18  }
0x149: {  	v2 =	vsel vm3, v14, v18;
	v3 =	vsel vm0, v11, v16;
	v0 =	vsel vm1, v9, v55  }
0x14a: {  	v57 =	vsel vm0, v13, v17;
	v4 =	vsel vm3, v15, v19;
	v1 =	vsel vm1, v8, v56;
	[tilespmem:s23+$0x3100] =	vst v0  }
0x14b: {  	v58 =	vsel vm0, v10, v12;
	v61 =	vsel vm3, v11, v16;
	v2 =	vsel vm2, v8, v2;
	[tilespmem:s23+$0x2100] =	vst v1  }
0x14c: {  	v21 =	vld [tilespmem:s23+$0x80];
	v62 =	vsel vm3, v10, v12;
	v63 =	vsel vm3, v13, v17;
	v60 =	vsel vm1, v6, v3;
	[tilespmem:s23+$0x2180] =	vst v2  }
0x14d: {  	v20 =	vsel vm1, v46, v57;
	v59 =	vsel vm2, v9, v4;
	v22 =	vsel vm1, v28, v58;
	[tilespmem:s23+$0x5100] =	vst v60  }
0x14e: {  	s26 =	simm.s32 $0x10;
	s24 =	sor.u32 s25, s25;
	s0 =	sor.u32 s2, s25;
	v24 =	vsel vm2, v6, v61;
	v23 =	vsel vm2, v28, v62;
	v25 =	vsel vm2, v46, v63;
	[tilespmem:s23+$0x3180] =	vst v59  }
.LBB2_8:
0x14f: {  	p0 =	sne.s32 s26, $0x1F0  }
0x150: {  	[tilespmem:s23+$0x6180] =	vst v25;
	s25 =	sadd.s32 $0x80, s25;
	s6 =	smov.u32 s26;
	s26 =	sadd.s32 $0x10, s26  }
0x151: {  	s2 =	sor.u32 s25, s6;
	vm0 =	veq.s32 v21, $0x0;
	vm1 =	veq.s32 v21, $0x1;
	[tilespmem:s23+$0x5180] =	vst v24  }
0x152: {  	v0 =	vsel vm1, v14, v18;
	v1 =	vsel vm1, v15, v19;
	v2 =	vsel vm1, v13, v17;
	[tilespmem:s23+$0x4100] =	vst v22  }
0x153: {  	v3 =	vsel vm1, v10, v12;
	v4 =	vsel vm1, v11, v16;
	v1 =	vsel vm0, v9, v1;
	[tilespmem:s23+$0x4180] =	vst v23  }
0x154: {  	v0 =	vsel vm0, v8, v0;
	v4 =	vsel vm0, v6, v4;
	v2 =	vsel vm0, v46, v2;
	[tilespmem:s23+$0x6100] =	vst v20  }
0x155: {  	[tilespmem:s23+$0x3080] =	vst v1;
	v1 =	vsel vm0, v28, v3  }
0x156: {  	[tilespmem:s23+$0x6080] =	vst v2  }
0x157: {  	[tilespmem:s23+$0x5080] =	vst v4  }
0x158: {  	[tilespmem:s23+$0x4080] =	vst v1  }
0x159: {  	s0 =	sor.u32 $0x180, s0;
	[tilespmem:s23+$0x2080] =	vst v0  }
0x15a: {  	v0 =	vld [tilespmem:s0+$0x80];
	_ =	sdelay $0x4  }
0x15b: {  	vm0 =	veq.s32 v0, $0x1  }
0x15c: {  	vm1 =	veq.s32 v0, $0x0;
	v0 =	vsel vm0, v14, v18;
	v1 =	vsel vm0, v15, v19  }
0x15d: {  	v2 =	vsel vm0, v11, v16;
	v0 =	vsel vm1, v8, v0;
	v1 =	vsel vm1, v9, v1  }
0x15e: {  	v3 =	vsel vm0, v13, v17;
	v2 =	vsel vm1, v6, v2;
	[tilespmem:s0+$0x2080] =	vst v0;
	v0 =	vsel vm0, v10, v12  }
0x15f: {  	[tilespmem:s23+$0x3200] =	vst v1;
	v0 =	vsel vm1, v28, v0;
	v1 =	vsel vm1, v46, v3;
	v3 =	vld [tilespmem:s23+$0x280]  }
0x160: {  	[tilespmem:s23+$0x4200] =	vst v0;
	v0 =	vld [tilespmem:s23+$0x300]  }
0x161: {  	[tilespmem:s23+$0x5200] =	vst v2;
	v2 =	vld [tilespmem:s23+$0x380]  }
0x162: {  	[tilespmem:s23+$0x6200] =	vst v1;
	_ =	sdelay $0x1  }
0x163: {  	vm4 =	veq.s32 v3, $0x1  }
0x164: {  	v1 =	vsel vm4, v14, v18;
	vm0 =	veq.s32 v0, $0x0;
	vm2 =	veq.s32 v0, $0x1  }
0x165: {  	v0 =	vsel vm2, v14, v18;
	vm1 =	veq.s32 v2, $0x0;
	vm3 =	veq.s32 v2, $0x1  }
0x166: {  	v2 =	vsel vm2, v10, v12;
	v4 =	vsel vm2, v13, v17;
	v0 =	vsel vm0, v8, v0  }
0x167: {  	s9 =	sand.u32 $0xC00, s25;
	s0 =	sand.u32 $0x70, s6;
	vm5 =	veq.s32 v3, $0x0;
	[tilespmem:s23+$0x2300] =	vst v0;
	v0 =	vsel vm0, v28, v2;
	v2 =	vsel vm0, v46, v4  }
0x168: {  	s7 =	sor.u32 s0, s9;
	s0 =	sor.u32 s9, s6;
	v3 =	vsel vm4, v11, v16;
	v4 =	vsel vm3, v10, v12;
	[tilespmem:s23+$0x4300] =	vst v0;
	v0 =	vsel vm3, v15, v19  }
0x169: {  	v3 =	vsel vm5, v6, v3;
	[tilespmem:s23+$0x6300] =	vst v2;
	v0 =	vsel vm1, v9, v0;
	v2 =	vsel vm1, v28, v4  }
0x16a: {  	v1 =	vsel vm5, v8, v1;
	v4 =	vsel vm4, v15, v19;
	[tilespmem:s23+$0x5280] =	vst v3;
	v3 =	vsel vm3, v11, v16  }
0x16b: {  	[tilespmem:s23+$0x2280] =	vst v1;
	v1 =	vsel vm5, v9, v4;
	v4 =	vsel vm3, v14, v18;
	v3 =	vsel vm1, v6, v3  }
0x16c: {  	v5 =	vsel vm4, v10, v12;
	v20 =	vsel vm4, v13, v17;
	v4 =	vsel vm1, v8, v4;
	[tilespmem:s23+$0x5380] =	vst v3  }
0x16d: {  	v3 =	vsel vm5, v46, v20;
	[tilespmem:s23+$0x3280] =	vst v1;
	v1 =	vsel vm5, v28, v5;
	v5 =	vsel vm2, v15, v19  }
0x16e: {  	v20 =	vsel vm2, v11, v16;
	v5 =	vsel vm0, v9, v5;
	[tilespmem:s23+$0x3380] =	vst v0;
	v0 =	vsel vm3, v13, v17  }
0x16f: {  	[tilespmem:s23+$0x6280] =	vst v3;
	v3 =	vsel vm0, v6, v20;
	v0 =	vsel vm1, v46, v0  }
0x170: {  	[tilespmem:s23+$0x5300] =	vst v3  }
0x171: {  	[tilespmem:s23+$0x6380] =	vst v0  }
0x172: {  	[tilespmem:s23+$0x4280] =	vst v1  }
0x173: {  	[tilespmem:s23+$0x4380] =	vst v2  }
0x174: {  	s6 =	sor.u32 $0x380, s24;
	s24 =	smov.u32 s2;
	[tilespmem:s23+$0x2380] =	vst v4  }
0x175: {  	[tilespmem:s23+$0x3300] =	vst v5  }
0x176: {  	v0 =	vld [tilespmem:s6+$0x80];
	_ =	sdelay $0x4  }
0x177: {  	vm0 =	veq.s32 v0, $0x0;
	vm1 =	veq.s32 v0, $0x1  }
0x178: {  	v0 =	vsel vm1, v14, v18;
	v1 =	vsel vm1, v15, v19;
	v2 =	vsel vm1, v10, v12  }
0x179: {  	v0 =	vsel vm0, v8, v0;
	v1 =	vsel vm0, v9, v1;
	v2 =	vsel vm0, v28, v2  }
0x17a: {  	v3 =	vsel vm1, v13, v17;
	[tilespmem:s6+$0x2080] =	vst v0;
	v0 =	vsel vm1, v11, v16  }
0x17b: {  	v4 =	vld [tilespmem:s7+$0x180];
	[tilespmem:s23+$0x3400] =	vst v1;
	v0 =	vsel vm0, v6, v0;
	v1 =	vsel vm0, v46, v3  }
0x17c: {  	v3 =	vld [tilespmem:s7+$0x100];
	[tilespmem:s23+$0x6400] =	vst v1  }
0x17d: {  	[tilespmem:s23+$0x5400] =	vst v0  }
0x17e: {  	[tilespmem:s23+$0x4400] =	vst v2;
	s23 =	smov.u32 s7;
	_ =	sdelay $0x1  }
0x17f: {  	vm0 =	veq.s32 v4, $0x0  }
0x180: {  	vm3 =	veq.s32 v4, $0x1;
	vm1 =	veq.s32 v3, $0x0;
	vm2 =	veq.s32 v3, $0x1  }
0x181: {  	v2 =	vsel vm3, v14, v18;
	v0 =	vsel vm2, v14, v18;
	v1 =	vsel vm2, v15, v19  }
0x182: {  	v3 =	vsel vm2, v11, v16;
	v4 =	vsel vm2, v13, v17;
	v1 =	vsel vm1, v9, v1  }
.Ltmp3:
0x183: {  	v0 =	vsel vm1, v8, v0;
	[tilespmem:s23+$0x3100] =	vst v1;
	v1 =	vsel vm0, v8, v2;
	v2 =	vsel vm3, v15, v19;
	(pc) =	sbr.rel @p0 .LBB2_8-.Ltmp3, $4  }
0x184: {  	v20 =	vsel vm1, v46, v4;
	v21 =	vld [tilespmem:s23+$0x80];
	[tilespmem:s23+$0x2100] =	vst v0;
	v0 =	vsel vm2, v10, v12;
	v2 =	vsel vm0, v9, v2  }
0x185: {  	v22 =	vsel vm1, v28, v0;
	v0 =	vsel vm1, v6, v3;
	[tilespmem:s23+$0x2180] =	vst v1;
	v1 =	vsel vm3, v11, v16  }
0x186: {  	[tilespmem:s23+$0x5100] =	vst v0;
	v0 =	vsel vm3, v10, v12;
	v24 =	vsel vm0, v6, v1;
	v1 =	vsel vm3, v13, v17  }
0x187: {  	[tilespmem:s23+$0x3180] =	vst v2;
	v23 =	vsel vm0, v28, v0;
	v25 =	vsel vm0, v46, v1  }
0x188: {  	[tilespmem:s23+$0x6180] =	vst v25  }
0x189: {  	[tilespmem:s23+$0x5180] =	vst v24  }
0x18a: {  	[tilespmem:s23+$0x4100] =	vst v22;
	vm0 =	veq.s32 v21, $0x1  }
0x18b: {  	[tilespmem:s23+$0x4180] =	vst v23;
	vm1 =	veq.s32 v21, $0x0;
	v0 =	vsel vm0, v15, v19  }
0x18c: {  	[tilespmem:s23+$0x6100] =	vst v20;
	v1 =	vsel vm0, v13, v17;
	v0 =	vsel vm1, v9, v0  }
0x18d: {  	v2 =	vsel vm0, v11, v16;
	v1 =	vsel vm1, v46, v1;
	[tilespmem:s23+$0x3080] =	vst v0  }
0x18e: {  	v26 =	vsel vm0, v10, v12;
	v2 =	vsel vm1, v6, v2;
	[tilespmem:s23+$0x6080] =	vst v1  }
0x18f: {  	v27 =	vsel vm0, v14, v18;
	v0 =	vsel vm1, v28, v26;
	[tilespmem:s23+$0x5080] =	vst v2  }
0x190: {  	v1 =	vsel vm1, v8, v27;
	[tilespmem:s23+$0x4080] =	vst v0  }
0x191: {  	s0 =	sor.u32 $0x180, s0;
	[tilespmem:s23+$0x2080] =	vst v1  }
0x192: {  	v0 =	vld [tilespmem:s0+$0x80];
	_ =	sdelay $0x4  }
0x193: {  	vm10 =	veq.s32 v0, $0x1  }
0x194: {  	vm2 =	veq.s32 v0, $0x0;
	v29 =	vsel vm10, v14, v18  }
0x195: {  	v0 =	vsel vm2, v8, v29  }
0x196: {  	[tilespmem:s0+$0x2080] =	vst v0  }
0x197: {  	v33 =	vld [tilespmem:s23+$0x300];
	_ =	sdelay $0x1  }
0x198: {  	v30 =	vsel vm10, v15, v19;
	v32 =	vld [tilespmem:s23+$0x280]  }
0x199: {  	v31 =	vsel vm10, v10, v12;
	v1 =	vsel vm2, v9, v30  }
0x19a: {  	v34 =	vsel vm10, v11, v16;
	v0 =	vsel vm2, v28, v31;
	[tilespmem:s23+$0x3200] =	vst v1;
	v3 =	vld [tilespmem:s23+$0x380]  }
0x19b: {  	v35 =	vsel vm10, v13, v17;
	v2 =	vsel vm2, v6, v34;
	[tilespmem:s23+$0x4200] =	vst v0;
	vm11 =	veq.s32 v33, $0x1  }
0x19c: {  	[tilespmem:s23+$0x5200] =	vst v2;
	v2 =	vsel vm2, v46, v35;
	vm12 =	veq.s32 v33, $0x0;
	v36 =	vsel vm11, v14, v18  }
0x19d: {  	[tilespmem:s23+$0x6200] =	vst v2;
	vm13 =	veq.s32 v32, $0x1;
	v37 =	vsel vm11, v10, v12;
	v0 =	vsel vm12, v8, v36  }
0x19e: {  	vm3 =	veq.s32 v32, $0x0;
	v4 =	vsel vm11, v13, v17;
	v38 =	vsel vm12, v28, v37;
	[tilespmem:s23+$0x2300] =	vst v0  }
0x19f: {  	vm4 =	veq.s32 v3, $0x1;
	v40 =	vsel vm13, v11, v16;
	v39 =	vsel vm12, v46, v4;
	[tilespmem:s23+$0x4300] =	vst v38  }
0x1a0: {  	vm5 =	veq.s32 v3, $0x0;
	v42 =	vsel vm4, v11, v16;
	v2 =	vsel vm3, v6, v40;
	[tilespmem:s23+$0x6300] =	vst v39  }
0x1a1: {  	v45 =	vsel vm4, v15, v19;
	v44 =	vsel vm5, v6, v42;
	[tilespmem:s23+$0x5280] =	vst v2  }
0x1a2: {  	v48 =	vsel vm13, v13, v17;
	v47 =	vsel vm5, v9, v45;
	[tilespmem:s23+$0x5380] =	vst v44  }
0x1a3: {  	v49 =	vsel vm11, v11, v16;
	v1 =	vsel vm3, v46, v48;
	[tilespmem:s23+$0x3380] =	vst v47  }
0x1a4: {  	v53 =	vsel vm4, v10, v12;
	v51 =	vsel vm12, v6, v49;
	[tilespmem:s23+$0x6280] =	vst v1  }
0x1a5: {  	v56 =	vsel vm11, v15, v19;
	v54 =	vsel vm5, v28, v53;
	[tilespmem:s23+$0x5300] =	vst v51  }
0x1a6: {  	v41 =	vsel vm13, v14, v18;
	v57 =	vsel vm12, v9, v56;
	[tilespmem:s23+$0x4380] =	vst v54  }
0x1a7: {  	v43 =	vsel vm13, v15, v19;
	v0 =	vsel vm3, v8, v41;
	[tilespmem:s23+$0x3300] =	vst v57  }
0x1a8: {  	v55 =	vsel vm4, v14, v18;
	v2 =	vsel vm3, v9, v43;
	[tilespmem:s23+$0x2280] =	vst v0  }
0x1a9: {  	v50 =	vsel vm4, v13, v17;
	v1 =	vsel vm5, v8, v55;
	[tilespmem:s23+$0x3280] =	vst v2  }
0x1aa: {  	v52 =	vsel vm13, v10, v12;
	v0 =	vsel vm5, v46, v50;
	[tilespmem:s23+$0x2380] =	vst v1  }
0x1ab: {  	v2 =	vsel vm3, v28, v52;
	[tilespmem:s23+$0x6380] =	vst v0  }
0x1ac: {  	s30 =	sor.u32 $0x380, s24;
	[tilespmem:s23+$0x4280] =	vst v2  }
0x1ad: {  	v0 =	vld [tilespmem:s30+$0x80];
	_ =	sdelay $0x4  }
0x1ae: {  	vm14 =	veq.s32 v0, $0x1  }
0x1af: {  	vm15 =	veq.s32 v0, $0x0;
	v58 =	vsel vm14, v14, v18  }
0x1b0: {  	v59 =	vsel vm14, v15, v19;
	v0 =	vsel vm15, v8, v58  }
0x1b1: {  	v60 =	vsel vm14, v13, v17;
	v1 =	vsel vm15, v9, v59;
	[tilespmem:s30+$0x2080] =	vst v0  }
0x1b2: {  	v61 =	vsel vm14, v11, v16;
	v0 =	vsel vm15, v46, v60;
	[tilespmem:s23+$0x3400] =	vst v1  }
0x1b3: {  	v62 =	vsel vm14, v10, v12;
	v2 =	vsel vm15, v6, v61;
	[tilespmem:s23+$0x6400] =	vst v0  }
0x1b4: {  	v63 =	vsel vm15, v28, v62;
	[tilespmem:s23+$0x5400] =	vst v2  }
0x1b5: {  	s31 =	rddreg [dreg:$0x6];
	s22 =	sadd.s32 $0x1, s22;
	[tilespmem:s23+$0x4400] =	vst v63  }
0x1b6: {  	[hbm4b:s31+s15] =	stream.strided.scatter [tilespmem:s17], [sflag:$0x3], $0x5000, s16, s15, $0x38;
	[tilespmem:$0xC080] =	vst v63  }
0x1b7: {  	p0 =	sne.s32 s22, s10;
	_ =	swait.ge [sflag:s21], $0x5000  }
.Ltmp4:
0x1b8: {  	[sflag:s21] =	ssyncset.done $0x0;
	(pc) =	sbr.rel @p0 .LBB2_1-.Ltmp4, $4  }
0x1b9: {  	[sflag:s21] =	ssyncadd.s32 $0xFFFFB000  }
0x1ba: {  	_ =	swait.ge [sflag:s20], $0x5000  }
0x1bb: {  	[sflag:s20] =	ssyncset.done $0x0  }
0x1bc: {  	[sflag:s20] =	ssyncadd.s32 $0xFFFFB000  }
0x1bd: {  	_ =	sfence.sel $0x180000  }
0x1be: {  	[bflag:$0x0] =	sbarrier.arrive $0xFFFF  }
0x1bf: {  	_ =	strace $0x90000047  }
0x1c0: {  	s0 =	stileid.u32;
	[bflag:$0x2] =	sbarrier.arrive $0xFFFF  }
0x1c1: {  	p0 =	sne.s32 s0, $0x0;
	s0 =	rddreg [dreg:$0x3]  }
0x1c2: {  	s0 =	sadd.s32 @!p0 $0x100000, s0  }
0x1c3: {  	[sflag:s0] =	ssyncadd.tile.s32 @!p0 $0x1;
	_ =	shalt  }
.Lfunc_end2:
_tile_overlayer_lowered:
.L_overlay_start_2:
0x1c4: {  	(tag) =	ssettag $0x2  }
0x1c5: {  	s0 =	rddreg [dreg:$0x0];
	s2 =	stileid.u32  }
0x1c6: {  	s1 =	rddreg [dreg:$0x1];
	p0 =	sne.s32 s2, $0x0  }
0x1c7: {  	s3 =	rddreg [dreg:$0x2];
	[bflag:$0x3] =	sbarrier.arrive $0xFFFF;
	s2 =	simm.s32 @!p0 $0x1C05  }
0x1c8: {  	[timem:s3], [sflag:s2] =	dma.local @!p0 [hbm:s0], s1  }
0x1c9: {  	s0 =	simm.s32 @!p0 $0x5  }
0x1ca: {  	_ =	swait.ge @!p0 [sflag:s0], s1  }
0x1cb: {  	s1 =	ssub.s32 @!p0 $0x0, s1;
	[sflag:s0] =	ssyncset.done @!p0 $0x0  }
0x1cc: {  	[sflag:s0] =	ssyncadd.s32 @!p0 s1  }
0x1cd: {  	[bflag:$0x3] =	sbarrier.arrive $0xFFFF  }
0x1ce: {  	_ =	shalt  }

</sc_bundles>
